<compile_context>
chip_gen: v7x
topology: tpu7x:2x2x1
jax: 0.10.2.dev20260603
libtpu: 0.0.44.dev20260713+nightly
codegen_flags: <defaults>
</compile_context>

<pallas_src>
import functools

import jax
import jax.numpy as jnp
from jax import lax
from jax.experimental import pallas as pl
from jax.experimental.pallas import tpu as pltpu
from jax.experimental.pallas import tpu_sc as plsc

N = 10000
C = 128
E = 320000

NUM_SC = 2
NUM_TILES = 16
LANES = 16
NW = NUM_SC * NUM_TILES
EPW = E // NW
CH = 128
NBUF = 2
NFULL = EPW // CH
NGROUP = NFULL // NBUF
TAIL = EPW - NFULL * CH
NP = 10240
RPT = NP // NUM_TILES

BM = 1000
GRID = N // BM



def _z_body(x_ref, p_ref, o_ref):
    p = p_ref[...]
    rows2 = lax.broadcasted_iota(jnp.int32, (C, C), 0)
    cols2 = lax.broadcasted_iota(jnp.int32, (C, C), 1)
    diag_p = jnp.where(rows2 == cols2, jnp.broadcast_to(p, (C, C)), 0.0)
    p_alt = jnp.dot(diag_p, jnp.ones((C, C), jnp.float32),
                    preferred_element_type=jnp.float32)
    x32r = x_ref[...].astype(jnp.bfloat16).astype(jnp.float32)
    pr32 = p_alt.astype(jnp.bfloat16).astype(jnp.float32)
    z_mat = jnp.dot(x32r, pr32, preferred_element_type=jnp.float32)
    o_ref[...] = jnp.max(z_mat, axis=1).reshape(80, 125)


def _tc_z(x, p2, interpret=False):
    return pl.pallas_call(
        _z_body,
        out_shape=jax.ShapeDtypeStruct((80, 125), jnp.float32),
        interpret=interpret,
    )(x, p2)


def _prep_body(score_in_ref, x_ref, w0_ref, wih_ref, whh_ref, bih_ref,
               bhh_ref, w_ref, score_ref, xt_ref, vals_ref, perm_ref):
    score_ref[...] = score_in_ref[...]

    rows = lax.broadcasted_iota(jnp.int32, (80, 125), 0)
    cols = lax.broadcasted_iota(jnp.int32, (80, 125), 1)
    lin = rows * 125 + cols

    def tk_body(k, _):
        a = score_ref[...]
        m = jnp.max(a)
        pos = jnp.min(jnp.where(a == m, lin, jnp.int32(2 ** 30)))
        vals_ref[k] = m
        perm_ref[k] = pos
        score_ref[...] = jnp.where(lin == pos, -2.0, a)
        return 0

    lax.fori_loop(0, C, tk_body, 0)

    def gather_body(k, _):
        i = perm_ref[k]
        xt_ref[pl.ds(k, 1), :] = x_ref[pl.ds(i, 1), :] * vals_ref[k]
        return 0

    lax.fori_loop(0, C, gather_body, 0)

    xt = xt_ref[...]
    w0 = w0_ref[...]
    dn = (((1,), (1,)), ((), ()))
    gi = lax.dot_general(xt.astype(jnp.bfloat16),
                         wih_ref[...].astype(jnp.bfloat16), dn,
                         preferred_element_type=jnp.float32) + bih_ref[...]
    gh = lax.dot_general(w0.astype(jnp.bfloat16),
                         whh_ref[...].astype(jnp.bfloat16), dn,
                         preferred_element_type=jnp.float32) + bhh_ref[...]
    r = jax.nn.sigmoid(gi[:, :C] + gh[:, :C])
    z = jax.nn.sigmoid(gi[:, C:2 * C] + gh[:, C:2 * C])
    n_g = jnp.tanh(gi[:, 2 * C:] + r * gh[:, 2 * C:])
    w_ref[...] = (1.0 - z) * n_g + z * w0


def _tc_prep(score2d, x, w0, wih, whh, bih2, bhh2, interpret=False):
    return pl.pallas_call(
        _prep_body,
        out_shape=jax.ShapeDtypeStruct((C, C), jnp.float32),
        scratch_shapes=[
            pltpu.VMEM((80, 125), jnp.float32),
            pltpu.VMEM((C, C), jnp.float32),
            pltpu.SMEM((C,), jnp.float32),
            pltpu.SMEM((C,), jnp.int32),
        ],
        interpret=interpret,
    )(score2d, x, w0, wih, whh, bih2, bhh2)


_BMD = 1024


def _dis_body(cnt_ref, o_ref):
    o_ref[...] = lax.rsqrt(cnt_ref[0] + cnt_ref[1] + 1.0)


def _tc_dis(cnt, interpret=False):
    return pl.pallas_call(
        _dis_body,
        out_shape=jax.ShapeDtypeStruct((NP, C), jnp.float32),
        grid=(NP // _BMD,),
        in_specs=[pl.BlockSpec((NUM_SC, _BMD, C), lambda i: (0, i, 0))],
        out_specs=pl.BlockSpec((_BMD, C), lambda i: (i, 0)),
        interpret=interpret,
    )(cnt)


def _mm_scale_body(x_ref, w_ref, dis_ref, o_ref):
    o_ref[...] = jnp.dot(x_ref[...].astype(jnp.bfloat16),
                         w_ref[...].astype(jnp.bfloat16),
                         preferred_element_type=jnp.float32) * dis_ref[...]


def _tc_mm_scale(x, w, dis, interpret=False):
    return pl.pallas_call(
        _mm_scale_body,
        out_shape=jax.ShapeDtypeStruct((N, C), jnp.float32),
        grid=(GRID,),
        in_specs=[
            pl.BlockSpec((BM, C), lambda i: (i, 0)),
            pl.BlockSpec((C, C), lambda i: (0, 0)),
            pl.BlockSpec((BM, C), lambda i: (i, 0)),
        ],
        out_specs=pl.BlockSpec((BM, C), lambda i: (i, 0)),
        interpret=interpret,
    )(x, w, dis)


def _mid_body(acc_ref, y_ref, dis_ref, cw_ref, o_ref):
    dis = dis_ref[...]
    h = dis * (acc_ref[0] + acc_ref[1] + y_ref[...])
    o_ref[...] = jnp.dot(jnp.maximum(h, 0.0).astype(jnp.bfloat16),
                         cw_ref[...].astype(jnp.bfloat16),
                         preferred_element_type=jnp.float32) * dis


def _tc_mid(acc, y, dis, conv_w, interpret=False):
    return pl.pallas_call(
        _mid_body,
        out_shape=jax.ShapeDtypeStruct((N, C), jnp.float32),
        grid=(GRID,),
        in_specs=[
            pl.BlockSpec((NUM_SC, BM, C), lambda i: (0, i, 0)),
            pl.BlockSpec((BM, C), lambda i: (i, 0)),
            pl.BlockSpec((BM, C), lambda i: (i, 0)),
            pl.BlockSpec((C, C), lambda i: (0, 0)),
        ],
        out_specs=pl.BlockSpec((BM, C), lambda i: (i, 0)),
        interpret=interpret,
    )(acc, y, dis, conv_w)


def _fin_body(acc_ref, y_ref, dis_ref, cb_ref, o_ref):
    o_ref[...] = dis_ref[...] * (acc_ref[0] + acc_ref[1] + y_ref[...]) \
        + cb_ref[...]


def _tc_fin(acc, y, dis, cb2, interpret=False):
    return pl.pallas_call(
        _fin_body,
        out_shape=jax.ShapeDtypeStruct((N, C), jnp.float32),
        grid=(GRID,),
        in_specs=[
            pl.BlockSpec((NUM_SC, BM, C), lambda i: (0, i, 0)),
            pl.BlockSpec((BM, C), lambda i: (i, 0)),
            pl.BlockSpec((BM, C), lambda i: (i, 0)),
            pl.BlockSpec((1, C), lambda i: (0, 0)),
        ],
        out_specs=pl.BlockSpec((BM, C), lambda i: (i, 0)),
        interpret=interpret,
    )(acc, y, dis, cb2)



def _sc_mesh():
    return plsc.VectorSubcoreMesh(core_axis_name="c", subcore_axis_name="s",
                                  num_cores=NUM_SC, num_subcores=NUM_TILES)


def _histc_body(dst_hbm, cnt_out, didx, tidx, ones_v, acc_sh, sem):
    c = lax.axis_index("c")
    s = lax.axis_index("s")
    wid = c * NUM_TILES + s

    zeros16 = jnp.zeros((LANES,), jnp.float32)
    ones16 = jnp.ones((LANES,), jnp.float32)

    def zfill_body(i, _):
        for j in range(C // LANES):
            ones_v[i, pl.ds(j * LANES, LANES)] = zeros16
        return 0

    lax.fori_loop(0, CH, zfill_body, 0)

    base = s * RPT
    for k in range(RPT // CH):
        pltpu.sync_copy(ones_v, acc_sh.at[pl.ds(base + k * CH, CH)])
    plsc.subcore_barrier()

    def ofill_body(i, _):
        for j in range(C // LANES):
            ones_v[i, pl.ds(j * LANES, LANES)] = ones16
        return 0

    lax.fori_loop(0, CH, ofill_body, 0)

    ebase = wid * EPW

    def chunk_body(t, _):
        pltpu.sync_copy(dst_hbm.at[pl.ds(ebase + t * CH, CH)], didx.at[0])
        pltpu.sync_copy(ones_v, acc_sh.at[didx.at[0]], add=True)
        return 0

    lax.fori_loop(0, NFULL, chunk_body, 0)

    pltpu.sync_copy(dst_hbm.at[pl.ds(ebase + NFULL * CH, TAIL)], tidx.at[0])
    pltpu.sync_copy(ones_v.at[pl.ds(0, TAIL)], acc_sh.at[tidx.at[0]],
                    add=True)

    plsc.subcore_barrier()
    pltpu.sync_copy(acc_sh.at[pl.ds(base, RPT)],
                    cnt_out.at[c].at[pl.ds(base, RPT)])


def _sc_histc(dst, interpret=False):
    return pl.kernel(
        _histc_body,
        out_type=jax.ShapeDtypeStruct((NUM_SC, NP, C), jnp.float32),
        mesh=_sc_mesh(),
        scratch_types=[
            pltpu.VMEM((1, CH), jnp.int32),
            pltpu.VMEM((1, TAIL), jnp.int32),
            pltpu.VMEM((CH, C), jnp.float32),
            pltpu.VMEM_SHARED((NP, C), jnp.float32),
            pltpu.SemaphoreType.DMA,
        ],
        interpret=interpret,
    )(dst)


def _scatter_kernel_body(y_hbm, src_hbm, dst_hbm, acc_out,
                         sidx, didx, tsidx, tdidx, rows, acc_sh, gsem):
    c = lax.axis_index("c")
    s = lax.axis_index("s")
    wid = c * NUM_TILES + s

    zeros16 = jnp.zeros((LANES,), jnp.float32)

    def zfill_body(i, _):
        for j in range(C // LANES):
            rows[0, i, pl.ds(j * LANES, LANES)] = zeros16
        return 0

    lax.fori_loop(0, CH, zfill_body, 0)

    base = s * RPT
    for k in range(RPT // CH):
        pltpu.sync_copy(rows.at[0], acc_sh.at[pl.ds(base + k * CH, CH)])
    plsc.subcore_barrier()

    ebase = wid * EPW

    def group_body(g, _):
        t0 = g * NBUF
        descs = []
        for b in range(NBUF):
            off = ebase + (t0 + b) * CH
            pltpu.sync_copy(src_hbm.at[pl.ds(off, CH)], sidx.at[b])
            pltpu.sync_copy(dst_hbm.at[pl.ds(off, CH)], didx.at[b])
            descs.append(pltpu.async_copy(y_hbm.at[sidx.at[b]], rows.at[b],
                                          gsem))
        for b in range(NBUF):
            descs[b].wait()
            pltpu.sync_copy(rows.at[b], acc_sh.at[didx.at[b]], add=True)
        return 0

    lax.fori_loop(0, NGROUP, group_body, 0)

    toff = ebase + NFULL * CH
    pltpu.sync_copy(src_hbm.at[pl.ds(toff, TAIL)], tsidx.at[0])
    pltpu.sync_copy(dst_hbm.at[pl.ds(toff, TAIL)], tdidx.at[0])
    pltpu.async_copy(y_hbm.at[tsidx.at[0]], rows.at[0].at[pl.ds(0, TAIL)],
                     gsem).wait()
    pltpu.sync_copy(rows.at[0].at[pl.ds(0, TAIL)], acc_sh.at[tdidx.at[0]],
                    add=True)

    plsc.subcore_barrier()
    pltpu.sync_copy(acc_sh.at[pl.ds(base, RPT)],
                    acc_out.at[c].at[pl.ds(base, RPT)])


def _sc_scatter(y, src, dst, interpret=False):
    return pl.kernel(
        _scatter_kernel_body,
        out_type=jax.ShapeDtypeStruct((NUM_SC, NP, C), jnp.float32),
        mesh=_sc_mesh(),
        scratch_types=[
            pltpu.VMEM((NBUF, CH), jnp.int32),
            pltpu.VMEM((NBUF, CH), jnp.int32),
            pltpu.VMEM((1, TAIL), jnp.int32),
            pltpu.VMEM((1, TAIL), jnp.int32),
            pltpu.VMEM((NBUF, CH, C), jnp.float32),
            pltpu.VMEM_SHARED((NP, C), jnp.float32),
            pltpu.SemaphoreType.DMA,
        ],
        interpret=interpret,
    )(y, src, dst)



def kernel(x, edge_index, p, W0, W_ih, W_hh, b_ih, b_hh, conv_w, conv_b):
    src = edge_index[0].astype(jnp.int32)
    dst = edge_index[1].astype(jnp.int32)
    p2 = p.reshape(1, C)
    bih2 = b_ih.reshape(1, 3 * C)
    bhh2 = b_hh.reshape(1, 3 * C)
    cb2 = conv_b.reshape(1, C)

    cnt = _sc_histc(dst)
    dis = _tc_dis(cnt)
    z2d = _tc_z(x, p2)
    score2d = jnp.tanh(z2d / jnp.linalg.norm(p))
    w_evolved = _tc_prep(score2d, x, W0, W_ih, W_hh, bih2, bhh2)
    y = _tc_mm_scale(x, w_evolved, dis)
    acc = _sc_scatter(y, src, dst)
    y2 = _tc_mid(acc, y, dis, conv_w)
    acc2 = _sc_scatter(y2, src, dst)
    out = _tc_fin(acc2, y2, dis, cb2)
    return out

# --- scband reference (transcript-rebuilt; emitter-appended) ---
"""Pipeline reference for scband-evolve-gcn-h-encoder-81673098100753 (READ-ONLY COPY).

The authoritative reference and input builder live on the scoring server;
editing this copy changes nothing except your own understanding.
"""

import jax, jax.numpy as jnp
import numpy as np

N = 10000
C = 128
E = 320000


def _gcn_propagate(xw, src, dst, n):
    # GCNConv normalization with self-loops, fixed weight already applied to xw
    loop = jnp.arange(n, dtype=src.dtype)
    si = jnp.concatenate([src, loop])
    di = jnp.concatenate([dst, loop])
    w = jnp.ones((si.shape[0],), dtype=xw.dtype)
    deg = jax.ops.segment_sum(w, di, num_segments=n)
    dis = jnp.where(deg > 0, jax.lax.rsqrt(jnp.maximum(deg, 1e-12)), 0.0)
    norm = dis[si] * w * dis[di]
    return jax.ops.segment_sum(xw[si] * norm[:, None], di, num_segments=n)


def setup_inputs(seed: int = 0):
    key = jax.random.key(seed)
    ks = jax.random.split(key, 10)
    bound = float(1.0 / np.sqrt(C))
    x = jax.random.normal(ks[0], (N, C), dtype=jnp.float32)
    edge_index = jax.random.randint(ks[1], (2, E), 0, N)
    # TopKPooling projection vector
    p = jax.random.uniform(ks[2], (C,), minval=-bound, maxval=bound, dtype=jnp.float32)
    # EvolveGCNH initial GCN weight (the GRU hidden state)
    W0 = jax.random.uniform(ks[3], (C, C), minval=-bound, maxval=bound, dtype=jnp.float32)
    # GRU params (PyTorch layout: [r|z|n] stacked)
    W_ih = jax.random.uniform(ks[4], (3 * C, C), minval=-bound, maxval=bound, dtype=jnp.float32)
    W_hh = jax.random.uniform(ks[5], (3 * C, C), minval=-bound, maxval=bound, dtype=jnp.float32)
    b_ih = jax.random.uniform(ks[6], (3 * C,), minval=-bound, maxval=bound, dtype=jnp.float32)
    b_hh = jax.random.uniform(ks[7], (3 * C,), minval=-bound, maxval=bound, dtype=jnp.float32)
    # Outer GCNConv(in_channels, in_channels)
    conv_w = jax.random.uniform(ks[8], (C, C), minval=-bound, maxval=bound, dtype=jnp.float32)
    conv_b = jax.random.uniform(ks[9], (C,), minval=-bound, maxval=bound, dtype=jnp.float32)
    return {"x": x, "edge_index": edge_index, "p": p, "W0": W0, "W_ih": W_ih,
            "W_hh": W_hh, "b_ih": b_ih, "b_hh": b_hh, "conv_w": conv_w, "conv_b": conv_b}


def reference(x, edge_index, p, W0, W_ih, W_hh, b_ih, b_hh, conv_w, conv_b):
    src = edge_index[0]
    dst = edge_index[1]
    # --- EvolveGCNH ---
    # TopKPooling: ratio = C / N -> k = C selected nodes
    score = jnp.tanh((x @ p) / jnp.linalg.norm(p))
    vals, perm = jax.lax.top_k(score, C)
    x_tilde = x[perm] * vals[:, None]          # (C, C)
    # GRU step: input x_tilde (batch=C, in=C), hidden W0 (C, C)
    gi = x_tilde @ W_ih.T + b_ih
    gh = W0 @ W_hh.T + b_hh
    i_r, i_z, i_n = jnp.split(gi, 3, axis=1)
    h_r, h_z, h_n = jnp.split(gh, 3, axis=1)
    r = jax.nn.sigmoid(i_r + h_r)
    z = jax.nn.sigmoid(i_z + h_z)
    n_g = jnp.tanh(i_n + r * h_n)
    W = (1.0 - z) * n_g + z * W0               # evolved GCN weight (C, C)
    # GCNConv with fixed (evolved) weight
    h = _gcn_propagate(x @ W, src, dst, N)
    # --- ReLU + second GCNConv ---
    h = jax.nn.relu(h)
    out = _gcn_propagate(h @ conv_w, src, dst, N) + conv_b
    return out

if __name__ == "__main__":
    import jax
    _d = setup_inputs()
    print(jax.jit(kernel)(*tuple(_d.values())))

</pallas_src>

<mosaic_0001>
#map = affine_map<(d0, d1) -> (0, 0)>
#map1 = affine_map<(d0, d1) -> (0)>
#map2 = affine_map<(d0, d1) -> (0, 0, 0)>
module attributes {stable_mosaic.version = 14 : i64} {
  func.func @_scatter_kernel_body(%arg0: i32, %arg1: i32, %arg2: memref<10000x128xf32, #tpu.memory_space<hbm>>, %arg3: memref<320000xi32, #tpu.memory_space<hbm>>, %arg4: memref<320000xi32, #tpu.memory_space<hbm>>, %arg5: memref<2x10240x128xf32, #tpu.memory_space<hbm>>, %arg6: memref<2x128xi32, #tpu.memory_space<vmem>>, %arg7: memref<2x128xi32, #tpu.memory_space<vmem>>, %arg8: memref<1x16xi32, #tpu.memory_space<vmem>>, %arg9: memref<1x16xi32, #tpu.memory_space<vmem>>, %arg10: memref<2x128x128xf32, #tpu.memory_space<vmem>>, %arg11: memref<10240x128xf32, #tpu.memory_space<vmem_shared>>, %arg12: memref<!tpu.dma_semaphore, #tpu.memory_space<semaphore_mem>>) attributes {dimension_semantics = [#tpu.dimension_semantics<core_parallel>, #tpu.dimension_semantics<subcore_parallel>], iteration_bounds = array<i64: 2, 16>, scalar_prefetch = 0 : i64, scratch_operands = 7 : i64, tpu.core_type = #tpu.core_type<sc_vector_subcore>, window_params = [{transform_indices = #map}, {transform_indices = #map1}, {transform_indices = #map1}, {transform_indices = #map2}]} {
    %mul3A = arith.constant 16 : i32
    %mul3A_0 = arith.muli %arg0, %mul3A : i32
    %add3A = arith.addi %mul3A_0, %arg1 : i32
    %broadcast_in_dim3A = arith.constant 0.000000e+00 : f32
    %broadcast_in_dim3A_1 = vector.broadcast %broadcast_in_dim3A : f32 to vector<16xf32>
    %scan3A = arith.constant 0 : i32
    %scan3A_2 = arith.constant 0 : i32
    %scan3A_3 = arith.constant 128 : i32
    %scan3A_4 = arith.addi %scan3A_2, %scan3A_3 : i32
    %scan3A_5 = arith.constant 1 : i32
    %scan3A_6 = scf.for %scan3A_68 = %scan3A_2 to %scan3A_4 step %scan3A_5 iter_args(%scan3A_69 = %scan3A) -> (i32)  : i32 {
      %swap3A = arith.constant 0 : i32
      %swap3A_70 = arith.index_cast %swap3A : i32 to index
      %swap3A_71 = arith.index_cast %scan3A_68 : i32 to index
      %swap3A_72 = arith.constant 0 : index
      %swap3A_73 = tpu.vector_load %arg10[%swap3A_70, %swap3A_71, %swap3A_72] {strides = array<i32>} : memref<2x128x128xf32, #tpu.memory_space<vmem>>, vector<1x1x16xf32>,
      %swap3A_74 = vector.shape_cast %swap3A_73 : vector<1x1x16xf32> to vector<16xf32>
      %swap3A_75 = vector.shape_cast %broadcast_in_dim3A_1 : vector<16xf32> to vector<1x1x16xf32>
      tpu.vector_store %arg10[%swap3A_70, %swap3A_71, %swap3A_72], %swap3A_75 {strides = array<i32>} : memref<2x128x128xf32, #tpu.memory_space<vmem>>, vector<1x1x16xf32>,
      %swap3A_76 = arith.constant 0 : i32
      %swap3A_77 = arith.index_cast %swap3A_76 : i32 to index
      %swap3A_78 = arith.index_cast %scan3A_68 : i32 to index
      %swap3A_79 = arith.constant 16 : index
      %swap3A_80 = tpu.vector_load %arg10[%swap3A_77, %swap3A_78, %swap3A_79] {strides = array<i32>} : memref<2x128x128xf32, #tpu.memory_space<vmem>>, vector<1x1x16xf32>,
      %swap3A_81 = vector.shape_cast %swap3A_80 : vector<1x1x16xf32> to vector<16xf32>
      %swap3A_82 = vector.shape_cast %broadcast_in_dim3A_1 : vector<16xf32> to vector<1x1x16xf32>
      tpu.vector_store %arg10[%swap3A_77, %swap3A_78, %swap3A_79], %swap3A_82 {strides = array<i32>} : memref<2x128x128xf32, #tpu.memory_space<vmem>>, vector<1x1x16xf32>,
      %swap3A_83 = arith.constant 0 : i32
      %swap3A_84 = arith.index_cast %swap3A_83 : i32 to index
      %swap3A_85 = arith.index_cast %scan3A_68 : i32 to index
      %swap3A_86 = arith.constant 32 : index
      %swap3A_87 = tpu.vector_load %arg10[%swap3A_84, %swap3A_85, %swap3A_86] {strides = array<i32>} : memref<2x128x128xf32, #tpu.memory_space<vmem>>, vector<1x1x16xf32>,
      %swap3A_88 = vector.shape_cast %swap3A_87 : vector<1x1x16xf32> to vector<16xf32>
      %swap3A_89 = vector.shape_cast %broadcast_in_dim3A_1 : vector<16xf32> to vector<1x1x16xf32>
      tpu.vector_store %arg10[%swap3A_84, %swap3A_85, %swap3A_86], %swap3A_89 {strides = array<i32>} : memref<2x128x128xf32, #tpu.memory_space<vmem>>, vector<1x1x16xf32>,
      %swap3A_90 = arith.constant 0 : i32
      %swap3A_91 = arith.index_cast %swap3A_90 : i32 to index
      %swap3A_92 = arith.index_cast %scan3A_68 : i32 to index
      %swap3A_93 = arith.constant 48 : index
      %swap3A_94 = tpu.vector_load %arg10[%swap3A_91, %swap3A_92, %swap3A_93] {strides = array<i32>} : memref<2x128x128xf32, #tpu.memory_space<vmem>>, vector<1x1x16xf32>,
      %swap3A_95 = vector.shape_cast %swap3A_94 : vector<1x1x16xf32> to vector<16xf32>
      %swap3A_96 = vector.shape_cast %broadcast_in_dim3A_1 : vector<16xf32> to vector<1x1x16xf32>
      tpu.vector_store %arg10[%swap3A_91, %swap3A_92, %swap3A_93], %swap3A_96 {strides = array<i32>} : memref<2x128x128xf32, #tpu.memory_space<vmem>>, vector<1x1x16xf32>,
      %swap3A_97 = arith.constant 0 : i32
      %swap3A_98 = arith.index_cast %swap3A_97 : i32 to index
      %swap3A_99 = arith.index_cast %scan3A_68 : i32 to index
      %swap3A_100 = arith.constant 64 : index
      %swap3A_101 = tpu.vector_load %arg10[%swap3A_98, %swap3A_99, %swap3A_100] {strides = array<i32>} : memref<2x128x128xf32, #tpu.memory_space<vmem>>, vector<1x1x16xf32>,
      %swap3A_102 = vector.shape_cast %swap3A_101 : vector<1x1x16xf32> to vector<16xf32>
      %swap3A_103 = vector.shape_cast %broadcast_in_dim3A_1 : vector<16xf32> to vector<1x1x16xf32>
      tpu.vector_store %arg10[%swap3A_98, %swap3A_99, %swap3A_100], %swap3A_103 {strides = array<i32>} : memref<2x128x128xf32, #tpu.memory_space<vmem>>, vector<1x1x16xf32>,
      %swap3A_104 = arith.constant 0 : i32
      %swap3A_105 = arith.index_cast %swap3A_104 : i32 to index
      %swap3A_106 = arith.index_cast %scan3A_68 : i32 to index
      %swap3A_107 = arith.constant 80 : index
      %swap3A_108 = tpu.vector_load %arg10[%swap3A_105, %swap3A_106, %swap3A_107] {strides = array<i32>} : memref<2x128x128xf32, #tpu.memory_space<vmem>>, vector<1x1x16xf32>,
      %swap3A_109 = vector.shape_cast %swap3A_108 : vector<1x1x16xf32> to vector<16xf32>
      %swap3A_110 = vector.shape_cast %broadcast_in_dim3A_1 : vector<16xf32> to vector<1x1x16xf32>
      tpu.vector_store %arg10[%swap3A_105, %swap3A_106, %swap3A_107], %swap3A_110 {strides = array<i32>} : memref<2x128x128xf32, #tpu.memory_space<vmem>>, vector<1x1x16xf32>,
      %swap3A_111 = arith.constant 0 : i32
      %swap3A_112 = arith.index_cast %swap3A_111 : i32 to index
      %swap3A_113 = arith.index_cast %scan3A_68 : i32 to index
      %swap3A_114 = arith.constant 96 : index
      %swap3A_115 = tpu.vector_load %arg10[%swap3A_112, %swap3A_113, %swap3A_114] {strides = array<i32>} : memref<2x128x128xf32, #tpu.memory_space<vmem>>, vector<1x1x16xf32>,
      %swap3A_116 = vector.shape_cast %swap3A_115 : vector<1x1x16xf32> to vector<16xf32>
      %swap3A_117 = vector.shape_cast %broadcast_in_dim3A_1 : vector<16xf32> to vector<1x1x16xf32>
      tpu.vector_store %arg10[%swap3A_112, %swap3A_113, %swap3A_114], %swap3A_117 {strides = array<i32>} : memref<2x128x128xf32, #tpu.memory_space<vmem>>, vector<1x1x16xf32>,
      %swap3A_118 = arith.constant 0 : i32
      %swap3A_119 = arith.index_cast %swap3A_118 : i32 to index
      %swap3A_120 = arith.index_cast %scan3A_68 : i32 to index
      %swap3A_121 = arith.constant 112 : index
      %swap3A_122 = tpu.vector_load %arg10[%swap3A_119, %swap3A_120, %swap3A_121] {strides = array<i32>} : memref<2x128x128xf32, #tpu.memory_space<vmem>>, vector<1x1x16xf32>,
      %swap3A_123 = vector.shape_cast %swap3A_122 : vector<1x1x16xf32> to vector<16xf32>
      %swap3A_124 = vector.shape_cast %broadcast_in_dim3A_1 : vector<16xf32> to vector<1x1x16xf32>
      tpu.vector_store %arg10[%swap3A_119, %swap3A_120, %swap3A_121], %swap3A_124 {strides = array<i32>} : memref<2x128x128xf32, #tpu.memory_space<vmem>>, vector<1x1x16xf32>,
      %scan3A_125 = arith.constant 0 : i32
      scf.yield %scan3A_125 : i32
    }
    %scan3A_7 = arith.constant 128 : i32
    %mul3A_8 = arith.constant 640 : i32
    %mul3A_9 = arith.muli %arg1, %mul3A_8 : i32
    %add3A_10 = arith.constant 0 : i32
    %add3A_11 = arith.addi %mul3A_9, %add3A_10 : i32
    %run_scoped3A = arith.constant 0 : i32
    "tpu.region"() ({
      %run_scoped3A_68 = tpu.sem_alloc : memref<!tpu.dma_semaphore, #tpu.memory_space<semaphore_mem>>
      %dma_start3A_69 = arith.constant 0 : i32
      %dma_start3A_70 = arith.constant 0 : i32
      %dma_start3A_71 = tpu.memref_slice %arg10[%run_scoped3A, %dma_start3A_69, %dma_start3A_70] : memref<2x128x128xf32, #tpu.memory_space<vmem>> -> memref<1x128x128xf32, #tpu.memory_space<vmem>>
      %dma_start3A_72 = tpu.memref_squeeze %dma_start3A_71 : memref<1x128x128xf32, #tpu.memory_space<vmem>> -> memref<128x128xf32, #tpu.memory_space<vmem>>
      %dma_start3A_73 = arith.constant 0 : i32
      %dma_start3A_74 = tpu.memref_slice %arg11[%add3A_11, %dma_start3A_73] : memref<10240x128xf32, #tpu.memory_space<vmem_shared>> -> memref<128x128xf32, #tpu.memory_space<vmem_shared>>
      %dma_start3A_75 = arith.constant 0 : i32
      %dma_start3A_76 = tpu.memref_slice %arg11[%add3A_11, %dma_start3A_75] : memref<10240x128xf32, #tpu.memory_space<vmem_shared>> -> memref<128x128xf32, #tpu.memory_space<vmem_shared>>
      %dma_start3A_77 = arith.constant 0 : i32
      %dma_start3A_78 = arith.constant 0 : i32
      %dma_start3A_79 = tpu.memref_slice %arg10[%run_scoped3A, %dma_start3A_77, %dma_start3A_78] : memref<2x128x128xf32, #tpu.memory_space<vmem>> -> memref<1x128x128xf32, #tpu.memory_space<vmem>>
      %dma_start3A_80 = tpu.memref_squeeze %dma_start3A_79 : memref<1x128x128xf32, #tpu.memory_space<vmem>> -> memref<128x128xf32, #tpu.memory_space<vmem>>
      tpu.enqueue_dma source(%dma_start3A_80 : memref<128x128xf32, #tpu.memory_space<vmem>>) target(%dma_start3A_76 : memref<128x128xf32, #tpu.memory_space<vmem_shared>>) target_semaphore(%run_scoped3A_68 : memref<!tpu.dma_semaphore, #tpu.memory_space<semaphore_mem>>)
      %dma_wait3A_81 = arith.constant 0 : i32
      %dma_wait3A_82 = arith.constant 0 : i32
      %dma_wait3A_83 = tpu.memref_slice %arg10[%run_scoped3A, %dma_wait3A_81, %dma_wait3A_82] : memref<2x128x128xf32, #tpu.memory_space<vmem>> -> memref<1x128x128xf32, #tpu.memory_space<vmem>>
      %dma_wait3A_84 = tpu.memref_squeeze %dma_wait3A_83 : memref<1x128x128xf32, #tpu.memory_space<vmem>> -> memref<128x128xf32, #tpu.memory_space<vmem>>
      %dma_wait3A_85 = arith.constant 0 : i32
      %dma_wait3A_86 = tpu.memref_slice %arg11[%add3A_11, %dma_wait3A_85] : memref<10240x128xf32, #tpu.memory_space<vmem_shared>> -> memref<128x128xf32, #tpu.memory_space<vmem_shared>>
      %dma_wait3A_87 = arith.constant 0 : i32
      %dma_wait3A_88 = tpu.memref_slice %arg11[%add3A_11, %dma_wait3A_87] : memref<10240x128xf32, #tpu.memory_space<vmem_shared>> -> memref<128x128xf32, #tpu.memory_space<vmem_shared>>
      %dma_wait3A_89 = arith.constant 0 : i32
      %dma_wait3A_90 = arith.constant 0 : i32
      %dma_wait3A_91 = tpu.memref_slice %arg10[%run_scoped3A, %dma_wait3A_89, %dma_wait3A_90] : memref<2x128x128xf32, #tpu.memory_space<vmem>> -> memref<1x128x128xf32, #tpu.memory_space<vmem>>
      %dma_wait3A_92 = tpu.memref_squeeze %dma_wait3A_91 : memref<1x128x128xf32, #tpu.memory_space<vmem>> -> memref<128x128xf32, #tpu.memory_space<vmem>>
      tpu.wait_dma2 semaphore(%run_scoped3A_68 : memref<!tpu.dma_semaphore, #tpu.memory_space<semaphore_mem>>) src(%dma_wait3A_92 : memref<128x128xf32, #tpu.memory_space<vmem>>) dst(%dma_wait3A_88 : memref<128x128xf32, #tpu.memory_space<vmem_shared>>)
      tpu.yield
    }) : () -> ()
    %add3A_12 = arith.constant 128 : i32
    %add3A_13 = arith.addi %mul3A_9, %add3A_12 : i32
    %run_scoped3A_14 = arith.constant 0 : i32
    "tpu.region"() ({
      %run_scoped3A_68 = tpu.sem_alloc : memref<!tpu.dma_semaphore, #tpu.memory_space<semaphore_mem>>
      %dma_start3A_69 = arith.constant 0 : i32
      %dma_start3A_70 = arith.constant 0 : i32
      %dma_start3A_71 = tpu.memref_slice %arg10[%run_scoped3A_14, %dma_start3A_69, %dma_start3A_70] : memref<2x128x128xf32, #tpu.memory_space<vmem>> -> memref<1x128x128xf32, #tpu.memory_space<vmem>>
      %dma_start3A_72 = tpu.memref_squeeze %dma_start3A_71 : memref<1x128x128xf32, #tpu.memory_space<vmem>> -> memref<128x128xf32, #tpu.memory_space<vmem>>
      %dma_start3A_73 = arith.constant 0 : i32
      %dma_start3A_74 = tpu.memref_slice %arg11[%add3A_13, %dma_start3A_73] : memref<10240x128xf32, #tpu.memory_space<vmem_shared>> -> memref<128x128xf32, #tpu.memory_space<vmem_shared>>
      %dma_start3A_75 = arith.constant 0 : i32
      %dma_start3A_76 = tpu.memref_slice %arg11[%add3A_13, %dma_start3A_75] : memref<10240x128xf32, #tpu.memory_space<vmem_shared>> -> memref<128x128xf32, #tpu.memory_space<vmem_shared>>
      %dma_start3A_77 = arith.constant 0 : i32
      %dma_start3A_78 = arith.constant 0 : i32
      %dma_start3A_79 = tpu.memref_slice %arg10[%run_scoped3A_14, %dma_start3A_77, %dma_start3A_78] : memref<2x128x128xf32, #tpu.memory_space<vmem>> -> memref<1x128x128xf32, #tpu.memory_space<vmem>>
      %dma_start3A_80 = tpu.memref_squeeze %dma_start3A_79 : memref<1x128x128xf32, #tpu.memory_space<vmem>> -> memref<128x128xf32, #tpu.memory_space<vmem>>
      tpu.enqueue_dma source(%dma_start3A_80 : memref<128x128xf32, #tpu.memory_space<vmem>>) target(%dma_start3A_76 : memref<128x128xf32, #tpu.memory_space<vmem_shared>>) target_semaphore(%run_scoped3A_68 : memref<!tpu.dma_semaphore, #tpu.memory_space<semaphore_mem>>)
      %dma_wait3A_81 = arith.constant 0 : i32
      %dma_wait3A_82 = arith.constant 0 : i32
      %dma_wait3A_83 = tpu.memref_slice %arg10[%run_scoped3A_14, %dma_wait3A_81, %dma_wait3A_82] : memref<2x128x128xf32, #tpu.memory_space<vmem>> -> memref<1x128x128xf32, #tpu.memory_space<vmem>>
      %dma_wait3A_84 = tpu.memref_squeeze %dma_wait3A_83 : memref<1x128x128xf32, #tpu.memory_space<vmem>> -> memref<128x128xf32, #tpu.memory_space<vmem>>
      %dma_wait3A_85 = arith.constant 0 : i32
      %dma_wait3A_86 = tpu.memref_slice %arg11[%add3A_13, %dma_wait3A_85] : memref<10240x128xf32, #tpu.memory_space<vmem_shared>> -> memref<128x128xf32, #tpu.memory_space<vmem_shared>>
      %dma_wait3A_87 = arith.constant 0 : i32
      %dma_wait3A_88 = tpu.memref_slice %arg11[%add3A_13, %dma_wait3A_87] : memref<10240x128xf32, #tpu.memory_space<vmem_shared>> -> memref<128x128xf32, #tpu.memory_space<vmem_shared>>
      %dma_wait3A_89 = arith.constant 0 : i32
      %dma_wait3A_90 = arith.constant 0 : i32
      %dma_wait3A_91 = tpu.memref_slice %arg10[%run_scoped3A_14, %dma_wait3A_89, %dma_wait3A_90] : memref<2x128x128xf32, #tpu.memory_space<vmem>> -> memref<1x128x128xf32, #tpu.memory_space<vmem>>
      %dma_wait3A_92 = tpu.memref_squeeze %dma_wait3A_91 : memref<1x128x128xf32, #tpu.memory_space<vmem>> -> memref<128x128xf32, #tpu.memory_space<vmem>>
      tpu.wait_dma2 semaphore(%run_scoped3A_68 : memref<!tpu.dma_semaphore, #tpu.memory_space<semaphore_mem>>) src(%dma_wait3A_92 : memref<128x128xf32, #tpu.memory_space<vmem>>) dst(%dma_wait3A_88 : memref<128x128xf32, #tpu.memory_space<vmem_shared>>)
      tpu.yield
    }) : () -> ()
    %add3A_15 = arith.constant 256 : i32
    %add3A_16 = arith.addi %mul3A_9, %add3A_15 : i32
    %run_scoped3A_17 = arith.constant 0 : i32
    "tpu.region"() ({
      %run_scoped3A_68 = tpu.sem_alloc : memref<!tpu.dma_semaphore, #tpu.memory_space<semaphore_mem>>
      %dma_start3A_69 = arith.constant 0 : i32
      %dma_start3A_70 = arith.constant 0 : i32
      %dma_start3A_71 = tpu.memref_slice %arg10[%run_scoped3A_17, %dma_start3A_69, %dma_start3A_70] : memref<2x128x128xf32, #tpu.memory_space<vmem>> -> memref<1x128x128xf32, #tpu.memory_space<vmem>>
      %dma_start3A_72 = tpu.memref_squeeze %dma_start3A_71 : memref<1x128x128xf32, #tpu.memory_space<vmem>> -> memref<128x128xf32, #tpu.memory_space<vmem>>
      %dma_start3A_73 = arith.constant 0 : i32
      %dma_start3A_74 = tpu.memref_slice %arg11[%add3A_16, %dma_start3A_73] : memref<10240x128xf32, #tpu.memory_space<vmem_shared>> -> memref<128x128xf32, #tpu.memory_space<vmem_shared>>
      %dma_start3A_75 = arith.constant 0 : i32
      %dma_start3A_76 = tpu.memref_slice %arg11[%add3A_16, %dma_start3A_75] : memref<10240x128xf32, #tpu.memory_space<vmem_shared>> -> memref<128x128xf32, #tpu.memory_space<vmem_shared>>
      %dma_start3A_77 = arith.constant 0 : i32
      %dma_start3A_78 = arith.constant 0 : i32
      %dma_start3A_79 = tpu.memref_slice %arg10[%run_scoped3A_17, %dma_start3A_77, %dma_start3A_78] : memref<2x128x128xf32, #tpu.memory_space<vmem>> -> memref<1x128x128xf32, #tpu.memory_space<vmem>>
      %dma_start3A_80 = tpu.memref_squeeze %dma_start3A_79 : memref<1x128x128xf32, #tpu.memory_space<vmem>> -> memref<128x128xf32, #tpu.memory_space<vmem>>
      tpu.enqueue_dma source(%dma_start3A_80 : memref<128x128xf32, #tpu.memory_space<vmem>>) target(%dma_start3A_76 : memref<128x128xf32, #tpu.memory_space<vmem_shared>>) target_semaphore(%run_scoped3A_68 : memref<!tpu.dma_semaphore, #tpu.memory_space<semaphore_mem>>)
      %dma_wait3A_81 = arith.constant 0 : i32
      %dma_wait3A_82 = arith.constant 0 : i32
      %dma_wait3A_83 = tpu.memref_slice %arg10[%run_scoped3A_17, %dma_wait3A_81, %dma_wait3A_82] : memref<2x128x128xf32, #tpu.memory_space<vmem>> -> memref<1x128x128xf32, #tpu.memory_space<vmem>>
      %dma_wait3A_84 = tpu.memref_squeeze %dma_wait3A_83 : memref<1x128x128xf32, #tpu.memory_space<vmem>> -> memref<128x128xf32, #tpu.memory_space<vmem>>
      %dma_wait3A_85 = arith.constant 0 : i32
      %dma_wait3A_86 = tpu.memref_slice %arg11[%add3A_16, %dma_wait3A_85] : memref<10240x128xf32, #tpu.memory_space<vmem_shared>> -> memref<128x128xf32, #tpu.memory_space<vmem_shared>>
      %dma_wait3A_87 = arith.constant 0 : i32
      %dma_wait3A_88 = tpu.memref_slice %arg11[%add3A_16, %dma_wait3A_87] : memref<10240x128xf32, #tpu.memory_space<vmem_shared>> -> memref<128x128xf32, #tpu.memory_space<vmem_shared>>
      %dma_wait3A_89 = arith.constant 0 : i32
      %dma_wait3A_90 = arith.constant 0 : i32
      %dma_wait3A_91 = tpu.memref_slice %arg10[%run_scoped3A_17, %dma_wait3A_89, %dma_wait3A_90] : memref<2x128x128xf32, #tpu.memory_space<vmem>> -> memref<1x128x128xf32, #tpu.memory_space<vmem>>
      %dma_wait3A_92 = tpu.memref_squeeze %dma_wait3A_91 : memref<1x128x128xf32, #tpu.memory_space<vmem>> -> memref<128x128xf32, #tpu.memory_space<vmem>>
      tpu.wait_dma2 semaphore(%run_scoped3A_68 : memref<!tpu.dma_semaphore, #tpu.memory_space<semaphore_mem>>) src(%dma_wait3A_92 : memref<128x128xf32, #tpu.memory_space<vmem>>) dst(%dma_wait3A_88 : memref<128x128xf32, #tpu.memory_space<vmem_shared>>)
      tpu.yield
    }) : () -> ()
    %add3A_18 = arith.constant 384 : i32
    %add3A_19 = arith.addi %mul3A_9, %add3A_18 : i32
    %run_scoped3A_20 = arith.constant 0 : i32
    "tpu.region"() ({
      %run_scoped3A_68 = tpu.sem_alloc : memref<!tpu.dma_semaphore, #tpu.memory_space<semaphore_mem>>
      %dma_start3A_69 = arith.constant 0 : i32
      %dma_start3A_70 = arith.constant 0 : i32
      %dma_start3A_71 = tpu.memref_slice %arg10[%run_scoped3A_20, %dma_start3A_69, %dma_start3A_70] : memref<2x128x128xf32, #tpu.memory_space<vmem>> -> memref<1x128x128xf32, #tpu.memory_space<vmem>>
      %dma_start3A_72 = tpu.memref_squeeze %dma_start3A_71 : memref<1x128x128xf32, #tpu.memory_space<vmem>> -> memref<128x128xf32, #tpu.memory_space<vmem>>
      %dma_start3A_73 = arith.constant 0 : i32
      %dma_start3A_74 = tpu.memref_slice %arg11[%add3A_19, %dma_start3A_73] : memref<10240x128xf32, #tpu.memory_space<vmem_shared>> -> memref<128x128xf32, #tpu.memory_space<vmem_shared>>
      %dma_start3A_75 = arith.constant 0 : i32
      %dma_start3A_76 = tpu.memref_slice %arg11[%add3A_19, %dma_start3A_75] : memref<10240x128xf32, #tpu.memory_space<vmem_shared>> -> memref<128x128xf32, #tpu.memory_space<vmem_shared>>
      %dma_start3A_77 = arith.constant 0 : i32
      %dma_start3A_78 = arith.constant 0 : i32
      %dma_start3A_79 = tpu.memref_slice %arg10[%run_scoped3A_20, %dma_start3A_77, %dma_start3A_78] : memref<2x128x128xf32, #tpu.memory_space<vmem>> -> memref<1x128x128xf32, #tpu.memory_space<vmem>>
      %dma_start3A_80 = tpu.memref_squeeze %dma_start3A_79 : memref<1x128x128xf32, #tpu.memory_space<vmem>> -> memref<128x128xf32, #tpu.memory_space<vmem>>
      tpu.enqueue_dma source(%dma_start3A_80 : memref<128x128xf32, #tpu.memory_space<vmem>>) target(%dma_start3A_76 : memref<128x128xf32, #tpu.memory_space<vmem_shared>>) target_semaphore(%run_scoped3A_68 : memref<!tpu.dma_semaphore, #tpu.memory_space<semaphore_mem>>)
      %dma_wait3A_81 = arith.constant 0 : i32
      %dma_wait3A_82 = arith.constant 0 : i32
      %dma_wait3A_83 = tpu.memref_slice %arg10[%run_scoped3A_20, %dma_wait3A_81, %dma_wait3A_82] : memref<2x128x128xf32, #tpu.memory_space<vmem>> -> memref<1x128x128xf32, #tpu.memory_space<vmem>>
      %dma_wait3A_84 = tpu.memref_squeeze %dma_wait3A_83 : memref<1x128x128xf32, #tpu.memory_space<vmem>> -> memref<128x128xf32, #tpu.memory_space<vmem>>
      %dma_wait3A_85 = arith.constant 0 : i32
      %dma_wait3A_86 = tpu.memref_slice %arg11[%add3A_19, %dma_wait3A_85] : memref<10240x128xf32, #tpu.memory_space<vmem_shared>> -> memref<128x128xf32, #tpu.memory_space<vmem_shared>>
      %dma_wait3A_87 = arith.constant 0 : i32
      %dma_wait3A_88 = tpu.memref_slice %arg11[%add3A_19, %dma_wait3A_87] : memref<10240x128xf32, #tpu.memory_space<vmem_shared>> -> memref<128x128xf32, #tpu.memory_space<vmem_shared>>
      %dma_wait3A_89 = arith.constant 0 : i32
      %dma_wait3A_90 = arith.constant 0 : i32
      %dma_wait3A_91 = tpu.memref_slice %arg10[%run_scoped3A_20, %dma_wait3A_89, %dma_wait3A_90] : memref<2x128x128xf32, #tpu.memory_space<vmem>> -> memref<1x128x128xf32, #tpu.memory_space<vmem>>
      %dma_wait3A_92 = tpu.memref_squeeze %dma_wait3A_91 : memref<1x128x128xf32, #tpu.memory_space<vmem>> -> memref<128x128xf32, #tpu.memory_space<vmem>>
      tpu.wait_dma2 semaphore(%run_scoped3A_68 : memref<!tpu.dma_semaphore, #tpu.memory_space<semaphore_mem>>) src(%dma_wait3A_92 : memref<128x128xf32, #tpu.memory_space<vmem>>) dst(%dma_wait3A_88 : memref<128x128xf32, #tpu.memory_space<vmem_shared>>)
      tpu.yield
    }) : () -> ()
    %add3A_21 = arith.constant 512 : i32
    %add3A_22 = arith.addi %mul3A_9, %add3A_21 : i32
    %run_scoped3A_23 = arith.constant 0 : i32
    "tpu.region"() ({
      %run_scoped3A_68 = tpu.sem_alloc : memref<!tpu.dma_semaphore, #tpu.memory_space<semaphore_mem>>
      %dma_start3A_69 = arith.constant 0 : i32
      %dma_start3A_70 = arith.constant 0 : i32
      %dma_start3A_71 = tpu.memref_slice %arg10[%run_scoped3A_23, %dma_start3A_69, %dma_start3A_70] : memref<2x128x128xf32, #tpu.memory_space<vmem>> -> memref<1x128x128xf32, #tpu.memory_space<vmem>>
      %dma_start3A_72 = tpu.memref_squeeze %dma_start3A_71 : memref<1x128x128xf32, #tpu.memory_space<vmem>> -> memref<128x128xf32, #tpu.memory_space<vmem>>
      %dma_start3A_73 = arith.constant 0 : i32
      %dma_start3A_74 = tpu.memref_slice %arg11[%add3A_22, %dma_start3A_73] : memref<10240x128xf32, #tpu.memory_space<vmem_shared>> -> memref<128x128xf32, #tpu.memory_space<vmem_shared>>
      %dma_start3A_75 = arith.constant 0 : i32
      %dma_start3A_76 = tpu.memref_slice %arg11[%add3A_22, %dma_start3A_75] : memref<10240x128xf32, #tpu.memory_space<vmem_shared>> -> memref<128x128xf32, #tpu.memory_space<vmem_shared>>
      %dma_start3A_77 = arith.constant 0 : i32
      %dma_start3A_78 = arith.constant 0 : i32
      %dma_start3A_79 = tpu.memref_slice %arg10[%run_scoped3A_23, %dma_start3A_77, %dma_start3A_78] : memref<2x128x128xf32, #tpu.memory_space<vmem>> -> memref<1x128x128xf32, #tpu.memory_space<vmem>>
      %dma_start3A_80 = tpu.memref_squeeze %dma_start3A_79 : memref<1x128x128xf32, #tpu.memory_space<vmem>> -> memref<128x128xf32, #tpu.memory_space<vmem>>
      tpu.enqueue_dma source(%dma_start3A_80 : memref<128x128xf32, #tpu.memory_space<vmem>>) target(%dma_start3A_76 : memref<128x128xf32, #tpu.memory_space<vmem_shared>>) target_semaphore(%run_scoped3A_68 : memref<!tpu.dma_semaphore, #tpu.memory_space<semaphore_mem>>)
      %dma_wait3A_81 = arith.constant 0 : i32
      %dma_wait3A_82 = arith.constant 0 : i32
      %dma_wait3A_83 = tpu.memref_slice %arg10[%run_scoped3A_23, %dma_wait3A_81, %dma_wait3A_82] : memref<2x128x128xf32, #tpu.memory_space<vmem>> -> memref<1x128x128xf32, #tpu.memory_space<vmem>>
      %dma_wait3A_84 = tpu.memref_squeeze %dma_wait3A_83 : memref<1x128x128xf32, #tpu.memory_space<vmem>> -> memref<128x128xf32, #tpu.memory_space<vmem>>
      %dma_wait3A_85 = arith.constant 0 : i32
      %dma_wait3A_86 = tpu.memref_slice %arg11[%add3A_22, %dma_wait3A_85] : memref<10240x128xf32, #tpu.memory_space<vmem_shared>> -> memref<128x128xf32, #tpu.memory_space<vmem_shared>>
      %dma_wait3A_87 = arith.constant 0 : i32
      %dma_wait3A_88 = tpu.memref_slice %arg11[%add3A_22, %dma_wait3A_87] : memref<10240x128xf32, #tpu.memory_space<vmem_shared>> -> memref<128x128xf32, #tpu.memory_space<vmem_shared>>
      %dma_wait3A_89 = arith.constant 0 : i32
      %dma_wait3A_90 = arith.constant 0 : i32
      %dma_wait3A_91 = tpu.memref_slice %arg10[%run_scoped3A_23, %dma_wait3A_89, %dma_wait3A_90] : memref<2x128x128xf32, #tpu.memory_space<vmem>> -> memref<1x128x128xf32, #tpu.memory_space<vmem>>
      %dma_wait3A_92 = tpu.memref_squeeze %dma_wait3A_91 : memref<1x128x128xf32, #tpu.memory_space<vmem>> -> memref<128x128xf32, #tpu.memory_space<vmem>>
      tpu.wait_dma2 semaphore(%run_scoped3A_68 : memref<!tpu.dma_semaphore, #tpu.memory_space<semaphore_mem>>) src(%dma_wait3A_92 : memref<128x128xf32, #tpu.memory_space<vmem>>) dst(%dma_wait3A_88 : memref<128x128xf32, #tpu.memory_space<vmem_shared>>)
      tpu.yield
    }) : () -> ()
    %barrier3A = arith.constant 0 : index
    tpu.barrier barrier_id(%barrier3A)
    %mul3A_24 = arith.constant 10000 : i32
    %mul3A_25 = arith.muli %add3A, %mul3A_24 : i32
    %scan3A_26 = arith.constant 0 : i32
    %scan3A_27 = arith.constant 0 : i32
    %scan3A_28 = arith.constant 39 : i32
    %scan3A_29 = arith.addi %scan3A_27, %scan3A_28 : i32
    %scan3A_30 = arith.constant 1 : i32
    %scan3A_31 = scf.for %scan3A_68 = %scan3A_27 to %scan3A_29 step %scan3A_30 iter_args(%scan3A_69 = %scan3A_26) -> (i32)  : i32 {
      %mul3A_70 = arith.constant 2 : i32
      %mul3A_71 = arith.muli %scan3A_68, %mul3A_70 : i32
      %add3A_72 = arith.constant 0 : i32
      %add3A_73 = arith.addi %mul3A_71, %add3A_72 : i32
      %mul3A_74 = arith.constant 128 : i32
      %mul3A_75 = arith.muli %add3A_73, %mul3A_74 : i32
      %add3A_76 = arith.addi %mul3A_25, %mul3A_75 : i32
      %run_scoped3A_77 = arith.constant 0 : i32
      "tpu.region"() ({
        %run_scoped3A_139 = tpu.sem_alloc : memref<!tpu.dma_semaphore, #tpu.memory_space<semaphore_mem>>
        %dma_start3A_140 = arith.constant 0 : i32
        %dma_start3A_141 = tpu.memref_slice %arg6[%run_scoped3A_77, %dma_start3A_140] : memref<2x128xi32, #tpu.memory_space<vmem>> -> memref<1x128xi32, #tpu.memory_space<vmem>>
        %dma_start3A_142 = tpu.memref_squeeze %dma_start3A_141 : memref<1x128xi32, #tpu.memory_space<vmem>> -> memref<128xi32, #tpu.memory_space<vmem>>
        %dma_start3A_143 = tpu.memref_slice %arg3[%add3A_76] : memref<320000xi32, #tpu.memory_space<hbm>> -> memref<128xi32, #tpu.memory_space<hbm>>
        %dma_start3A_144 = arith.constant 0 : i32
        %dma_start3A_145 = tpu.memref_slice %arg6[%run_scoped3A_77, %dma_start3A_144] : memref<2x128xi32, #tpu.memory_space<vmem>> -> memref<1x128xi32, #tpu.memory_space<vmem>>
        %dma_start3A_146 = tpu.memref_squeeze %dma_start3A_145 : memref<1x128xi32, #tpu.memory_space<vmem>> -> memref<128xi32, #tpu.memory_space<vmem>>
        %dma_start3A_147 = tpu.memref_slice %arg3[%add3A_76] : memref<320000xi32, #tpu.memory_space<hbm>> -> memref<128xi32, #tpu.memory_space<hbm>>
        tpu.enqueue_dma source(%dma_start3A_147 : memref<128xi32, #tpu.memory_space<hbm>>) target(%dma_start3A_146 : memref<128xi32, #tpu.memory_space<vmem>>) target_semaphore(%run_scoped3A_139 : memref<!tpu.dma_semaphore, #tpu.memory_space<semaphore_mem>>)
        %dma_wait3A_148 = arith.constant 0 : i32
        %dma_wait3A_149 = tpu.memref_slice %arg6[%run_scoped3A_77, %dma_wait3A_148] : memref<2x128xi32, #tpu.memory_space<vmem>> -> memref<1x128xi32, #tpu.memory_space<vmem>>
        %dma_wait3A_150 = tpu.memref_squeeze %dma_wait3A_149 : memref<1x128xi32, #tpu.memory_space<vmem>> -> memref<128xi32, #tpu.memory_space<vmem>>
        %dma_wait3A_151 = tpu.memref_slice %arg3[%add3A_76] : memref<320000xi32, #tpu.memory_space<hbm>> -> memref<128xi32, #tpu.memory_space<hbm>>
        %dma_wait3A_152 = arith.constant 0 : i32
        %dma_wait3A_153 = tpu.memref_slice %arg6[%run_scoped3A_77, %dma_wait3A_152] : memref<2x128xi32, #tpu.memory_space<vmem>> -> memref<1x128xi32, #tpu.memory_space<vmem>>
        %dma_wait3A_154 = tpu.memref_squeeze %dma_wait3A_153 : memref<1x128xi32, #tpu.memory_space<vmem>> -> memref<128xi32, #tpu.memory_space<vmem>>
        %dma_wait3A_155 = tpu.memref_slice %arg3[%add3A_76] : memref<320000xi32, #tpu.memory_space<hbm>> -> memref<128xi32, #tpu.memory_space<hbm>>
        tpu.wait_dma2 semaphore(%run_scoped3A_139 : memref<!tpu.dma_semaphore, #tpu.memory_space<semaphore_mem>>) src(%dma_wait3A_155 : memref<128xi32, #tpu.memory_space<hbm>>) dst(%dma_wait3A_154 : memref<128xi32, #tpu.memory_space<vmem>>)
        tpu.yield
      }) : () -> ()
      %run_scoped3A_78 = arith.constant 0 : i32
      "tpu.region"() ({
        %run_scoped3A_139 = tpu.sem_alloc : memref<!tpu.dma_semaphore, #tpu.memory_space<semaphore_mem>>
        %dma_start3A_140 = arith.constant 0 : i32
        %dma_start3A_141 = tpu.memref_slice %arg7[%run_scoped3A_78, %dma_start3A_140] : memref<2x128xi32, #tpu.memory_space<vmem>> -> memref<1x128xi32, #tpu.memory_space<vmem>>
        %dma_start3A_142 = tpu.memref_squeeze %dma_start3A_141 : memref<1x128xi32, #tpu.memory_space<vmem>> -> memref<128xi32, #tpu.memory_space<vmem>>
        %dma_start3A_143 = tpu.memref_slice %arg4[%add3A_76] : memref<320000xi32, #tpu.memory_space<hbm>> -> memref<128xi32, #tpu.memory_space<hbm>>
        %dma_start3A_144 = arith.constant 0 : i32
        %dma_start3A_145 = tpu.memref_slice %arg7[%run_scoped3A_78, %dma_start3A_144] : memref<2x128xi32, #tpu.memory_space<vmem>> -> memref<1x128xi32, #tpu.memory_space<vmem>>
        %dma_start3A_146 = tpu.memref_squeeze %dma_start3A_145 : memref<1x128xi32, #tpu.memory_space<vmem>> -> memref<128xi32, #tpu.memory_space<vmem>>
        %dma_start3A_147 = tpu.memref_slice %arg4[%add3A_76] : memref<320000xi32, #tpu.memory_space<hbm>> -> memref<128xi32, #tpu.memory_space<hbm>>
        tpu.enqueue_dma source(%dma_start3A_147 : memref<128xi32, #tpu.memory_space<hbm>>) target(%dma_start3A_146 : memref<128xi32, #tpu.memory_space<vmem>>) target_semaphore(%run_scoped3A_139 : memref<!tpu.dma_semaphore, #tpu.memory_space<semaphore_mem>>)
        %dma_wait3A_148 = arith.constant 0 : i32
        %dma_wait3A_149 = tpu.memref_slice %arg7[%run_scoped3A_78, %dma_wait3A_148] : memref<2x128xi32, #tpu.memory_space<vmem>> -> memref<1x128xi32, #tpu.memory_space<vmem>>
        %dma_wait3A_150 = tpu.memref_squeeze %dma_wait3A_149 : memref<1x128xi32, #tpu.memory_space<vmem>> -> memref<128xi32, #tpu.memory_space<vmem>>
        %dma_wait3A_151 = tpu.memref_slice %arg4[%add3A_76] : memref<320000xi32, #tpu.memory_space<hbm>> -> memref<128xi32, #tpu.memory_space<hbm>>
        %dma_wait3A_152 = arith.constant 0 : i32
        %dma_wait3A_153 = tpu.memref_slice %arg7[%run_scoped3A_78, %dma_wait3A_152] : memref<2x128xi32, #tpu.memory_space<vmem>> -> memref<1x128xi32, #tpu.memory_space<vmem>>
        %dma_wait3A_154 = tpu.memref_squeeze %dma_wait3A_153 : memref<1x128xi32, #tpu.memory_space<vmem>> -> memref<128xi32, #tpu.memory_space<vmem>>
        %dma_wait3A_155 = tpu.memref_slice %arg4[%add3A_76] : memref<320000xi32, #tpu.memory_space<hbm>> -> memref<128xi32, #tpu.memory_space<hbm>>
        tpu.wait_dma2 semaphore(%run_scoped3A_139 : memref<!tpu.dma_semaphore, #tpu.memory_space<semaphore_mem>>) src(%dma_wait3A_155 : memref<128xi32, #tpu.memory_space<hbm>>) dst(%dma_wait3A_154 : memref<128xi32, #tpu.memory_space<vmem>>)
        tpu.yield
      }) : () -> ()
      %dma_start3A_79 = arith.constant 0 : i32
      %dma_start3A_80 = arith.constant 0 : i32
      %dma_start3A_81 = arith.constant 0 : i32
      %dma_start3A_82 = arith.constant 0 : i32
      %dma_start3A_83 = tpu.memref_slice %arg10[%dma_start3A_80, %dma_start3A_81, %dma_start3A_82] : memref<2x128x128xf32, #tpu.memory_space<vmem>> -> memref<1x128x128xf32, #tpu.memory_space<vmem>>
      %dma_start3A_84 = tpu.memref_squeeze %dma_start3A_83 : memref<1x128x128xf32, #tpu.memory_space<vmem>> -> memref<128x128xf32, #tpu.memory_space<vmem>>
      %dma_start3A_85 = arith.constant 0 : i32
      %dma_start3A_86 = tpu.memref_slice %arg6[%dma_start3A_79, %dma_start3A_85] : memref<2x128xi32, #tpu.memory_space<vmem>> -> memref<1x128xi32, #tpu.memory_space<vmem>>
      %dma_start3A_87 = tpu.memref_squeeze %dma_start3A_86 : memref<1x128xi32, #tpu.memory_space<vmem>> -> memref<128xi32, #tpu.memory_space<vmem>>
      %dma_start3A_88 = arith.constant 0 : i32
      %dma_start3A_89 = arith.constant 0 : i32
      %dma_start3A_90 = tpu.memref_slice %arg2[%dma_start3A_88, %dma_start3A_89] : memref<10000x128xf32, #tpu.memory_space<hbm>> -> memref<10000x128xf32, #tpu.memory_space<hbm>>
      tpu.enqueue_indirect_dma source(%dma_start3A_90 : memref<10000x128xf32, #tpu.memory_space<hbm>>) target(%dma_start3A_84 : memref<128x128xf32, #tpu.memory_space<vmem>>) offsets(%dma_start3A_87 : memref<128xi32, #tpu.memory_space<vmem>>) semaphore(%arg12 : memref<!tpu.dma_semaphore, #tpu.memory_space<semaphore_mem>>)
      %add3A_91 = arith.constant 1 : i32
      %add3A_92 = arith.addi %mul3A_71, %add3A_91 : i32
      %mul3A_93 = arith.constant 128 : i32
      %mul3A_94 = arith.muli %add3A_92, %mul3A_93 : i32
      %add3A_95 = arith.addi %mul3A_25, %mul3A_94 : i32
      %run_scoped3A_96 = arith.constant 1 : i32
      "tpu.region"() ({
        %run_scoped3A_139 = tpu.sem_alloc : memref<!tpu.dma_semaphore, #tpu.memory_space<semaphore_mem>>
        %dma_start3A_140 = arith.constant 0 : i32
        %dma_start3A_141 = tpu.memref_slice %arg6[%run_scoped3A_96, %dma_start3A_140] : memref<2x128xi32, #tpu.memory_space<vmem>> -> memref<1x128xi32, #tpu.memory_space<vmem>>
        %dma_start3A_142 = tpu.memref_squeeze %dma_start3A_141 : memref<1x128xi32, #tpu.memory_space<vmem>> -> memref<128xi32, #tpu.memory_space<vmem>>
        %dma_start3A_143 = tpu.memref_slice %arg3[%add3A_95] : memref<320000xi32, #tpu.memory_space<hbm>> -> memref<128xi32, #tpu.memory_space<hbm>>
        %dma_start3A_144 = arith.constant 0 : i32
        %dma_start3A_145 = tpu.memref_slice %arg6[%run_scoped3A_96, %dma_start3A_144] : memref<2x128xi32, #tpu.memory_space<vmem>> -> memref<1x128xi32, #tpu.memory_space<vmem>>
        %dma_start3A_146 = tpu.memref_squeeze %dma_start3A_145 : memref<1x128xi32, #tpu.memory_space<vmem>> -> memref<128xi32, #tpu.memory_space<vmem>>
        %dma_start3A_147 = tpu.memref_slice %arg3[%add3A_95] : memref<320000xi32, #tpu.memory_space<hbm>> -> memref<128xi32, #tpu.memory_space<hbm>>
        tpu.enqueue_dma source(%dma_start3A_147 : memref<128xi32, #tpu.memory_space<hbm>>) target(%dma_start3A_146 : memref<128xi32, #tpu.memory_space<vmem>>) target_semaphore(%run_scoped3A_139 : memref<!tpu.dma_semaphore, #tpu.memory_space<semaphore_mem>>)
        %dma_wait3A_148 = arith.constant 0 : i32
        %dma_wait3A_149 = tpu.memref_slice %arg6[%run_scoped3A_96, %dma_wait3A_148] : memref<2x128xi32, #tpu.memory_space<vmem>> -> memref<1x128xi32, #tpu.memory_space<vmem>>
        %dma_wait3A_150 = tpu.memref_squeeze %dma_wait3A_149 : memref<1x128xi32, #tpu.memory_space<vmem>> -> memref<128xi32, #tpu.memory_space<vmem>>
        %dma_wait3A_151 = tpu.memref_slice %arg3[%add3A_95] : memref<320000xi32, #tpu.memory_space<hbm>> -> memref<128xi32, #tpu.memory_space<hbm>>
        %dma_wait3A_152 = arith.constant 0 : i32
        %dma_wait3A_153 = tpu.memref_slice %arg6[%run_scoped3A_96, %dma_wait3A_152] : memref<2x128xi32, #tpu.memory_space<vmem>> -> memref<1x128xi32, #tpu.memory_space<vmem>>
        %dma_wait3A_154 = tpu.memref_squeeze %dma_wait3A_153 : memref<1x128xi32, #tpu.memory_space<vmem>> -> memref<128xi32, #tpu.memory_space<vmem>>
        %dma_wait3A_155 = tpu.memref_slice %arg3[%add3A_95] : memref<320000xi32, #tpu.memory_space<hbm>> -> memref<128xi32, #tpu.memory_space<hbm>>
        tpu.wait_dma2 semaphore(%run_scoped3A_139 : memref<!tpu.dma_semaphore, #tpu.memory_space<semaphore_mem>>) src(%dma_wait3A_155 : memref<128xi32, #tpu.memory_space<hbm>>) dst(%dma_wait3A_154 : memref<128xi32, #tpu.memory_space<vmem>>)
        tpu.yield
      }) : () -> ()
      %run_scoped3A_97 = arith.constant 1 : i32
      "tpu.region"() ({
        %run_scoped3A_139 = tpu.sem_alloc : memref<!tpu.dma_semaphore, #tpu.memory_space<semaphore_mem>>
        %dma_start3A_140 = arith.constant 0 : i32
        %dma_start3A_141 = tpu.memref_slice %arg7[%run_scoped3A_97, %dma_start3A_140] : memref<2x128xi32, #tpu.memory_space<vmem>> -> memref<1x128xi32, #tpu.memory_space<vmem>>
        %dma_start3A_142 = tpu.memref_squeeze %dma_start3A_141 : memref<1x128xi32, #tpu.memory_space<vmem>> -> memref<128xi32, #tpu.memory_space<vmem>>
        %dma_start3A_143 = tpu.memref_slice %arg4[%add3A_95] : memref<320000xi32, #tpu.memory_space<hbm>> -> memref<128xi32, #tpu.memory_space<hbm>>
        %dma_start3A_144 = arith.constant 0 : i32
        %dma_start3A_145 = tpu.memref_slice %arg7[%run_scoped3A_97, %dma_start3A_144] : memref<2x128xi32, #tpu.memory_space<vmem>> -> memref<1x128xi32, #tpu.memory_space<vmem>>
        %dma_start3A_146 = tpu.memref_squeeze %dma_start3A_145 : memref<1x128xi32, #tpu.memory_space<vmem>> -> memref<128xi32, #tpu.memory_space<vmem>>
        %dma_start3A_147 = tpu.memref_slice %arg4[%add3A_95] : memref<320000xi32, #tpu.memory_space<hbm>> -> memref<128xi32, #tpu.memory_space<hbm>>
        tpu.enqueue_dma source(%dma_start3A_147 : memref<128xi32, #tpu.memory_space<hbm>>) target(%dma_start3A_146 : memref<128xi32, #tpu.memory_space<vmem>>) target_semaphore(%run_scoped3A_139 : memref<!tpu.dma_semaphore, #tpu.memory_space<semaphore_mem>>)
        %dma_wait3A_148 = arith.constant 0 : i32
        %dma_wait3A_149 = tpu.memref_slice %arg7[%run_scoped3A_97, %dma_wait3A_148] : memref<2x128xi32, #tpu.memory_space<vmem>> -> memref<1x128xi32, #tpu.memory_space<vmem>>
        %dma_wait3A_150 = tpu.memref_squeeze %dma_wait3A_149 : memref<1x128xi32, #tpu.memory_space<vmem>> -> memref<128xi32, #tpu.memory_space<vmem>>
        %dma_wait3A_151 = tpu.memref_slice %arg4[%add3A_95] : memref<320000xi32, #tpu.memory_space<hbm>> -> memref<128xi32, #tpu.memory_space<hbm>>
        %dma_wait3A_152 = arith.constant 0 : i32
        %dma_wait3A_153 = tpu.memref_slice %arg7[%run_scoped3A_97, %dma_wait3A_152] : memref<2x128xi32, #tpu.memory_space<vmem>> -> memref<1x128xi32, #tpu.memory_space<vmem>>
        %dma_wait3A_154 = tpu.memref_squeeze %dma_wait3A_153 : memref<1x128xi32, #tpu.memory_space<vmem>> -> memref<128xi32, #tpu.memory_space<vmem>>
        %dma_wait3A_155 = tpu.memref_slice %arg4[%add3A_95] : memref<320000xi32, #tpu.memory_space<hbm>> -> memref<128xi32, #tpu.memory_space<hbm>>
        tpu.wait_dma2 semaphore(%run_scoped3A_139 : memref<!tpu.dma_semaphore, #tpu.memory_space<semaphore_mem>>) src(%dma_wait3A_155 : memref<128xi32, #tpu.memory_space<hbm>>) dst(%dma_wait3A_154 : memref<128xi32, #tpu.memory_space<vmem>>)
        tpu.yield
      }) : () -> ()
      %dma_start3A_98 = arith.constant 1 : i32
      %dma_start3A_99 = arith.constant 1 : i32
      %dma_start3A_100 = arith.constant 0 : i32
      %dma_start3A_101 = arith.constant 0 : i32
      %dma_start3A_102 = tpu.memref_slice %arg10[%dma_start3A_99, %dma_start3A_100, %dma_start3A_101] : memref<2x128x128xf32, #tpu.memory_space<vmem>> -> memref<1x128x128xf32, #tpu.memory_space<vmem>>
      %dma_start3A_103 = tpu.memref_squeeze %dma_start3A_102 : memref<1x128x128xf32, #tpu.memory_space<vmem>> -> memref<128x128xf32, #tpu.memory_space<vmem>>
      %dma_start3A_104 = arith.constant 0 : i32
      %dma_start3A_105 = tpu.memref_slice %arg6[%dma_start3A_98, %dma_start3A_104] : memref<2x128xi32, #tpu.memory_space<vmem>> -> memref<1x128xi32, #tpu.memory_space<vmem>>
      %dma_start3A_106 = tpu.memref_squeeze %dma_start3A_105 : memref<1x128xi32, #tpu.memory_space<vmem>> -> memref<128xi32, #tpu.memory_space<vmem>>
      %dma_start3A_107 = arith.constant 0 : i32
      %dma_start3A_108 = arith.constant 0 : i32
      %dma_start3A_109 = tpu.memref_slice %arg2[%dma_start3A_107, %dma_start3A_108] : memref<10000x128xf32, #tpu.memory_space<hbm>> -> memref<10000x128xf32, #tpu.memory_space<hbm>>
      tpu.enqueue_indirect_dma source(%dma_start3A_109 : memref<10000x128xf32, #tpu.memory_space<hbm>>) target(%dma_start3A_103 : memref<128x128xf32, #tpu.memory_space<vmem>>) offsets(%dma_start3A_106 : memref<128xi32, #tpu.memory_space<vmem>>) semaphore(%arg12 : memref<!tpu.dma_semaphore, #tpu.memory_space<semaphore_mem>>)
      %dma_wait3A_110 = arith.constant 0 : i32
      %dma_wait3A_111 = arith.constant 0 : i32
      %dma_wait3A_112 = arith.constant 0 : i32
      %dma_wait3A_113 = arith.constant 0 : i32
      %dma_wait3A_114 = tpu.memref_slice %arg10[%dma_wait3A_111, %dma_wait3A_112, %dma_wait3A_113] : memref<2x128x128xf32, #tpu.memory_space<vmem>> -> memref<1x128x128xf32, #tpu.memory_space<vmem>>
      %dma_wait3A_115 = tpu.memref_squeeze %dma_wait3A_114 : memref<1x128x128xf32, #tpu.memory_space<vmem>> -> memref<128x128xf32, #tpu.memory_space<vmem>>
      %dma_wait3A_116 = arith.constant 0 : i32
      %dma_wait3A_117 = tpu.memref_slice %arg6[%dma_wait3A_110, %dma_wait3A_116] : memref<2x128xi32, #tpu.memory_space<vmem>> -> memref<1x128xi32, #tpu.memory_space<vmem>>
      %dma_wait3A_118 = tpu.memref_squeeze %dma_wait3A_117 : memref<1x128xi32, #tpu.memory_space<vmem>> -> memref<128xi32, #tpu.memory_space<vmem>>
      %dma_wait3A_119 = arith.constant 0 : i32
      %dma_wait3A_120 = arith.constant 0 : i32
      %dma_wait3A_121 = tpu.memref_slice %arg2[%dma_wait3A_119, %dma_wait3A_120] : memref<10000x128xf32, #tpu.memory_space<hbm>> -> memref<10000x128xf32, #tpu.memory_space<hbm>>
      tpu.wait_indirect_dma semaphore(%arg12 : memref<!tpu.dma_semaphore, #tpu.memory_space<semaphore_mem>>) src(%dma_wait3A_121 : memref<10000x128xf32, #tpu.memory_space<hbm>>) dst(%dma_wait3A_115 : memref<128x128xf32, #tpu.memory_space<vmem>>)
      %run_scoped3A_122 = arith.constant 0 : i32
      %run_scoped3A_123 = arith.constant 0 : i32
      "tpu.region"() ({
        %run_scoped3A_139 = tpu.sem_alloc : memref<!tpu.dma_semaphore, #tpu.memory_space<semaphore_mem>>
        %dma_start3A_140 = arith.constant 0 : i32
        %dma_start3A_141 = arith.constant 0 : i32
        %dma_start3A_142 = tpu.memref_slice %arg10[%run_scoped3A_122, %dma_start3A_140, %dma_start3A_141] : memref<2x128x128xf32, #tpu.memory_space<vmem>> -> memref<1x128x128xf32, #tpu.memory_space<vmem>>
        %dma_start3A_143 = tpu.memref_squeeze %dma_start3A_142 : memref<1x128x128xf32, #tpu.memory_space<vmem>> -> memref<128x128xf32, #tpu.memory_space<vmem>>
        %dma_start3A_144 = arith.constant 0 : i32
        %dma_start3A_145 = tpu.memref_slice %arg7[%run_scoped3A_123, %dma_start3A_144] : memref<2x128xi32, #tpu.memory_space<vmem>> -> memref<1x128xi32, #tpu.memory_space<vmem>>
        %dma_start3A_146 = tpu.memref_squeeze %dma_start3A_145 : memref<1x128xi32, #tpu.memory_space<vmem>> -> memref<128xi32, #tpu.memory_space<vmem>>
        %dma_start3A_147 = arith.constant 0 : i32
        %dma_start3A_148 = arith.constant 0 : i32
        %dma_start3A_149 = tpu.memref_slice %arg11[%dma_start3A_147, %dma_start3A_148] : memref<10240x128xf32, #tpu.memory_space<vmem_shared>> -> memref<10240x128xf32, #tpu.memory_space<vmem_shared>>
        tpu.enqueue_indirect_dma source(%dma_start3A_143 : memref<128x128xf32, #tpu.memory_space<vmem>>) target(%dma_start3A_149 : memref<10240x128xf32, #tpu.memory_space<vmem_shared>>) offsets(%dma_start3A_146 : memref<128xi32, #tpu.memory_space<vmem>>) semaphore(%run_scoped3A_139 : memref<!tpu.dma_semaphore, #tpu.memory_space<semaphore_mem>>) {add = true}
        %dma_wait3A_150 = arith.constant 0 : i32
        %dma_wait3A_151 = arith.constant 0 : i32
        %dma_wait3A_152 = tpu.memref_slice %arg10[%run_scoped3A_122, %dma_wait3A_150, %dma_wait3A_151] : memref<2x128x128xf32, #tpu.memory_space<vmem>> -> memref<1x128x128xf32, #tpu.memory_space<vmem>>
        %dma_wait3A_153 = tpu.memref_squeeze %dma_wait3A_152 : memref<1x128x128xf32, #tpu.memory_space<vmem>> -> memref<128x128xf32, #tpu.memory_space<vmem>>
        %dma_wait3A_154 = arith.constant 0 : i32
        %dma_wait3A_155 = tpu.memref_slice %arg7[%run_scoped3A_123, %dma_wait3A_154] : memref<2x128xi32, #tpu.memory_space<vmem>> -> memref<1x128xi32, #tpu.memory_space<vmem>>
        %dma_wait3A_156 = tpu.memref_squeeze %dma_wait3A_155 : memref<1x128xi32, #tpu.memory_space<vmem>> -> memref<128xi32, #tpu.memory_space<vmem>>
        %dma_wait3A_157 = arith.constant 0 : i32
        %dma_wait3A_158 = arith.constant 0 : i32
        %dma_wait3A_159 = tpu.memref_slice %arg11[%dma_wait3A_157, %dma_wait3A_158] : memref<10240x128xf32, #tpu.memory_space<vmem_shared>> -> memref<10240x128xf32, #tpu.memory_space<vmem_shared>>
        tpu.wait_indirect_dma semaphore(%run_scoped3A_139 : memref<!tpu.dma_semaphore, #tpu.memory_space<semaphore_mem>>) src(%dma_wait3A_153 : memref<128x128xf32, #tpu.memory_space<vmem>>) dst(%dma_wait3A_159 : memref<10240x128xf32, #tpu.memory_space<vmem_shared>>)
        tpu.yield
      }) : () -> ()
      %dma_wait3A_124 = arith.constant 1 : i32
      %dma_wait3A_125 = arith.constant 1 : i32
      %dma_wait3A_126 = arith.constant 0 : i32
      %dma_wait3A_127 = arith.constant 0 : i32
      %dma_wait3A_128 = tpu.memref_slice %arg10[%dma_wait3A_125, %dma_wait3A_126, %dma_wait3A_127] : memref<2x128x128xf32, #tpu.memory_space<vmem>> -> memref<1x128x128xf32, #tpu.memory_space<vmem>>
      %dma_wait3A_129 = tpu.memref_squeeze %dma_wait3A_128 : memref<1x128x128xf32, #tpu.memory_space<vmem>> -> memref<128x128xf32, #tpu.memory_space<vmem>>
      %dma_wait3A_130 = arith.constant 0 : i32
      %dma_wait3A_131 = tpu.memref_slice %arg6[%dma_wait3A_124, %dma_wait3A_130] : memref<2x128xi32, #tpu.memory_space<vmem>> -> memref<1x128xi32, #tpu.memory_space<vmem>>
      %dma_wait3A_132 = tpu.memref_squeeze %dma_wait3A_131 : memref<1x128xi32, #tpu.memory_space<vmem>> -> memref<128xi32, #tpu.memory_space<vmem>>
      %dma_wait3A_133 = arith.constant 0 : i32
      %dma_wait3A_134 = arith.constant 0 : i32
      %dma_wait3A_135 = tpu.memref_slice %arg2[%dma_wait3A_133, %dma_wait3A_134] : memref<10000x128xf32, #tpu.memory_space<hbm>> -> memref<10000x128xf32, #tpu.memory_space<hbm>>
      tpu.wait_indirect_dma semaphore(%arg12 : memref<!tpu.dma_semaphore, #tpu.memory_space<semaphore_mem>>) src(%dma_wait3A_135 : memref<10000x128xf32, #tpu.memory_space<hbm>>) dst(%dma_wait3A_129 : memref<128x128xf32, #tpu.memory_space<vmem>>)
      %run_scoped3A_136 = arith.constant 1 : i32
      %run_scoped3A_137 = arith.constant 1 : i32
      "tpu.region"() ({
        %run_scoped3A_139 = tpu.sem_alloc : memref<!tpu.dma_semaphore, #tpu.memory_space<semaphore_mem>>
        %dma_start3A_140 = arith.constant 0 : i32
        %dma_start3A_141 = arith.constant 0 : i32
        %dma_start3A_142 = tpu.memref_slice %arg10[%run_scoped3A_136, %dma_start3A_140, %dma_start3A_141] : memref<2x128x128xf32, #tpu.memory_space<vmem>> -> memref<1x128x128xf32, #tpu.memory_space<vmem>>
        %dma_start3A_143 = tpu.memref_squeeze %dma_start3A_142 : memref<1x128x128xf32, #tpu.memory_space<vmem>> -> memref<128x128xf32, #tpu.memory_space<vmem>>
        %dma_start3A_144 = arith.constant 0 : i32
        %dma_start3A_145 = tpu.memref_slice %arg7[%run_scoped3A_137, %dma_start3A_144] : memref<2x128xi32, #tpu.memory_space<vmem>> -> memref<1x128xi32, #tpu.memory_space<vmem>>
        %dma_start3A_146 = tpu.memref_squeeze %dma_start3A_145 : memref<1x128xi32, #tpu.memory_space<vmem>> -> memref<128xi32, #tpu.memory_space<vmem>>
        %dma_start3A_147 = arith.constant 0 : i32
        %dma_start3A_148 = arith.constant 0 : i32
        %dma_start3A_149 = tpu.memref_slice %arg11[%dma_start3A_147, %dma_start3A_148] : memref<10240x128xf32, #tpu.memory_space<vmem_shared>> -> memref<10240x128xf32, #tpu.memory_space<vmem_shared>>
        tpu.enqueue_indirect_dma source(%dma_start3A_143 : memref<128x128xf32, #tpu.memory_space<vmem>>) target(%dma_start3A_149 : memref<10240x128xf32, #tpu.memory_space<vmem_shared>>) offsets(%dma_start3A_146 : memref<128xi32, #tpu.memory_space<vmem>>) semaphore(%run_scoped3A_139 : memref<!tpu.dma_semaphore, #tpu.memory_space<semaphore_mem>>) {add = true}
        %dma_wait3A_150 = arith.constant 0 : i32
        %dma_wait3A_151 = arith.constant 0 : i32
        %dma_wait3A_152 = tpu.memref_slice %arg10[%run_scoped3A_136, %dma_wait3A_150, %dma_wait3A_151] : memref<2x128x128xf32, #tpu.memory_space<vmem>> -> memref<1x128x128xf32, #tpu.memory_space<vmem>>
        %dma_wait3A_153 = tpu.memref_squeeze %dma_wait3A_152 : memref<1x128x128xf32, #tpu.memory_space<vmem>> -> memref<128x128xf32, #tpu.memory_space<vmem>>
        %dma_wait3A_154 = arith.constant 0 : i32
        %dma_wait3A_155 = tpu.memref_slice %arg7[%run_scoped3A_137, %dma_wait3A_154] : memref<2x128xi32, #tpu.memory_space<vmem>> -> memref<1x128xi32, #tpu.memory_space<vmem>>
        %dma_wait3A_156 = tpu.memref_squeeze %dma_wait3A_155 : memref<1x128xi32, #tpu.memory_space<vmem>> -> memref<128xi32, #tpu.memory_space<vmem>>
        %dma_wait3A_157 = arith.constant 0 : i32
        %dma_wait3A_158 = arith.constant 0 : i32
        %dma_wait3A_159 = tpu.memref_slice %arg11[%dma_wait3A_157, %dma_wait3A_158] : memref<10240x128xf32, #tpu.memory_space<vmem_shared>> -> memref<10240x128xf32, #tpu.memory_space<vmem_shared>>
        tpu.wait_indirect_dma semaphore(%run_scoped3A_139 : memref<!tpu.dma_semaphore, #tpu.memory_space<semaphore_mem>>) src(%dma_wait3A_153 : memref<128x128xf32, #tpu.memory_space<vmem>>) dst(%dma_wait3A_159 : memref<10240x128xf32, #tpu.memory_space<vmem_shared>>)
        tpu.yield
      }) : () -> ()
      %scan3A_138 = arith.constant 0 : i32
      scf.yield %scan3A_138 : i32
    }
    %scan3A_32 = arith.constant 39 : i32
    %add3A_33 = arith.constant 9984 : i32
    %add3A_34 = arith.addi %mul3A_25, %add3A_33 : i32
    %run_scoped3A_35 = arith.constant 0 : i32
    "tpu.region"() ({
      %run_scoped3A_68 = tpu.sem_alloc : memref<!tpu.dma_semaphore, #tpu.memory_space<semaphore_mem>>
      %dma_start3A_69 = arith.constant 0 : i32
      %dma_start3A_70 = tpu.memref_slice %arg8[%run_scoped3A_35, %dma_start3A_69] : memref<1x16xi32, #tpu.memory_space<vmem>> -> memref<1x16xi32, #tpu.memory_space<vmem>>
      %dma_start3A_71 = tpu.memref_squeeze %dma_start3A_70 : memref<1x16xi32, #tpu.memory_space<vmem>> -> memref<16xi32, #tpu.memory_space<vmem>>
      %dma_start3A_72 = tpu.memref_slice %arg3[%add3A_34] : memref<320000xi32, #tpu.memory_space<hbm>> -> memref<16xi32, #tpu.memory_space<hbm>>
      %dma_start3A_73 = arith.constant 0 : i32
      %dma_start3A_74 = tpu.memref_slice %arg8[%run_scoped3A_35, %dma_start3A_73] : memref<1x16xi32, #tpu.memory_space<vmem>> -> memref<1x16xi32, #tpu.memory_space<vmem>>
      %dma_start3A_75 = tpu.memref_squeeze %dma_start3A_74 : memref<1x16xi32, #tpu.memory_space<vmem>> -> memref<16xi32, #tpu.memory_space<vmem>>
      %dma_start3A_76 = tpu.memref_slice %arg3[%add3A_34] : memref<320000xi32, #tpu.memory_space<hbm>> -> memref<16xi32, #tpu.memory_space<hbm>>
      tpu.enqueue_dma source(%dma_start3A_76 : memref<16xi32, #tpu.memory_space<hbm>>) target(%dma_start3A_75 : memref<16xi32, #tpu.memory_space<vmem>>) target_semaphore(%run_scoped3A_68 : memref<!tpu.dma_semaphore, #tpu.memory_space<semaphore_mem>>)
      %dma_wait3A_77 = arith.constant 0 : i32
      %dma_wait3A_78 = tpu.memref_slice %arg8[%run_scoped3A_35, %dma_wait3A_77] : memref<1x16xi32, #tpu.memory_space<vmem>> -> memref<1x16xi32, #tpu.memory_space<vmem>>
      %dma_wait3A_79 = tpu.memref_squeeze %dma_wait3A_78 : memref<1x16xi32, #tpu.memory_space<vmem>> -> memref<16xi32, #tpu.memory_space<vmem>>
      %dma_wait3A_80 = tpu.memref_slice %arg3[%add3A_34] : memref<320000xi32, #tpu.memory_space<hbm>> -> memref<16xi32, #tpu.memory_space<hbm>>
      %dma_wait3A_81 = arith.constant 0 : i32
      %dma_wait3A_82 = tpu.memref_slice %arg8[%run_scoped3A_35, %dma_wait3A_81] : memref<1x16xi32, #tpu.memory_space<vmem>> -> memref<1x16xi32, #tpu.memory_space<vmem>>
      %dma_wait3A_83 = tpu.memref_squeeze %dma_wait3A_82 : memref<1x16xi32, #tpu.memory_space<vmem>> -> memref<16xi32, #tpu.memory_space<vmem>>
      %dma_wait3A_84 = tpu.memref_slice %arg3[%add3A_34] : memref<320000xi32, #tpu.memory_space<hbm>> -> memref<16xi32, #tpu.memory_space<hbm>>
      tpu.wait_dma2 semaphore(%run_scoped3A_68 : memref<!tpu.dma_semaphore, #tpu.memory_space<semaphore_mem>>) src(%dma_wait3A_84 : memref<16xi32, #tpu.memory_space<hbm>>) dst(%dma_wait3A_83 : memref<16xi32, #tpu.memory_space<vmem>>)
      tpu.yield
    }) : () -> ()
    %run_scoped3A_36 = arith.constant 0 : i32
    "tpu.region"() ({
      %run_scoped3A_68 = tpu.sem_alloc : memref<!tpu.dma_semaphore, #tpu.memory_space<semaphore_mem>>
      %dma_start3A_69 = arith.constant 0 : i32
      %dma_start3A_70 = tpu.memref_slice %arg9[%run_scoped3A_36, %dma_start3A_69] : memref<1x16xi32, #tpu.memory_space<vmem>> -> memref<1x16xi32, #tpu.memory_space<vmem>>
      %dma_start3A_71 = tpu.memref_squeeze %dma_start3A_70 : memref<1x16xi32, #tpu.memory_space<vmem>> -> memref<16xi32, #tpu.memory_space<vmem>>
      %dma_start3A_72 = tpu.memref_slice %arg4[%add3A_34] : memref<320000xi32, #tpu.memory_space<hbm>> -> memref<16xi32, #tpu.memory_space<hbm>>
      %dma_start3A_73 = arith.constant 0 : i32
      %dma_start3A_74 = tpu.memref_slice %arg9[%run_scoped3A_36, %dma_start3A_73] : memref<1x16xi32, #tpu.memory_space<vmem>> -> memref<1x16xi32, #tpu.memory_space<vmem>>
      %dma_start3A_75 = tpu.memref_squeeze %dma_start3A_74 : memref<1x16xi32, #tpu.memory_space<vmem>> -> memref<16xi32, #tpu.memory_space<vmem>>
      %dma_start3A_76 = tpu.memref_slice %arg4[%add3A_34] : memref<320000xi32, #tpu.memory_space<hbm>> -> memref<16xi32, #tpu.memory_space<hbm>>
      tpu.enqueue_dma source(%dma_start3A_76 : memref<16xi32, #tpu.memory_space<hbm>>) target(%dma_start3A_75 : memref<16xi32, #tpu.memory_space<vmem>>) target_semaphore(%run_scoped3A_68 : memref<!tpu.dma_semaphore, #tpu.memory_space<semaphore_mem>>)
      %dma_wait3A_77 = arith.constant 0 : i32
      %dma_wait3A_78 = tpu.memref_slice %arg9[%run_scoped3A_36, %dma_wait3A_77] : memref<1x16xi32, #tpu.memory_space<vmem>> -> memref<1x16xi32, #tpu.memory_space<vmem>>
      %dma_wait3A_79 = tpu.memref_squeeze %dma_wait3A_78 : memref<1x16xi32, #tpu.memory_space<vmem>> -> memref<16xi32, #tpu.memory_space<vmem>>
      %dma_wait3A_80 = tpu.memref_slice %arg4[%add3A_34] : memref<320000xi32, #tpu.memory_space<hbm>> -> memref<16xi32, #tpu.memory_space<hbm>>
      %dma_wait3A_81 = arith.constant 0 : i32
      %dma_wait3A_82 = tpu.memref_slice %arg9[%run_scoped3A_36, %dma_wait3A_81] : memref<1x16xi32, #tpu.memory_space<vmem>> -> memref<1x16xi32, #tpu.memory_space<vmem>>
      %dma_wait3A_83 = tpu.memref_squeeze %dma_wait3A_82 : memref<1x16xi32, #tpu.memory_space<vmem>> -> memref<16xi32, #tpu.memory_space<vmem>>
      %dma_wait3A_84 = tpu.memref_slice %arg4[%add3A_34] : memref<320000xi32, #tpu.memory_space<hbm>> -> memref<16xi32, #tpu.memory_space<hbm>>
      tpu.wait_dma2 semaphore(%run_scoped3A_68 : memref<!tpu.dma_semaphore, #tpu.memory_space<semaphore_mem>>) src(%dma_wait3A_84 : memref<16xi32, #tpu.memory_space<hbm>>) dst(%dma_wait3A_83 : memref<16xi32, #tpu.memory_space<vmem>>)
      tpu.yield
    }) : () -> ()
    %dma_start3A = arith.constant 0 : i32
    %dma_start3A_37 = arith.constant 0 : i32
    %dma_start3A_38 = arith.constant 0 : i32
    %dma_start3A_39 = arith.constant 0 : i32
    %dma_start3A_40 = tpu.memref_slice %arg10[%dma_start3A_37, %dma_start3A_38, %dma_start3A_39] : memref<2x128x128xf32, #tpu.memory_space<vmem>> -> memref<1x128x128xf32, #tpu.memory_space<vmem>>
    %dma_start3A_41 = tpu.memref_squeeze %dma_start3A_40 : memref<1x128x128xf32, #tpu.memory_space<vmem>> -> memref<128x128xf32, #tpu.memory_space<vmem>>
    %dma_start3A_42 = arith.constant 0 : i32
    %dma_start3A_43 = arith.constant 0 : i32
    %dma_start3A_44 = tpu.memref_slice %dma_start3A_41[%dma_start3A_42, %dma_start3A_43] : memref<128x128xf32, #tpu.memory_space<vmem>> -> memref<16x128xf32, #tpu.memory_space<vmem>>
    %dma_start3A_45 = arith.constant 0 : i32
    %dma_start3A_46 = tpu.memref_slice %arg8[%dma_start3A, %dma_start3A_45] : memref<1x16xi32, #tpu.memory_space<vmem>> -> memref<1x16xi32, #tpu.memory_space<vmem>>
    %dma_start3A_47 = tpu.memref_squeeze %dma_start3A_46 : memref<1x16xi32, #tpu.memory_space<vmem>> -> memref<16xi32, #tpu.memory_space<vmem>>
    %dma_start3A_48 = arith.constant 0 : i32
    %dma_start3A_49 = arith.constant 0 : i32
    %dma_start3A_50 = tpu.memref_slice %arg2[%dma_start3A_48, %dma_start3A_49] : memref<10000x128xf32, #tpu.memory_space<hbm>> -> memref<10000x128xf32, #tpu.memory_space<hbm>>
    tpu.enqueue_indirect_dma source(%dma_start3A_50 : memref<10000x128xf32, #tpu.memory_space<hbm>>) target(%dma_start3A_44 : memref<16x128xf32, #tpu.memory_space<vmem>>) offsets(%dma_start3A_47 : memref<16xi32, #tpu.memory_space<vmem>>) semaphore(%arg12 : memref<!tpu.dma_semaphore, #tpu.memory_space<semaphore_mem>>)
    %dma_wait3A = arith.constant 0 : i32
    %dma_wait3A_51 = arith.constant 0 : i32
    %dma_wait3A_52 = arith.constant 0 : i32
    %dma_wait3A_53 = arith.constant 0 : i32
    %dma_wait3A_54 = tpu.memref_slice %arg10[%dma_wait3A_51, %dma_wait3A_52, %dma_wait3A_53] : memref<2x128x128xf32, #tpu.memory_space<vmem>> -> memref<1x128x128xf32, #tpu.memory_space<vmem>>
    %dma_wait3A_55 = tpu.memref_squeeze %dma_wait3A_54 : memref<1x128x128xf32, #tpu.memory_space<vmem>> -> memref<128x128xf32, #tpu.memory_space<vmem>>
    %dma_wait3A_56 = arith.constant 0 : i32
    %dma_wait3A_57 = arith.constant 0 : i32
    %dma_wait3A_58 = tpu.memref_slice %dma_wait3A_55[%dma_wait3A_56, %dma_wait3A_57] : memref<128x128xf32, #tpu.memory_space<vmem>> -> memref<16x128xf32, #tpu.memory_space<vmem>>
    %dma_wait3A_59 = arith.constant 0 : i32
    %dma_wait3A_60 = tpu.memref_slice %arg8[%dma_wait3A, %dma_wait3A_59] : memref<1x16xi32, #tpu.memory_space<vmem>> -> memref<1x16xi32, #tpu.memory_space<vmem>>
    %dma_wait3A_61 = tpu.memref_squeeze %dma_wait3A_60 : memref<1x16xi32, #tpu.memory_space<vmem>> -> memref<16xi32, #tpu.memory_space<vmem>>
    %dma_wait3A_62 = arith.constant 0 : i32
    %dma_wait3A_63 = arith.constant 0 : i32
    %dma_wait3A_64 = tpu.memref_slice %arg2[%dma_wait3A_62, %dma_wait3A_63] : memref<10000x128xf32, #tpu.memory_space<hbm>> -> memref<10000x128xf32, #tpu.memory_space<hbm>>
    tpu.wait_indirect_dma semaphore(%arg12 : memref<!tpu.dma_semaphore, #tpu.memory_space<semaphore_mem>>) src(%dma_wait3A_64 : memref<10000x128xf32, #tpu.memory_space<hbm>>) dst(%dma_wait3A_58 : memref<16x128xf32, #tpu.memory_space<vmem>>)
    %run_scoped3A_65 = arith.constant 0 : i32
    %run_scoped3A_66 = arith.constant 0 : i32
    "tpu.region"() ({
      %run_scoped3A_68 = tpu.sem_alloc : memref<!tpu.dma_semaphore, #tpu.memory_space<semaphore_mem>>
      %dma_start3A_69 = arith.constant 0 : i32
      %dma_start3A_70 = arith.constant 0 : i32
      %dma_start3A_71 = tpu.memref_slice %arg10[%run_scoped3A_65, %dma_start3A_69, %dma_start3A_70] : memref<2x128x128xf32, #tpu.memory_space<vmem>> -> memref<1x128x128xf32, #tpu.memory_space<vmem>>
      %dma_start3A_72 = tpu.memref_squeeze %dma_start3A_71 : memref<1x128x128xf32, #tpu.memory_space<vmem>> -> memref<128x128xf32, #tpu.memory_space<vmem>>
      %dma_start3A_73 = arith.constant 0 : i32
      %dma_start3A_74 = arith.constant 0 : i32
      %dma_start3A_75 = tpu.memref_slice %dma_start3A_72[%dma_start3A_73, %dma_start3A_74] : memref<128x128xf32, #tpu.memory_space<vmem>> -> memref<16x128xf32, #tpu.memory_space<vmem>>
      %dma_start3A_76 = arith.constant 0 : i32
      %dma_start3A_77 = tpu.memref_slice %arg9[%run_scoped3A_66, %dma_start3A_76] : memref<1x16xi32, #tpu.memory_space<vmem>> -> memref<1x16xi32, #tpu.memory_space<vmem>>
      %dma_start3A_78 = tpu.memref_squeeze %dma_start3A_77 : memref<1x16xi32, #tpu.memory_space<vmem>> -> memref<16xi32, #tpu.memory_space<vmem>>
      %dma_start3A_79 = arith.constant 0 : i32
      %dma_start3A_80 = arith.constant 0 : i32
      %dma_start3A_81 = tpu.memref_slice %arg11[%dma_start3A_79, %dma_start3A_80] : memref<10240x128xf32, #tpu.memory_space<vmem_shared>> -> memref<10240x128xf32, #tpu.memory_space<vmem_shared>>
      tpu.enqueue_indirect_dma source(%dma_start3A_75 : memref<16x128xf32, #tpu.memory_space<vmem>>) target(%dma_start3A_81 : memref<10240x128xf32, #tpu.memory_space<vmem_shared>>) offsets(%dma_start3A_78 : memref<16xi32, #tpu.memory_space<vmem>>) semaphore(%run_scoped3A_68 : memref<!tpu.dma_semaphore, #tpu.memory_space<semaphore_mem>>) {add = true}
      %dma_wait3A_82 = arith.constant 0 : i32
      %dma_wait3A_83 = arith.constant 0 : i32
      %dma_wait3A_84 = tpu.memref_slice %arg10[%run_scoped3A_65, %dma_wait3A_82, %dma_wait3A_83] : memref<2x128x128xf32, #tpu.memory_space<vmem>> -> memref<1x128x128xf32, #tpu.memory_space<vmem>>
      %dma_wait3A_85 = tpu.memref_squeeze %dma_wait3A_84 : memref<1x128x128xf32, #tpu.memory_space<vmem>> -> memref<128x128xf32, #tpu.memory_space<vmem>>
      %dma_wait3A_86 = arith.constant 0 : i32
      %dma_wait3A_87 = arith.constant 0 : i32
      %dma_wait3A_88 = tpu.memref_slice %dma_wait3A_85[%dma_wait3A_86, %dma_wait3A_87] : memref<128x128xf32, #tpu.memory_space<vmem>> -> memref<16x128xf32, #tpu.memory_space<vmem>>
      %dma_wait3A_89 = arith.constant 0 : i32
      %dma_wait3A_90 = tpu.memref_slice %arg9[%run_scoped3A_66, %dma_wait3A_89] : memref<1x16xi32, #tpu.memory_space<vmem>> -> memref<1x16xi32, #tpu.memory_space<vmem>>
      %dma_wait3A_91 = tpu.memref_squeeze %dma_wait3A_90 : memref<1x16xi32, #tpu.memory_space<vmem>> -> memref<16xi32, #tpu.memory_space<vmem>>
      %dma_wait3A_92 = arith.constant 0 : i32
      %dma_wait3A_93 = arith.constant 0 : i32
      %dma_wait3A_94 = tpu.memref_slice %arg11[%dma_wait3A_92, %dma_wait3A_93] : memref<10240x128xf32, #tpu.memory_space<vmem_shared>> -> memref<10240x128xf32, #tpu.memory_space<vmem_shared>>
      tpu.wait_indirect_dma semaphore(%run_scoped3A_68 : memref<!tpu.dma_semaphore, #tpu.memory_space<semaphore_mem>>) src(%dma_wait3A_88 : memref<16x128xf32, #tpu.memory_space<vmem>>) dst(%dma_wait3A_94 : memref<10240x128xf32, #tpu.memory_space<vmem_shared>>)
      tpu.yield
    }) : () -> ()
    %barrier3A_67 = arith.constant 0 : index
    tpu.barrier barrier_id(%barrier3A_67)
    "tpu.region"() ({
      %run_scoped3A_68 = tpu.sem_alloc : memref<!tpu.dma_semaphore, #tpu.memory_space<semaphore_mem>>
      %dma_start3A_69 = arith.constant 0 : i32
      %dma_start3A_70 = arith.constant 0 : i32
      %dma_start3A_71 = tpu.memref_slice %arg5[%arg0, %dma_start3A_69, %dma_start3A_70] : memref<2x10240x128xf32, #tpu.memory_space<hbm>> -> memref<1x10240x128xf32, #tpu.memory_space<hbm>>
      %dma_start3A_72 = tpu.memref_squeeze %dma_start3A_71 : memref<1x10240x128xf32, #tpu.memory_space<hbm>> -> memref<10240x128xf32, #tpu.memory_space<hbm>>
      %dma_start3A_73 = arith.constant 0 : i32
      %dma_start3A_74 = tpu.memref_slice %dma_start3A_72[%mul3A_9, %dma_start3A_73] : memref<10240x128xf32, #tpu.memory_space<hbm>> -> memref<640x128xf32, #tpu.memory_space<hbm>>
      %dma_start3A_75 = arith.constant 0 : i32
      %dma_start3A_76 = tpu.memref_slice %arg11[%mul3A_9, %dma_start3A_75] : memref<10240x128xf32, #tpu.memory_space<vmem_shared>> -> memref<640x128xf32, #tpu.memory_space<vmem_shared>>
      tpu.enqueue_dma source(%dma_start3A_76 : memref<640x128xf32, #tpu.memory_space<vmem_shared>>) target(%dma_start3A_74 : memref<640x128xf32, #tpu.memory_space<hbm>>) target_semaphore(%run_scoped3A_68 : memref<!tpu.dma_semaphore, #tpu.memory_space<semaphore_mem>>)
      %dma_wait3A_77 = arith.constant 0 : i32
      %dma_wait3A_78 = arith.constant 0 : i32
      %dma_wait3A_79 = tpu.memref_slice %arg5[%arg0, %dma_wait3A_77, %dma_wait3A_78] : memref<2x10240x128xf32, #tpu.memory_space<hbm>> -> memref<1x10240x128xf32, #tpu.memory_space<hbm>>
      %dma_wait3A_80 = tpu.memref_squeeze %dma_wait3A_79 : memref<1x10240x128xf32, #tpu.memory_space<hbm>> -> memref<10240x128xf32, #tpu.memory_space<hbm>>
      %dma_wait3A_81 = arith.constant 0 : i32
      %dma_wait3A_82 = tpu.memref_slice %dma_wait3A_80[%mul3A_9, %dma_wait3A_81] : memref<10240x128xf32, #tpu.memory_space<hbm>> -> memref<640x128xf32, #tpu.memory_space<hbm>>
      %dma_wait3A_83 = arith.constant 0 : i32
      %dma_wait3A_84 = tpu.memref_slice %arg11[%mul3A_9, %dma_wait3A_83] : memref<10240x128xf32, #tpu.memory_space<vmem_shared>> -> memref<640x128xf32, #tpu.memory_space<vmem_shared>>
      tpu.wait_dma2 semaphore(%run_scoped3A_68 : memref<!tpu.dma_semaphore, #tpu.memory_space<semaphore_mem>>) src(%dma_wait3A_84 : memref<640x128xf32, #tpu.memory_space<vmem_shared>>) dst(%dma_wait3A_82 : memref<640x128xf32, #tpu.memory_space<hbm>>)
      tpu.yield
    }) : () -> ()
    return
  }
}

#map = affine_map<(d0, d1) -> (0, 0)>
#map1 = affine_map<(d0, d1) -> (0)>
#map2 = affine_map<(d0, d1) -> (0, 0, 0)>
module attributes {stable_mosaic.version = 14 : i64} {
  func.func @_scatter_kernel_body(%arg0: i32, %arg1: i32, %arg2: memref<10000x128xf32, #tpu.memory_space<hbm>>, %arg3: memref<320000xi32, #tpu.memory_space<hbm>>, %arg4: memref<320000xi32, #tpu.memory_space<hbm>>, %arg5: memref<2x10240x128xf32, #tpu.memory_space<hbm>>, %arg6: memref<2x128xi32, #tpu.memory_space<vmem>>, %arg7: memref<2x128xi32, #tpu.memory_space<vmem>>, %arg8: memref<1x16xi32, #tpu.memory_space<vmem>>, %arg9: memref<1x16xi32, #tpu.memory_space<vmem>>, %arg10: memref<2x128x128xf32, #tpu.memory_space<vmem>>, %arg11: memref<10240x128xf32, #tpu.memory_space<vmem_shared>>, %arg12: memref<!tpu.dma_semaphore, #tpu.memory_space<semaphore_mem>>) attributes {dimension_semantics = [#tpu.dimension_semantics<core_parallel>, #tpu.dimension_semantics<subcore_parallel>], iteration_bounds = array<i64: 2, 16>, scalar_prefetch = 0 : i64, scratch_operands = 7 : i64, tpu.core_type = #tpu.core_type<sc_vector_subcore>, window_params = [{transform_indices = #map}, {transform_indices = #map1}, {transform_indices = #map1}, {transform_indices = #map2}]} {
    %mul3A = arith.constant 16 : i32
    %mul3A_0 = arith.muli %arg0, %mul3A : i32
    %add3A = arith.addi %mul3A_0, %arg1 : i32
    %broadcast_in_dim3A = arith.constant 0.000000e+00 : f32
    %broadcast_in_dim3A_1 = vector.broadcast %broadcast_in_dim3A : f32 to vector<16xf32>
    %scan3A = arith.constant 0 : i32
    %scan3A_2 = arith.constant 0 : i32
    %scan3A_3 = arith.constant 128 : i32
    %scan3A_4 = arith.addi %scan3A_2, %scan3A_3 : i32
    %scan3A_5 = arith.constant 1 : i32
    %scan3A_6 = scf.for %scan3A_68 = %scan3A_2 to %scan3A_4 step %scan3A_5 iter_args(%scan3A_69 = %scan3A) -> (i32)  : i32 {
      %swap3A = arith.constant 0 : i32
      %swap3A_70 = arith.index_cast %swap3A : i32 to index
      %swap3A_71 = arith.index_cast %scan3A_68 : i32 to index
      %swap3A_72 = arith.constant 0 : index
      %swap3A_73 = tpu.vector_load %arg10[%swap3A_70, %swap3A_71, %swap3A_72] {strides = array<i32>} : memref<2x128x128xf32, #tpu.memory_space<vmem>>, vector<1x1x16xf32>,
      %swap3A_74 = vector.shape_cast %swap3A_73 : vector<1x1x16xf32> to vector<16xf32>
      %swap3A_75 = vector.shape_cast %broadcast_in_dim3A_1 : vector<16xf32> to vector<1x1x16xf32>
      tpu.vector_store %arg10[%swap3A_70, %swap3A_71, %swap3A_72], %swap3A_75 {strides = array<i32>} : memref<2x128x128xf32, #tpu.memory_space<vmem>>, vector<1x1x16xf32>,
      %swap3A_76 = arith.constant 0 : i32
      %swap3A_77 = arith.index_cast %swap3A_76 : i32 to index
      %swap3A_78 = arith.index_cast %scan3A_68 : i32 to index
      %swap3A_79 = arith.constant 16 : index
      %swap3A_80 = tpu.vector_load %arg10[%swap3A_77, %swap3A_78, %swap3A_79] {strides = array<i32>} : memref<2x128x128xf32, #tpu.memory_space<vmem>>, vector<1x1x16xf32>,
      %swap3A_81 = vector.shape_cast %swap3A_80 : vector<1x1x16xf32> to vector<16xf32>
      %swap3A_82 = vector.shape_cast %broadcast_in_dim3A_1 : vector<16xf32> to vector<1x1x16xf32>
      tpu.vector_store %arg10[%swap3A_77, %swap3A_78, %swap3A_79], %swap3A_82 {strides = array<i32>} : memref<2x128x128xf32, #tpu.memory_space<vmem>>, vector<1x1x16xf32>,
      %swap3A_83 = arith.constant 0 : i32
      %swap3A_84 = arith.index_cast %swap3A_83 : i32 to index
      %swap3A_85 = arith.index_cast %scan3A_68 : i32 to index
      %swap3A_86 = arith.constant 32 : index
      %swap3A_87 = tpu.vector_load %arg10[%swap3A_84, %swap3A_85, %swap3A_86] {strides = array<i32>} : memref<2x128x128xf32, #tpu.memory_space<vmem>>, vector<1x1x16xf32>,
      %swap3A_88 = vector.shape_cast %swap3A_87 : vector<1x1x16xf32> to vector<16xf32>
      %swap3A_89 = vector.shape_cast %broadcast_in_dim3A_1 : vector<16xf32> to vector<1x1x16xf32>
      tpu.vector_store %arg10[%swap3A_84, %swap3A_85, %swap3A_86], %swap3A_89 {strides = array<i32>} : memref<2x128x128xf32, #tpu.memory_space<vmem>>, vector<1x1x16xf32>,
      %swap3A_90 = arith.constant 0 : i32
      %swap3A_91 = arith.index_cast %swap3A_90 : i32 to index
      %swap3A_92 = arith.index_cast %scan3A_68 : i32 to index
      %swap3A_93 = arith.constant 48 : index
      %swap3A_94 = tpu.vector_load %arg10[%swap3A_91, %swap3A_92, %swap3A_93] {strides = array<i32>} : memref<2x128x128xf32, #tpu.memory_space<vmem>>, vector<1x1x16xf32>,
      %swap3A_95 = vector.shape_cast %swap3A_94 : vector<1x1x16xf32> to vector<16xf32>
      %swap3A_96 = vector.shape_cast %broadcast_in_dim3A_1 : vector<16xf32> to vector<1x1x16xf32>
      tpu.vector_store %arg10[%swap3A_91, %swap3A_92, %swap3A_93], %swap3A_96 {strides = array<i32>} : memref<2x128x128xf32, #tpu.memory_space<vmem>>, vector<1x1x16xf32>,
      %swap3A_97 = arith.constant 0 : i32
      %swap3A_98 = arith.index_cast %swap3A_97 : i32 to index
      %swap3A_99 = arith.index_cast %scan3A_68 : i32 to index
      %swap3A_100 = arith.constant 64 : index
      %swap3A_101 = tpu.vector_load %arg10[%swap3A_98, %swap3A_99, %swap3A_100] {strides = array<i32>} : memref<2x128x128xf32, #tpu.memory_space<vmem>>, vector<1x1x16xf32>,
      %swap3A_102 = vector.shape_cast %swap3A_101 : vector<1x1x16xf32> to vector<16xf32>
      %swap3A_103 = vector.shape_cast %broadcast_in_dim3A_1 : vector<16xf32> to vector<1x1x16xf32>
      tpu.vector_store %arg10[%swap3A_98, %swap3A_99, %swap3A_100], %swap3A_103 {strides = array<i32>} : memref<2x128x128xf32, #tpu.memory_space<vmem>>, vector<1x1x16xf32>,
      %swap3A_104 = arith.constant 0 : i32
      %swap3A_105 = arith.index_cast %swap3A_104 : i32 to index
      %swap3A_106 = arith.index_cast %scan3A_68 : i32 to index
      %swap3A_107 = arith.constant 80 : index
      %swap3A_108 = tpu.vector_load %arg10[%swap3A_105, %swap3A_106, %swap3A_107] {strides = array<i32>} : memref<2x128x128xf32, #tpu.memory_space<vmem>>, vector<1x1x16xf32>,
      %swap3A_109 = vector.shape_cast %swap3A_108 : vector<1x1x16xf32> to vector<16xf32>
      %swap3A_110 = vector.shape_cast %broadcast_in_dim3A_1 : vector<16xf32> to vector<1x1x16xf32>
      tpu.vector_store %arg10[%swap3A_105, %swap3A_106, %swap3A_107], %swap3A_110 {strides = array<i32>} : memref<2x128x128xf32, #tpu.memory_space<vmem>>, vector<1x1x16xf32>,
      %swap3A_111 = arith.constant 0 : i32
      %swap3A_112 = arith.index_cast %swap3A_111 : i32 to index
      %swap3A_113 = arith.index_cast %scan3A_68 : i32 to index
      %swap3A_114 = arith.constant 96 : index
      %swap3A_115 = tpu.vector_load %arg10[%swap3A_112, %swap3A_113, %swap3A_114] {strides = array<i32>} : memref<2x128x128xf32, #tpu.memory_space<vmem>>, vector<1x1x16xf32>,
      %swap3A_116 = vector.shape_cast %swap3A_115 : vector<1x1x16xf32> to vector<16xf32>
      %swap3A_117 = vector.shape_cast %broadcast_in_dim3A_1 : vector<16xf32> to vector<1x1x16xf32>
      tpu.vector_store %arg10[%swap3A_112, %swap3A_113, %swap3A_114], %swap3A_117 {strides = array<i32>} : memref<2x128x128xf32, #tpu.memory_space<vmem>>, vector<1x1x16xf32>,
      %swap3A_118 = arith.constant 0 : i32
      %swap3A_119 = arith.index_cast %swap3A_118 : i32 to index
      %swap3A_120 = arith.index_cast %scan3A_68 : i32 to index
      %swap3A_121 = arith.constant 112 : index
      %swap3A_122 = tpu.vector_load %arg10[%swap3A_119, %swap3A_120, %swap3A_121] {strides = array<i32>} : memref<2x128x128xf32, #tpu.memory_space<vmem>>, vector<1x1x16xf32>,
      %swap3A_123 = vector.shape_cast %swap3A_122 : vector<1x1x16xf32> to vector<16xf32>
      %swap3A_124 = vector.shape_cast %broadcast_in_dim3A_1 : vector<16xf32> to vector<1x1x16xf32>
      tpu.vector_store %arg10[%swap3A_119, %swap3A_120, %swap3A_121], %swap3A_124 {strides = array<i32>} : memref<2x128x128xf32, #tpu.memory_space<vmem>>, vector<1x1x16xf32>,
      %scan3A_125 = arith.constant 0 : i32
      scf.yield %scan3A_125 : i32
    }
    %scan3A_7 = arith.constant 128 : i32
    %mul3A_8 = arith.constant 640 : i32
    %mul3A_9 = arith.muli %arg1, %mul3A_8 : i32
    %add3A_10 = arith.constant 0 : i32
    %add3A_11 = arith.addi %mul3A_9, %add3A_10 : i32
    %run_scoped3A = arith.constant 0 : i32
    "tpu.region"() ({
      %run_scoped3A_68 = tpu.sem_alloc : memref<!tpu.dma_semaphore, #tpu.memory_space<semaphore_mem>>
      %dma_start3A_69 = arith.constant 0 : i32
      %dma_start3A_70 = arith.constant 0 : i32
      %dma_start3A_71 = tpu.memref_slice %arg10[%run_scoped3A, %dma_start3A_69, %dma_start3A_70] : memref<2x128x128xf32, #tpu.memory_space<vmem>> -> memref<1x128x128xf32, #tpu.memory_space<vmem>>
      %dma_start3A_72 = tpu.memref_squeeze %dma_start3A_71 : memref<1x128x128xf32, #tpu.memory_space<vmem>> -> memref<128x128xf32, #tpu.memory_space<vmem>>
      %dma_start3A_73 = arith.constant 0 : i32
      %dma_start3A_74 = tpu.memref_slice %arg11[%add3A_11, %dma_start3A_73] : memref<10240x128xf32, #tpu.memory_space<vmem_shared>> -> memref<128x128xf32, #tpu.memory_space<vmem_shared>>
      %dma_start3A_75 = arith.constant 0 : i32
      %dma_start3A_76 = tpu.memref_slice %arg11[%add3A_11, %dma_start3A_75] : memref<10240x128xf32, #tpu.memory_space<vmem_shared>> -> memref<128x128xf32, #tpu.memory_space<vmem_shared>>
      %dma_start3A_77 = arith.constant 0 : i32
      %dma_start3A_78 = arith.constant 0 : i32
      %dma_start3A_79 = tpu.memref_slice %arg10[%run_scoped3A, %dma_start3A_77, %dma_start3A_78] : memref<2x128x128xf32, #tpu.memory_space<vmem>> -> memref<1x128x128xf32, #tpu.memory_space<vmem>>
      %dma_start3A_80 = tpu.memref_squeeze %dma_start3A_79 : memref<1x128x128xf32, #tpu.memory_space<vmem>> -> memref<128x128xf32, #tpu.memory_space<vmem>>
      tpu.enqueue_dma source(%dma_start3A_80 : memref<128x128xf32, #tpu.memory_space<vmem>>) target(%dma_start3A_76 : memref<128x128xf32, #tpu.memory_space<vmem_shared>>) target_semaphore(%run_scoped3A_68 : memref<!tpu.dma_semaphore, #tpu.memory_space<semaphore_mem>>)
      %dma_wait3A_81 = arith.constant 0 : i32
      %dma_wait3A_82 = arith.constant 0 : i32
      %dma_wait3A_83 = tpu.memref_slice %arg10[%run_scoped3A, %dma_wait3A_81, %dma_wait3A_82] : memref<2x128x128xf32, #tpu.memory_space<vmem>> -> memref<1x128x128xf32, #tpu.memory_space<vmem>>
      %dma_wait3A_84 = tpu.memref_squeeze %dma_wait3A_83 : memref<1x128x128xf32, #tpu.memory_space<vmem>> -> memref<128x128xf32, #tpu.memory_space<vmem>>
      %dma_wait3A_85 = arith.constant 0 : i32
      %dma_wait3A_86 = tpu.memref_slice %arg11[%add3A_11, %dma_wait3A_85] : memref<10240x128xf32, #tpu.memory_space<vmem_shared>> -> memref<128x128xf32, #tpu.memory_space<vmem_shared>>
      %dma_wait3A_87 = arith.constant 0 : i32
      %dma_wait3A_88 = tpu.memref_slice %arg11[%add3A_11, %dma_wait3A_87] : memref<10240x128xf32, #tpu.memory_space<vmem_shared>> -> memref<128x128xf32, #tpu.memory_space<vmem_shared>>
      %dma_wait3A_89 = arith.constant 0 : i32
      %dma_wait3A_90 = arith.constant 0 : i32
      %dma_wait3A_91 = tpu.memref_slice %arg10[%run_scoped3A, %dma_wait3A_89, %dma_wait3A_90] : memref<2x128x128xf32, #tpu.memory_space<vmem>> -> memref<1x128x128xf32, #tpu.memory_space<vmem>>
      %dma_wait3A_92 = tpu.memref_squeeze %dma_wait3A_91 : memref<1x128x128xf32, #tpu.memory_space<vmem>> -> memref<128x128xf32, #tpu.memory_space<vmem>>
      tpu.wait_dma2 semaphore(%run_scoped3A_68 : memref<!tpu.dma_semaphore, #tpu.memory_space<semaphore_mem>>) src(%dma_wait3A_92 : memref<128x128xf32, #tpu.memory_space<vmem>>) dst(%dma_wait3A_88 : memref<128x128xf32, #tpu.memory_space<vmem_shared>>)
      tpu.yield
    }) : () -> ()
    %add3A_12 = arith.constant 128 : i32
    %add3A_13 = arith.addi %mul3A_9, %add3A_12 : i32
    %run_scoped3A_14 = arith.constant 0 : i32
    "tpu.region"() ({
      %run_scoped3A_68 = tpu.sem_alloc : memref<!tpu.dma_semaphore, #tpu.memory_space<semaphore_mem>>
      %dma_start3A_69 = arith.constant 0 : i32
      %dma_start3A_70 = arith.constant 0 : i32
      %dma_start3A_71 = tpu.memref_slice %arg10[%run_scoped3A_14, %dma_start3A_69, %dma_start3A_70] : memref<2x128x128xf32, #tpu.memory_space<vmem>> -> memref<1x128x128xf32, #tpu.memory_space<vmem>>
      %dma_start3A_72 = tpu.memref_squeeze %dma_start3A_71 : memref<1x128x128xf32, #tpu.memory_space<vmem>> -> memref<128x128xf32, #tpu.memory_space<vmem>>
      %dma_start3A_73 = arith.constant 0 : i32
      %dma_start3A_74 = tpu.memref_slice %arg11[%add3A_13, %dma_start3A_73] : memref<10240x128xf32, #tpu.memory_space<vmem_shared>> -> memref<128x128xf32, #tpu.memory_space<vmem_shared>>
      %dma_start3A_75 = arith.constant 0 : i32
      %dma_start3A_76 = tpu.memref_slice %arg11[%add3A_13, %dma_start3A_75] : memref<10240x128xf32, #tpu.memory_space<vmem_shared>> -> memref<128x128xf32, #tpu.memory_space<vmem_shared>>
      %dma_start3A_77 = arith.constant 0 : i32
      %dma_start3A_78 = arith.constant 0 : i32
      %dma_start3A_79 = tpu.memref_slice %arg10[%run_scoped3A_14, %dma_start3A_77, %dma_start3A_78] : memref<2x128x128xf32, #tpu.memory_space<vmem>> -> memref<1x128x128xf32, #tpu.memory_space<vmem>>
      %dma_start3A_80 = tpu.memref_squeeze %dma_start3A_79 : memref<1x128x128xf32, #tpu.memory_space<vmem>> -> memref<128x128xf32, #tpu.memory_space<vmem>>
      tpu.enqueue_dma source(%dma_start3A_80 : memref<128x128xf32, #tpu.memory_space<vmem>>) target(%dma_start3A_76 : memref<128x128xf32, #tpu.memory_space<vmem_shared>>) target_semaphore(%run_scoped3A_68 : memref<!tpu.dma_semaphore, #tpu.memory_space<semaphore_mem>>)
      %dma_wait3A_81 = arith.constant 0 : i32
      %dma_wait3A_82 = arith.constant 0 : i32
      %dma_wait3A_83 = tpu.memref_slice %arg10[%run_scoped3A_14, %dma_wait3A_81, %dma_wait3A_82] : memref<2x128x128xf32, #tpu.memory_space<vmem>> -> memref<1x128x128xf32, #tpu.memory_space<vmem>>
      %dma_wait3A_84 = tpu.memref_squeeze %dma_wait3A_83 : memref<1x128x128xf32, #tpu.memory_space<vmem>> -> memref<128x128xf32, #tpu.memory_space<vmem>>
      %dma_wait3A_85 = arith.constant 0 : i32
      %dma_wait3A_86 = tpu.memref_slice %arg11[%add3A_13, %dma_wait3A_85] : memref<10240x128xf32, #tpu.memory_space<vmem_shared>> -> memref<128x128xf32, #tpu.memory_space<vmem_shared>>
      %dma_wait3A_87 = arith.constant 0 : i32
      %dma_wait3A_88 = tpu.memref_slice %arg11[%add3A_13, %dma_wait3A_87] : memref<10240x128xf32, #tpu.memory_space<vmem_shared>> -> memref<128x128xf32, #tpu.memory_space<vmem_shared>>
      %dma_wait3A_89 = arith.constant 0 : i32
      %dma_wait3A_90 = arith.constant 0 : i32
      %dma_wait3A_91 = tpu.memref_slice %arg10[%run_scoped3A_14, %dma_wait3A_89, %dma_wait3A_90] : memref<2x128x128xf32, #tpu.memory_space<vmem>> -> memref<1x128x128xf32, #tpu.memory_space<vmem>>
      %dma_wait3A_92 = tpu.memref_squeeze %dma_wait3A_91 : memref<1x128x128xf32, #tpu.memory_space<vmem>> -> memref<128x128xf32, #tpu.memory_space<vmem>>
      tpu.wait_dma2 semaphore(%run_scoped3A_68 : memref<!tpu.dma_semaphore, #tpu.memory_space<semaphore_mem>>) src(%dma_wait3A_92 : memref<128x128xf32, #tpu.memory_space<vmem>>) dst(%dma_wait3A_88 : memref<128x128xf32, #tpu.memory_space<vmem_shared>>)
      tpu.yield
    }) : () -> ()
    %add3A_15 = arith.constant 256 : i32
    %add3A_16 = arith.addi %mul3A_9, %add3A_15 : i32
    %run_scoped3A_17 = arith.constant 0 : i32
    "tpu.region"() ({
      %run_scoped3A_68 = tpu.sem_alloc : memref<!tpu.dma_semaphore, #tpu.memory_space<semaphore_mem>>
      %dma_start3A_69 = arith.constant 0 : i32
      %dma_start3A_70 = arith.constant 0 : i32
      %dma_start3A_71 = tpu.memref_slice %arg10[%run_scoped3A_17, %dma_start3A_69, %dma_start3A_70] : memref<2x128x128xf32, #tpu.memory_space<vmem>> -> memref<1x128x128xf32, #tpu.memory_space<vmem>>
      %dma_start3A_72 = tpu.memref_squeeze %dma_start3A_71 : memref<1x128x128xf32, #tpu.memory_space<vmem>> -> memref<128x128xf32, #tpu.memory_space<vmem>>
      %dma_start3A_73 = arith.constant 0 : i32
      %dma_start3A_74 = tpu.memref_slice %arg11[%add3A_16, %dma_start3A_73] : memref<10240x128xf32, #tpu.memory_space<vmem_shared>> -> memref<128x128xf32, #tpu.memory_space<vmem_shared>>
      %dma_start3A_75 = arith.constant 0 : i32
      %dma_start3A_76 = tpu.memref_slice %arg11[%add3A_16, %dma_start3A_75] : memref<10240x128xf32, #tpu.memory_space<vmem_shared>> -> memref<128x128xf32, #tpu.memory_space<vmem_shared>>
      %dma_start3A_77 = arith.constant 0 : i32
      %dma_start3A_78 = arith.constant 0 : i32
      %dma_start3A_79 = tpu.memref_slice %arg10[%run_scoped3A_17, %dma_start3A_77, %dma_start3A_78] : memref<2x128x128xf32, #tpu.memory_space<vmem>> -> memref<1x128x128xf32, #tpu.memory_space<vmem>>
      %dma_start3A_80 = tpu.memref_squeeze %dma_start3A_79 : memref<1x128x128xf32, #tpu.memory_space<vmem>> -> memref<128x128xf32, #tpu.memory_space<vmem>>
      tpu.enqueue_dma source(%dma_start3A_80 : memref<128x128xf32, #tpu.memory_space<vmem>>) target(%dma_start3A_76 : memref<128x128xf32, #tpu.memory_space<vmem_shared>>) target_semaphore(%run_scoped3A_68 : memref<!tpu.dma_semaphore, #tpu.memory_space<semaphore_mem>>)
      %dma_wait3A_81 = arith.constant 0 : i32
      %dma_wait3A_82 = arith.constant 0 : i32
      %dma_wait3A_83 = tpu.memref_slice %arg10[%run_scoped3A_17, %dma_wait3A_81, %dma_wait3A_82] : memref<2x128x128xf32, #tpu.memory_space<vmem>> -> memref<1x128x128xf32, #tpu.memory_space<vmem>>
      %dma_wait3A_84 = tpu.memref_squeeze %dma_wait3A_83 : memref<1x128x128xf32, #tpu.memory_space<vmem>> -> memref<128x128xf32, #tpu.memory_space<vmem>>
      %dma_wait3A_85 = arith.constant 0 : i32
      %dma_wait3A_86 = tpu.memref_slice %arg11[%add3A_16, %dma_wait3A_85] : memref<10240x128xf32, #tpu.memory_space<vmem_shared>> -> memref<128x128xf32, #tpu.memory_space<vmem_shared>>
      %dma_wait3A_87 = arith.constant 0 : i32
      %dma_wait3A_88 = tpu.memref_slice %arg11[%add3A_16, %dma_wait3A_87] : memref<10240x128xf32, #tpu.memory_space<vmem_shared>> -> memref<128x128xf32, #tpu.memory_space<vmem_shared>>
      %dma_wait3A_89 = arith.constant 0 : i32
      %dma_wait3A_90 = arith.constant 0 : i32
      %dma_wait3A_91 = tpu.memref_slice %arg10[%run_scoped3A_17, %dma_wait3A_89, %dma_wait3A_90] : memref<2x128x128xf32, #tpu.memory_space<vmem>> -> memref<1x128x128xf32, #tpu.memory_space<vmem>>
      %dma_wait3A_92 = tpu.memref_squeeze %dma_wait3A_91 : memref<1x128x128xf32, #tpu.memory_space<vmem>> -> memref<128x128xf32, #tpu.memory_space<vmem>>
      tpu.wait_dma2 semaphore(%run_scoped3A_68 : memref<!tpu.dma_semaphore, #tpu.memory_space<semaphore_mem>>) src(%dma_wait3A_92 : memref<128x128xf32, #tpu.memory_space<vmem>>) dst(%dma_wait3A_88 : memref<128x128xf32, #tpu.memory_space<vmem_shared>>)
      tpu.yield
    }) : () -> ()
    %add3A_18 = arith.constant 384 : i32
    %add3A_19 = arith.addi %mul3A_9, %add3A_18 : i32
    %run_scoped3A_20 = arith.constant 0 : i32
    "tpu.region"() ({
      %run_scoped3A_68 = tpu.sem_alloc : memref<!tpu.dma_semaphore, #tpu.memory_space<semaphore_mem>>
      %dma_start3A_69 = arith.constant 0 : i32
      %dma_start3A_70 = arith.constant 0 : i32
      %dma_start3A_71 = tpu.memref_slice %arg10[%run_scoped3A_20, %dma_start3A_69, %dma_start3A_70] : memref<2x128x128xf32, #tpu.memory_space<vmem>> -> memref<1x128x128xf32, #tpu.memory_space<vmem>>
      %dma_start3A_72 = tpu.memref_squeeze %dma_start3A_71 : memref<1x128x128xf32, #tpu.memory_space<vmem>> -> memref<128x128xf32, #tpu.memory_space<vmem>>
      %dma_start3A_73 = arith.constant 0 : i32
      %dma_start3A_74 = tpu.memref_slice %arg11[%add3A_19, %dma_start3A_73] : memref<10240x128xf32, #tpu.memory_space<vmem_shared>> -> memref<128x128xf32, #tpu.memory_space<vmem_shared>>
      %dma_start3A_75 = arith.constant 0 : i32
      %dma_start3A_76 = tpu.memref_slice %arg11[%add3A_19, %dma_start3A_75] : memref<10240x128xf32, #tpu.memory_space<vmem_shared>> -> memref<128x128xf32, #tpu.memory_space<vmem_shared>>
      %dma_start3A_77 = arith.constant 0 : i32
      %dma_start3A_78 = arith.constant 0 : i32
      %dma_start3A_79 = tpu.memref_slice %arg10[%run_scoped3A_20, %dma_start3A_77, %dma_start3A_78] : memref<2x128x128xf32, #tpu.memory_space<vmem>> -> memref<1x128x128xf32, #tpu.memory_space<vmem>>
      %dma_start3A_80 = tpu.memref_squeeze %dma_start3A_79 : memref<1x128x128xf32, #tpu.memory_space<vmem>> -> memref<128x128xf32, #tpu.memory_space<vmem>>
      tpu.enqueue_dma source(%dma_start3A_80 : memref<128x128xf32, #tpu.memory_space<vmem>>) target(%dma_start3A_76 : memref<128x128xf32, #tpu.memory_space<vmem_shared>>) target_semaphore(%run_scoped3A_68 : memref<!tpu.dma_semaphore, #tpu.memory_space<semaphore_mem>>)
      %dma_wait3A_81 = arith.constant 0 : i32
      %dma_wait3A_82 = arith.constant 0 : i32
      %dma_wait3A_83 = tpu.memref_slice %arg10[%run_scoped3A_20, %dma_wait3A_81, %dma_wait3A_82] : memref<2x128x128xf32, #tpu.memory_space<vmem>> -> memref<1x128x128xf32, #tpu.memory_space<vmem>>
      %dma_wait3A_84 = tpu.memref_squeeze %dma_wait3A_83 : memref<1x128x128xf32, #tpu.memory_space<vmem>> -> memref<128x128xf32, #tpu.memory_space<vmem>>
      %dma_wait3A_85 = arith.constant 0 : i32
      %dma_wait3A_86 = tpu.memref_slice %arg11[%add3A_19, %dma_wait3A_85] : memref<10240x128xf32, #tpu.memory_space<vmem_shared>> -> memref<128x128xf32, #tpu.memory_space<vmem_shared>>
      %dma_wait3A_87 = arith.constant 0 : i32
      %dma_wait3A_88 = tpu.memref_slice %arg11[%add3A_19, %dma_wait3A_87] : memref<10240x128xf32, #tpu.memory_space<vmem_shared>> -> memref<128x128xf32, #tpu.memory_space<vmem_shared>>
      %dma_wait3A_89 = arith.constant 0 : i32
      %dma_wait3A_90 = arith.constant 0 : i32
      %dma_wait3A_91 = tpu.memref_slice %arg10[%run_scoped3A_20, %dma_wait3A_89, %dma_wait3A_90] : memref<2x128x128xf32, #tpu.memory_space<vmem>> -> memref<1x128x128xf32, #tpu.memory_space<vmem>>
      %dma_wait3A_92 = tpu.memref_squeeze %dma_wait3A_91 : memref<1x128x128xf32, #tpu.memory_space<vmem>> -> memref<128x128xf32, #tpu.memory_space<vmem>>
      tpu.wait_dma2 semaphore(%run_scoped3A_68 : memref<!tpu.dma_semaphore, #tpu.memory_space<semaphore_mem>>) src(%dma_wait3A_92 : memref<128x128xf32, #tpu.memory_space<vmem>>) dst(%dma_wait3A_88 : memref<128x128xf32, #tpu.memory_space<vmem_shared>>)
      tpu.yield
    }) : () -> ()
    %add3A_21 = arith.constant 512 : i32
    %add3A_22 = arith.addi %mul3A_9, %add3A_21 : i32
    %run_scoped3A_23 = arith.constant 0 : i32
    "tpu.region"() ({
      %run_scoped3A_68 = tpu.sem_alloc : memref<!tpu.dma_semaphore, #tpu.memory_space<semaphore_mem>>
      %dma_start3A_69 = arith.constant 0 : i32
      %dma_start3A_70 = arith.constant 0 : i32
      %dma_start3A_71 = tpu.memref_slice %arg10[%run_scoped3A_23, %dma_start3A_69, %dma_start3A_70] : memref<2x128x128xf32, #tpu.memory_space<vmem>> -> memref<1x128x128xf32, #tpu.memory_space<vmem>>
      %dma_start3A_72 = tpu.memref_squeeze %dma_start3A_71 : memref<1x128x128xf32, #tpu.memory_space<vmem>> -> memref<128x128xf32, #tpu.memory_space<vmem>>
      %dma_start3A_73 = arith.constant 0 : i32
      %dma_start3A_74 = tpu.memref_slice %arg11[%add3A_22, %dma_start3A_73] : memref<10240x128xf32, #tpu.memory_space<vmem_shared>> -> memref<128x128xf32, #tpu.memory_space<vmem_shared>>
      %dma_start3A_75 = arith.constant 0 : i32
      %dma_start3A_76 = tpu.memref_slice %arg11[%add3A_22, %dma_start3A_75] : memref<10240x128xf32, #tpu.memory_space<vmem_shared>> -> memref<128x128xf32, #tpu.memory_space<vmem_shared>>
      %dma_start3A_77 = arith.constant 0 : i32
      %dma_start3A_78 = arith.constant 0 : i32
      %dma_start3A_79 = tpu.memref_slice %arg10[%run_scoped3A_23, %dma_start3A_77, %dma_start3A_78] : memref<2x128x128xf32, #tpu.memory_space<vmem>> -> memref<1x128x128xf32, #tpu.memory_space<vmem>>
      %dma_start3A_80 = tpu.memref_squeeze %dma_start3A_79 : memref<1x128x128xf32, #tpu.memory_space<vmem>> -> memref<128x128xf32, #tpu.memory_space<vmem>>
      tpu.enqueue_dma source(%dma_start3A_80 : memref<128x128xf32, #tpu.memory_space<vmem>>) target(%dma_start3A_76 : memref<128x128xf32, #tpu.memory_space<vmem_shared>>) target_semaphore(%run_scoped3A_68 : memref<!tpu.dma_semaphore, #tpu.memory_space<semaphore_mem>>)
      %dma_wait3A_81 = arith.constant 0 : i32
      %dma_wait3A_82 = arith.constant 0 : i32
      %dma_wait3A_83 = tpu.memref_slice %arg10[%run_scoped3A_23, %dma_wait3A_81, %dma_wait3A_82] : memref<2x128x128xf32, #tpu.memory_space<vmem>> -> memref<1x128x128xf32, #tpu.memory_space<vmem>>
      %dma_wait3A_84 = tpu.memref_squeeze %dma_wait3A_83 : memref<1x128x128xf32, #tpu.memory_space<vmem>> -> memref<128x128xf32, #tpu.memory_space<vmem>>
      %dma_wait3A_85 = arith.constant 0 : i32
      %dma_wait3A_86 = tpu.memref_slice %arg11[%add3A_22, %dma_wait3A_85] : memref<10240x128xf32, #tpu.memory_space<vmem_shared>> -> memref<128x128xf32, #tpu.memory_space<vmem_shared>>
      %dma_wait3A_87 = arith.constant 0 : i32
      %dma_wait3A_88 = tpu.memref_slice %arg11[%add3A_22, %dma_wait3A_87] : memref<10240x128xf32, #tpu.memory_space<vmem_shared>> -> memref<128x128xf32, #tpu.memory_space<vmem_shared>>
      %dma_wait3A_89 = arith.constant 0 : i32
      %dma_wait3A_90 = arith.constant 0 : i32
      %dma_wait3A_91 = tpu.memref_slice %arg10[%run_scoped3A_23, %dma_wait3A_89, %dma_wait3A_90] : memref<2x128x128xf32, #tpu.memory_space<vmem>> -> memref<1x128x128xf32, #tpu.memory_space<vmem>>
      %dma_wait3A_92 = tpu.memref_squeeze %dma_wait3A_91 : memref<1x128x128xf32, #tpu.memory_space<vmem>> -> memref<128x128xf32, #tpu.memory_space<vmem>>
      tpu.wait_dma2 semaphore(%run_scoped3A_68 : memref<!tpu.dma_semaphore, #tpu.memory_space<semaphore_mem>>) src(%dma_wait3A_92 : memref<128x128xf32, #tpu.memory_space<vmem>>) dst(%dma_wait3A_88 : memref<128x128xf32, #tpu.memory_space<vmem_shared>>)
      tpu.yield
    }) : () -> ()
    %barrier3A = arith.constant 0 : index
    tpu.barrier barrier_id(%barrier3A)
    %mul3A_24 = arith.constant 10000 : i32
    %mul3A_25 = arith.muli %add3A, %mul3A_24 : i32
    %scan3A_26 = arith.constant 0 : i32
    %scan3A_27 = arith.constant 0 : i32
    %scan3A_28 = arith.constant 39 : i32
    %scan3A_29 = arith.addi %scan3A_27, %scan3A_28 : i32
    %scan3A_30 = arith.constant 1 : i32
    %scan3A_31 = scf.for %scan3A_68 = %scan3A_27 to %scan3A_29 step %scan3A_30 iter_args(%scan3A_69 = %scan3A_26) -> (i32)  : i32 {
      %mul3A_70 = arith.constant 2 : i32
      %mul3A_71 = arith.muli %scan3A_68, %mul3A_70 : i32
      %add3A_72 = arith.constant 0 : i32
      %add3A_73 = arith.addi %mul3A_71, %add3A_72 : i32
      %mul3A_74 = arith.constant 128 : i32
      %mul3A_75 = arith.muli %add3A_73, %mul3A_74 : i32
      %add3A_76 = arith.addi %mul3A_25, %mul3A_75 : i32
      %run_scoped3A_77 = arith.constant 0 : i32
      "tpu.region"() ({
        %run_scoped3A_139 = tpu.sem_alloc : memref<!tpu.dma_semaphore, #tpu.memory_space<semaphore_mem>>
        %dma_start3A_140 = arith.constant 0 : i32
        %dma_start3A_141 = tpu.memref_slice %arg6[%run_scoped3A_77, %dma_start3A_140] : memref<2x128xi32, #tpu.memory_space<vmem>> -> memref<1x128xi32, #tpu.memory_space<vmem>>
        %dma_start3A_142 = tpu.memref_squeeze %dma_start3A_141 : memref<1x128xi32, #tpu.memory_space<vmem>> -> memref<128xi32, #tpu.memory_space<vmem>>
        %dma_start3A_143 = tpu.memref_slice %arg3[%add3A_76] : memref<320000xi32, #tpu.memory_space<hbm>> -> memref<128xi32, #tpu.memory_space<hbm>>
        %dma_start3A_144 = arith.constant 0 : i32
        %dma_start3A_145 = tpu.memref_slice %arg6[%run_scoped3A_77, %dma_start3A_144] : memref<2x128xi32, #tpu.memory_space<vmem>> -> memref<1x128xi32, #tpu.memory_space<vmem>>
        %dma_start3A_146 = tpu.memref_squeeze %dma_start3A_145 : memref<1x128xi32, #tpu.memory_space<vmem>> -> memref<128xi32, #tpu.memory_space<vmem>>
        %dma_start3A_147 = tpu.memref_slice %arg3[%add3A_76] : memref<320000xi32, #tpu.memory_space<hbm>> -> memref<128xi32, #tpu.memory_space<hbm>>
        tpu.enqueue_dma source(%dma_start3A_147 : memref<128xi32, #tpu.memory_space<hbm>>) target(%dma_start3A_146 : memref<128xi32, #tpu.memory_space<vmem>>) target_semaphore(%run_scoped3A_139 : memref<!tpu.dma_semaphore, #tpu.memory_space<semaphore_mem>>)
        %dma_wait3A_148 = arith.constant 0 : i32
        %dma_wait3A_149 = tpu.memref_slice %arg6[%run_scoped3A_77, %dma_wait3A_148] : memref<2x128xi32, #tpu.memory_space<vmem>> -> memref<1x128xi32, #tpu.memory_space<vmem>>
        %dma_wait3A_150 = tpu.memref_squeeze %dma_wait3A_149 : memref<1x128xi32, #tpu.memory_space<vmem>> -> memref<128xi32, #tpu.memory_space<vmem>>
        %dma_wait3A_151 = tpu.memref_slice %arg3[%add3A_76] : memref<320000xi32, #tpu.memory_space<hbm>> -> memref<128xi32, #tpu.memory_space<hbm>>
        %dma_wait3A_152 = arith.constant 0 : i32
        %dma_wait3A_153 = tpu.memref_slice %arg6[%run_scoped3A_77, %dma_wait3A_152] : memref<2x128xi32, #tpu.memory_space<vmem>> -> memref<1x128xi32, #tpu.memory_space<vmem>>
        %dma_wait3A_154 = tpu.memref_squeeze %dma_wait3A_153 : memref<1x128xi32, #tpu.memory_space<vmem>> -> memref<128xi32, #tpu.memory_space<vmem>>
        %dma_wait3A_155 = tpu.memref_slice %arg3[%add3A_76] : memref<320000xi32, #tpu.memory_space<hbm>> -> memref<128xi32, #tpu.memory_space<hbm>>
        tpu.wait_dma2 semaphore(%run_scoped3A_139 : memref<!tpu.dma_semaphore, #tpu.memory_space<semaphore_mem>>) src(%dma_wait3A_155 : memref<128xi32, #tpu.memory_space<hbm>>) dst(%dma_wait3A_154 : memref<128xi32, #tpu.memory_space<vmem>>)
        tpu.yield
      }) : () -> ()
      %run_scoped3A_78 = arith.constant 0 : i32
      "tpu.region"() ({
        %run_scoped3A_139 = tpu.sem_alloc : memref<!tpu.dma_semaphore, #tpu.memory_space<semaphore_mem>>
        %dma_start3A_140 = arith.constant 0 : i32
        %dma_start3A_141 = tpu.memref_slice %arg7[%run_scoped3A_78, %dma_start3A_140] : memref<2x128xi32, #tpu.memory_space<vmem>> -> memref<1x128xi32, #tpu.memory_space<vmem>>
        %dma_start3A_142 = tpu.memref_squeeze %dma_start3A_141 : memref<1x128xi32, #tpu.memory_space<vmem>> -> memref<128xi32, #tpu.memory_space<vmem>>
        %dma_start3A_143 = tpu.memref_slice %arg4[%add3A_76] : memref<320000xi32, #tpu.memory_space<hbm>> -> memref<128xi32, #tpu.memory_space<hbm>>
        %dma_start3A_144 = arith.constant 0 : i32
        %dma_start3A_145 = tpu.memref_slice %arg7[%run_scoped3A_78, %dma_start3A_144] : memref<2x128xi32, #tpu.memory_space<vmem>> -> memref<1x128xi32, #tpu.memory_space<vmem>>
        %dma_start3A_146 = tpu.memref_squeeze %dma_start3A_145 : memref<1x128xi32, #tpu.memory_space<vmem>> -> memref<128xi32, #tpu.memory_space<vmem>>
        %dma_start3A_147 = tpu.memref_slice %arg4[%add3A_76] : memref<320000xi32, #tpu.memory_space<hbm>> -> memref<128xi32, #tpu.memory_space<hbm>>
        tpu.enqueue_dma source(%dma_start3A_147 : memref<128xi32, #tpu.memory_space<hbm>>) target(%dma_start3A_146 : memref<128xi32, #tpu.memory_space<vmem>>) target_semaphore(%run_scoped3A_139 : memref<!tpu.dma_semaphore, #tpu.memory_space<semaphore_mem>>)
        %dma_wait3A_148 = arith.constant 0 : i32
        %dma_wait3A_149 = tpu.memref_slice %arg7[%run_scoped3A_78, %dma_wait3A_148] : memref<2x128xi32, #tpu.memory_space<vmem>> -> memref<1x128xi32, #tpu.memory_space<vmem>>
        %dma_wait3A_150 = tpu.memref_squeeze %dma_wait3A_149 : memref<1x128xi32, #tpu.memory_space<vmem>> -> memref<128xi32, #tpu.memory_space<vmem>>
        %dma_wait3A_151 = tpu.memref_slice %arg4[%add3A_76] : memref<320000xi32, #tpu.memory_space<hbm>> -> memref<128xi32, #tpu.memory_space<hbm>>
        %dma_wait3A_152 = arith.constant 0 : i32
        %dma_wait3A_153 = tpu.memref_slice %arg7[%run_scoped3A_78, %dma_wait3A_152] : memref<2x128xi32, #tpu.memory_space<vmem>> -> memref<1x128xi32, #tpu.memory_space<vmem>>
        %dma_wait3A_154 = tpu.memref_squeeze %dma_wait3A_153 : memref<1x128xi32, #tpu.memory_space<vmem>> -> memref<128xi32, #tpu.memory_space<vmem>>
        %dma_wait3A_155 = tpu.memref_slice %arg4[%add3A_76] : memref<320000xi32, #tpu.memory_space<hbm>> -> memref<128xi32, #tpu.memory_space<hbm>>
        tpu.wait_dma2 semaphore(%run_scoped3A_139 : memref<!tpu.dma_semaphore, #tpu.memory_space<semaphore_mem>>) src(%dma_wait3A_155 : memref<128xi32, #tpu.memory_space<hbm>>) dst(%dma_wait3A_154 : memref<128xi32, #tpu.memory_space<vmem>>)
        tpu.yield
      }) : () -> ()
      %dma_start3A_79 = arith.constant 0 : i32
      %dma_start3A_80 = arith.constant 0 : i32
      %dma_start3A_81 = arith.constant 0 : i32
      %dma_start3A_82 = arith.constant 0 : i32
      %dma_start3A_83 = tpu.memref_slice %arg10[%dma_start3A_80, %dma_start3A_81, %dma_start3A_82] : memref<2x128x128xf32, #tpu.memory_space<vmem>> -> memref<1x128x128xf32, #tpu.memory_space<vmem>>
      %dma_start3A_84 = tpu.memref_squeeze %dma_start3A_83 : memref<1x128x128xf32, #tpu.memory_space<vmem>> -> memref<128x128xf32, #tpu.memory_space<vmem>>
      %dma_start3A_85 = arith.constant 0 : i32
      %dma_start3A_86 = tpu.memref_slice %arg6[%dma_start3A_79, %dma_start3A_85] : memref<2x128xi32, #tpu.memory_space<vmem>> -> memref<1x128xi32, #tpu.memory_space<vmem>>
      %dma_start3A_87 = tpu.memref_squeeze %dma_start3A_86 : memref<1x128xi32, #tpu.memory_space<vmem>> -> memref<128xi32, #tpu.memory_space<vmem>>
      %dma_start3A_88 = arith.constant 0 : i32
      %dma_start3A_89 = arith.constant 0 : i32
      %dma_start3A_90 = tpu.memref_slice %arg2[%dma_start3A_88, %dma_start3A_89] : memref<10000x128xf32, #tpu.memory_space<hbm>> -> memref<10000x128xf32, #tpu.memory_space<hbm>>
      tpu.enqueue_indirect_dma source(%dma_start3A_90 : memref<10000x128xf32, #tpu.memory_space<hbm>>) target(%dma_start3A_84 : memref<128x128xf32, #tpu.memory_space<vmem>>) offsets(%dma_start3A_87 : memref<128xi32, #tpu.memory_space<vmem>>) semaphore(%arg12 : memref<!tpu.dma_semaphore, #tpu.memory_space<semaphore_mem>>)
      %add3A_91 = arith.constant 1 : i32
      %add3A_92 = arith.addi %mul3A_71, %add3A_91 : i32
      %mul3A_93 = arith.constant 128 : i32
      %mul3A_94 = arith.muli %add3A_92, %mul3A_93 : i32
      %add3A_95 = arith.addi %mul3A_25, %mul3A_94 : i32
      %run_scoped3A_96 = arith.constant 1 : i32
      "tpu.region"() ({
        %run_scoped3A_139 = tpu.sem_alloc : memref<!tpu.dma_semaphore, #tpu.memory_space<semaphore_mem>>
        %dma_start3A_140 = arith.constant 0 : i32
        %dma_start3A_141 = tpu.memref_slice %arg6[%run_scoped3A_96, %dma_start3A_140] : memref<2x128xi32, #tpu.memory_space<vmem>> -> memref<1x128xi32, #tpu.memory_space<vmem>>
        %dma_start3A_142 = tpu.memref_squeeze %dma_start3A_141 : memref<1x128xi32, #tpu.memory_space<vmem>> -> memref<128xi32, #tpu.memory_space<vmem>>
        %dma_start3A_143 = tpu.memref_slice %arg3[%add3A_95] : memref<320000xi32, #tpu.memory_space<hbm>> -> memref<128xi32, #tpu.memory_space<hbm>>
        %dma_start3A_144 = arith.constant 0 : i32
        %dma_start3A_145 = tpu.memref_slice %arg6[%run_scoped3A_96, %dma_start3A_144] : memref<2x128xi32, #tpu.memory_space<vmem>> -> memref<1x128xi32, #tpu.memory_space<vmem>>
        %dma_start3A_146 = tpu.memref_squeeze %dma_start3A_145 : memref<1x128xi32, #tpu.memory_space<vmem>> -> memref<128xi32, #tpu.memory_space<vmem>>
        %dma_start3A_147 = tpu.memref_slice %arg3[%add3A_95] : memref<320000xi32, #tpu.memory_space<hbm>> -> memref<128xi32, #tpu.memory_space<hbm>>
        tpu.enqueue_dma source(%dma_start3A_147 : memref<128xi32, #tpu.memory_space<hbm>>) target(%dma_start3A_146 : memref<128xi32, #tpu.memory_space<vmem>>) target_semaphore(%run_scoped3A_139 : memref<!tpu.dma_semaphore, #tpu.memory_space<semaphore_mem>>)
        %dma_wait3A_148 = arith.constant 0 : i32
        %dma_wait3A_149 = tpu.memref_slice %arg6[%run_scoped3A_96, %dma_wait3A_148] : memref<2x128xi32, #tpu.memory_space<vmem>> -> memref<1x128xi32, #tpu.memory_space<vmem>>
        %dma_wait3A_150 = tpu.memref_squeeze %dma_wait3A_149 : memref<1x128xi32, #tpu.memory_space<vmem>> -> memref<128xi32, #tpu.memory_space<vmem>>
        %dma_wait3A_151 = tpu.memref_slice %arg3[%add3A_95] : memref<320000xi32, #tpu.memory_space<hbm>> -> memref<128xi32, #tpu.memory_space<hbm>>
        %dma_wait3A_152 = arith.constant 0 : i32
        %dma_wait3A_153 = tpu.memref_slice %arg6[%run_scoped3A_96, %dma_wait3A_152] : memref<2x128xi32, #tpu.memory_space<vmem>> -> memref<1x128xi32, #tpu.memory_space<vmem>>
        %dma_wait3A_154 = tpu.memref_squeeze %dma_wait3A_153 : memref<1x128xi32, #tpu.memory_space<vmem>> -> memref<128xi32, #tpu.memory_space<vmem>>
        %dma_wait3A_155 = tpu.memref_slice %arg3[%add3A_95] : memref<320000xi32, #tpu.memory_space<hbm>> -> memref<128xi32, #tpu.memory_space<hbm>>
        tpu.wait_dma2 semaphore(%run_scoped3A_139 : memref<!tpu.dma_semaphore, #tpu.memory_space<semaphore_mem>>) src(%dma_wait3A_155 : memref<128xi32, #tpu.memory_space<hbm>>) dst(%dma_wait3A_154 : memref<128xi32, #tpu.memory_space<vmem>>)
        tpu.yield
      }) : () -> ()
      %run_scoped3A_97 = arith.constant 1 : i32
      "tpu.region"() ({
        %run_scoped3A_139 = tpu.sem_alloc : memref<!tpu.dma_semaphore, #tpu.memory_space<semaphore_mem>>
        %dma_start3A_140 = arith.constant 0 : i32
        %dma_start3A_141 = tpu.memref_slice %arg7[%run_scoped3A_97, %dma_start3A_140] : memref<2x128xi32, #tpu.memory_space<vmem>> -> memref<1x128xi32, #tpu.memory_space<vmem>>
        %dma_start3A_142 = tpu.memref_squeeze %dma_start3A_141 : memref<1x128xi32, #tpu.memory_space<vmem>> -> memref<128xi32, #tpu.memory_space<vmem>>
        %dma_start3A_143 = tpu.memref_slice %arg4[%add3A_95] : memref<320000xi32, #tpu.memory_space<hbm>> -> memref<128xi32, #tpu.memory_space<hbm>>
        %dma_start3A_144 = arith.constant 0 : i32
        %dma_start3A_145 = tpu.memref_slice %arg7[%run_scoped3A_97, %dma_start3A_144] : memref<2x128xi32, #tpu.memory_space<vmem>> -> memref<1x128xi32, #tpu.memory_space<vmem>>
        %dma_start3A_146 = tpu.memref_squeeze %dma_start3A_145 : memref<1x128xi32, #tpu.memory_space<vmem>> -> memref<128xi32, #tpu.memory_space<vmem>>
        %dma_start3A_147 = tpu.memref_slice %arg4[%add3A_95] : memref<320000xi32, #tpu.memory_space<hbm>> -> memref<128xi32, #tpu.memory_space<hbm>>
        tpu.enqueue_dma source(%dma_start3A_147 : memref<128xi32, #tpu.memory_space<hbm>>) target(%dma_start3A_146 : memref<128xi32, #tpu.memory_space<vmem>>) target_semaphore(%run_scoped3A_139 : memref<!tpu.dma_semaphore, #tpu.memory_space<semaphore_mem>>)
        %dma_wait3A_148 = arith.constant 0 : i32
        %dma_wait3A_149 = tpu.memref_slice %arg7[%run_scoped3A_97, %dma_wait3A_148] : memref<2x128xi32, #tpu.memory_space<vmem>> -> memref<1x128xi32, #tpu.memory_space<vmem>>
        %dma_wait3A_150 = tpu.memref_squeeze %dma_wait3A_149 : memref<1x128xi32, #tpu.memory_space<vmem>> -> memref<128xi32, #tpu.memory_space<vmem>>
        %dma_wait3A_151 = tpu.memref_slice %arg4[%add3A_95] : memref<320000xi32, #tpu.memory_space<hbm>> -> memref<128xi32, #tpu.memory_space<hbm>>
        %dma_wait3A_152 = arith.constant 0 : i32
        %dma_wait3A_153 = tpu.memref_slice %arg7[%run_scoped3A_97, %dma_wait3A_152] : memref<2x128xi32, #tpu.memory_space<vmem>> -> memref<1x128xi32, #tpu.memory_space<vmem>>
        %dma_wait3A_154 = tpu.memref_squeeze %dma_wait3A_153 : memref<1x128xi32, #tpu.memory_space<vmem>> -> memref<128xi32, #tpu.memory_space<vmem>>
        %dma_wait3A_155 = tpu.memref_slice %arg4[%add3A_95] : memref<320000xi32, #tpu.memory_space<hbm>> -> memref<128xi32, #tpu.memory_space<hbm>>
        tpu.wait_dma2 semaphore(%run_scoped3A_139 : memref<!tpu.dma_semaphore, #tpu.memory_space<semaphore_mem>>) src(%dma_wait3A_155 : memref<128xi32, #tpu.memory_space<hbm>>) dst(%dma_wait3A_154 : memref<128xi32, #tpu.memory_space<vmem>>)
        tpu.yield
      }) : () -> ()
      %dma_start3A_98 = arith.constant 1 : i32
      %dma_start3A_99 = arith.constant 1 : i32
      %dma_start3A_100 = arith.constant 0 : i32
      %dma_start3A_101 = arith.constant 0 : i32
      %dma_start3A_102 = tpu.memref_slice %arg10[%dma_start3A_99, %dma_start3A_100, %dma_start3A_101] : memref<2x128x128xf32, #tpu.memory_space<vmem>> -> memref<1x128x128xf32, #tpu.memory_space<vmem>>
      %dma_start3A_103 = tpu.memref_squeeze %dma_start3A_102 : memref<1x128x128xf32, #tpu.memory_space<vmem>> -> memref<128x128xf32, #tpu.memory_space<vmem>>
      %dma_start3A_104 = arith.constant 0 : i32
      %dma_start3A_105 = tpu.memref_slice %arg6[%dma_start3A_98, %dma_start3A_104] : memref<2x128xi32, #tpu.memory_space<vmem>> -> memref<1x128xi32, #tpu.memory_space<vmem>>
      %dma_start3A_106 = tpu.memref_squeeze %dma_start3A_105 : memref<1x128xi32, #tpu.memory_space<vmem>> -> memref<128xi32, #tpu.memory_space<vmem>>
      %dma_start3A_107 = arith.constant 0 : i32
      %dma_start3A_108 = arith.constant 0 : i32
      %dma_start3A_109 = tpu.memref_slice %arg2[%dma_start3A_107, %dma_start3A_108] : memref<10000x128xf32, #tpu.memory_space<hbm>> -> memref<10000x128xf32, #tpu.memory_space<hbm>>
      tpu.enqueue_indirect_dma source(%dma_start3A_109 : memref<10000x128xf32, #tpu.memory_space<hbm>>) target(%dma_start3A_103 : memref<128x128xf32, #tpu.memory_space<vmem>>) offsets(%dma_start3A_106 : memref<128xi32, #tpu.memory_space<vmem>>) semaphore(%arg12 : memref<!tpu.dma_semaphore, #tpu.memory_space<semaphore_mem>>)
      %dma_wait3A_110 = arith.constant 0 : i32
      %dma_wait3A_111 = arith.constant 0 : i32
      %dma_wait3A_112 = arith.constant 0 : i32
      %dma_wait3A_113 = arith.constant 0 : i32
      %dma_wait3A_114 = tpu.memref_slice %arg10[%dma_wait3A_111, %dma_wait3A_112, %dma_wait3A_113] : memref<2x128x128xf32, #tpu.memory_space<vmem>> -> memref<1x128x128xf32, #tpu.memory_space<vmem>>
      %dma_wait3A_115 = tpu.memref_squeeze %dma_wait3A_114 : memref<1x128x128xf32, #tpu.memory_space<vmem>> -> memref<128x128xf32, #tpu.memory_space<vmem>>
      %dma_wait3A_116 = arith.constant 0 : i32
      %dma_wait3A_117 = tpu.memref_slice %arg6[%dma_wait3A_110, %dma_wait3A_116] : memref<2x128xi32, #tpu.memory_space<vmem>> -> memref<1x128xi32, #tpu.memory_space<vmem>>
      %dma_wait3A_118 = tpu.memref_squeeze %dma_wait3A_117 : memref<1x128xi32, #tpu.memory_space<vmem>> -> memref<128xi32, #tpu.memory_space<vmem>>
      %dma_wait3A_119 = arith.constant 0 : i32
      %dma_wait3A_120 = arith.constant 0 : i32
      %dma_wait3A_121 = tpu.memref_slice %arg2[%dma_wait3A_119, %dma_wait3A_120] : memref<10000x128xf32, #tpu.memory_space<hbm>> -> memref<10000x128xf32, #tpu.memory_space<hbm>>
      tpu.wait_indirect_dma semaphore(%arg12 : memref<!tpu.dma_semaphore, #tpu.memory_space<semaphore_mem>>) src(%dma_wait3A_121 : memref<10000x128xf32, #tpu.memory_space<hbm>>) dst(%dma_wait3A_115 : memref<128x128xf32, #tpu.memory_space<vmem>>)
      %run_scoped3A_122 = arith.constant 0 : i32
      %run_scoped3A_123 = arith.constant 0 : i32
      "tpu.region"() ({
        %run_scoped3A_139 = tpu.sem_alloc : memref<!tpu.dma_semaphore, #tpu.memory_space<semaphore_mem>>
        %dma_start3A_140 = arith.constant 0 : i32
        %dma_start3A_141 = arith.constant 0 : i32
        %dma_start3A_142 = tpu.memref_slice %arg10[%run_scoped3A_122, %dma_start3A_140, %dma_start3A_141] : memref<2x128x128xf32, #tpu.memory_space<vmem>> -> memref<1x128x128xf32, #tpu.memory_space<vmem>>
        %dma_start3A_143 = tpu.memref_squeeze %dma_start3A_142 : memref<1x128x128xf32, #tpu.memory_space<vmem>> -> memref<128x128xf32, #tpu.memory_space<vmem>>
        %dma_start3A_144 = arith.constant 0 : i32
        %dma_start3A_145 = tpu.memref_slice %arg7[%run_scoped3A_123, %dma_start3A_144] : memref<2x128xi32, #tpu.memory_space<vmem>> -> memref<1x128xi32, #tpu.memory_space<vmem>>
        %dma_start3A_146 = tpu.memref_squeeze %dma_start3A_145 : memref<1x128xi32, #tpu.memory_space<vmem>> -> memref<128xi32, #tpu.memory_space<vmem>>
        %dma_start3A_147 = arith.constant 0 : i32
        %dma_start3A_148 = arith.constant 0 : i32
        %dma_start3A_149 = tpu.memref_slice %arg11[%dma_start3A_147, %dma_start3A_148] : memref<10240x128xf32, #tpu.memory_space<vmem_shared>> -> memref<10240x128xf32, #tpu.memory_space<vmem_shared>>
        tpu.enqueue_indirect_dma source(%dma_start3A_143 : memref<128x128xf32, #tpu.memory_space<vmem>>) target(%dma_start3A_149 : memref<10240x128xf32, #tpu.memory_space<vmem_shared>>) offsets(%dma_start3A_146 : memref<128xi32, #tpu.memory_space<vmem>>) semaphore(%run_scoped3A_139 : memref<!tpu.dma_semaphore, #tpu.memory_space<semaphore_mem>>) {add = true}
        %dma_wait3A_150 = arith.constant 0 : i32
        %dma_wait3A_151 = arith.constant 0 : i32
        %dma_wait3A_152 = tpu.memref_slice %arg10[%run_scoped3A_122, %dma_wait3A_150, %dma_wait3A_151] : memref<2x128x128xf32, #tpu.memory_space<vmem>> -> memref<1x128x128xf32, #tpu.memory_space<vmem>>
        %dma_wait3A_153 = tpu.memref_squeeze %dma_wait3A_152 : memref<1x128x128xf32, #tpu.memory_space<vmem>> -> memref<128x128xf32, #tpu.memory_space<vmem>>
        %dma_wait3A_154 = arith.constant 0 : i32
        %dma_wait3A_155 = tpu.memref_slice %arg7[%run_scoped3A_123, %dma_wait3A_154] : memref<2x128xi32, #tpu.memory_space<vmem>> -> memref<1x128xi32, #tpu.memory_space<vmem>>
        %dma_wait3A_156 = tpu.memref_squeeze %dma_wait3A_155 : memref<1x128xi32, #tpu.memory_space<vmem>> -> memref<128xi32, #tpu.memory_space<vmem>>
        %dma_wait3A_157 = arith.constant 0 : i32
        %dma_wait3A_158 = arith.constant 0 : i32
        %dma_wait3A_159 = tpu.memref_slice %arg11[%dma_wait3A_157, %dma_wait3A_158] : memref<10240x128xf32, #tpu.memory_space<vmem_shared>> -> memref<10240x128xf32, #tpu.memory_space<vmem_shared>>
        tpu.wait_indirect_dma semaphore(%run_scoped3A_139 : memref<!tpu.dma_semaphore, #tpu.memory_space<semaphore_mem>>) src(%dma_wait3A_153 : memref<128x128xf32, #tpu.memory_space<vmem>>) dst(%dma_wait3A_159 : memref<10240x128xf32, #tpu.memory_space<vmem_shared>>)
        tpu.yield
      }) : () -> ()
      %dma_wait3A_124 = arith.constant 1 : i32
      %dma_wait3A_125 = arith.constant 1 : i32
      %dma_wait3A_126 = arith.constant 0 : i32
      %dma_wait3A_127 = arith.constant 0 : i32
      %dma_wait3A_128 = tpu.memref_slice %arg10[%dma_wait3A_125, %dma_wait3A_126, %dma_wait3A_127] : memref<2x128x128xf32, #tpu.memory_space<vmem>> -> memref<1x128x128xf32, #tpu.memory_space<vmem>>
      %dma_wait3A_129 = tpu.memref_squeeze %dma_wait3A_128 : memref<1x128x128xf32, #tpu.memory_space<vmem>> -> memref<128x128xf32, #tpu.memory_space<vmem>>
      %dma_wait3A_130 = arith.constant 0 : i32
      %dma_wait3A_131 = tpu.memref_slice %arg6[%dma_wait3A_124, %dma_wait3A_130] : memref<2x128xi32, #tpu.memory_space<vmem>> -> memref<1x128xi32, #tpu.memory_space<vmem>>
      %dma_wait3A_132 = tpu.memref_squeeze %dma_wait3A_131 : memref<1x128xi32, #tpu.memory_space<vmem>> -> memref<128xi32, #tpu.memory_space<vmem>>
      %dma_wait3A_133 = arith.constant 0 : i32
      %dma_wait3A_134 = arith.constant 0 : i32
      %dma_wait3A_135 = tpu.memref_slice %arg2[%dma_wait3A_133, %dma_wait3A_134] : memref<10000x128xf32, #tpu.memory_space<hbm>> -> memref<10000x128xf32, #tpu.memory_space<hbm>>
      tpu.wait_indirect_dma semaphore(%arg12 : memref<!tpu.dma_semaphore, #tpu.memory_space<semaphore_mem>>) src(%dma_wait3A_135 : memref<10000x128xf32, #tpu.memory_space<hbm>>) dst(%dma_wait3A_129 : memref<128x128xf32, #tpu.memory_space<vmem>>)
      %run_scoped3A_136 = arith.constant 1 : i32
      %run_scoped3A_137 = arith.constant 1 : i32
      "tpu.region"() ({
        %run_scoped3A_139 = tpu.sem_alloc : memref<!tpu.dma_semaphore, #tpu.memory_space<semaphore_mem>>
        %dma_start3A_140 = arith.constant 0 : i32
        %dma_start3A_141 = arith.constant 0 : i32
        %dma_start3A_142 = tpu.memref_slice %arg10[%run_scoped3A_136, %dma_start3A_140, %dma_start3A_141] : memref<2x128x128xf32, #tpu.memory_space<vmem>> -> memref<1x128x128xf32, #tpu.memory_space<vmem>>
        %dma_start3A_143 = tpu.memref_squeeze %dma_start3A_142 : memref<1x128x128xf32, #tpu.memory_space<vmem>> -> memref<128x128xf32, #tpu.memory_space<vmem>>
        %dma_start3A_144 = arith.constant 0 : i32
        %dma_start3A_145 = tpu.memref_slice %arg7[%run_scoped3A_137, %dma_start3A_144] : memref<2x128xi32, #tpu.memory_space<vmem>> -> memref<1x128xi32, #tpu.memory_space<vmem>>
        %dma_start3A_146 = tpu.memref_squeeze %dma_start3A_145 : memref<1x128xi32, #tpu.memory_space<vmem>> -> memref<128xi32, #tpu.memory_space<vmem>>
        %dma_start3A_147 = arith.constant 0 : i32
        %dma_start3A_148 = arith.constant 0 : i32
        %dma_start3A_149 = tpu.memref_slice %arg11[%dma_start3A_147, %dma_start3A_148] : memref<10240x128xf32, #tpu.memory_space<vmem_shared>> -> memref<10240x128xf32, #tpu.memory_space<vmem_shared>>
        tpu.enqueue_indirect_dma source(%dma_start3A_143 : memref<128x128xf32, #tpu.memory_space<vmem>>) target(%dma_start3A_149 : memref<10240x128xf32, #tpu.memory_space<vmem_shared>>) offsets(%dma_start3A_146 : memref<128xi32, #tpu.memory_space<vmem>>) semaphore(%run_scoped3A_139 : memref<!tpu.dma_semaphore, #tpu.memory_space<semaphore_mem>>) {add = true}
        %dma_wait3A_150 = arith.constant 0 : i32
        %dma_wait3A_151 = arith.constant 0 : i32
        %dma_wait3A_152 = tpu.memref_slice %arg10[%run_scoped3A_136, %dma_wait3A_150, %dma_wait3A_151] : memref<2x128x128xf32, #tpu.memory_space<vmem>> -> memref<1x128x128xf32, #tpu.memory_space<vmem>>
        %dma_wait3A_153 = tpu.memref_squeeze %dma_wait3A_152 : memref<1x128x128xf32, #tpu.memory_space<vmem>> -> memref<128x128xf32, #tpu.memory_space<vmem>>
        %dma_wait3A_154 = arith.constant 0 : i32
        %dma_wait3A_155 = tpu.memref_slice %arg7[%run_scoped3A_137, %dma_wait3A_154] : memref<2x128xi32, #tpu.memory_space<vmem>> -> memref<1x128xi32, #tpu.memory_space<vmem>>
        %dma_wait3A_156 = tpu.memref_squeeze %dma_wait3A_155 : memref<1x128xi32, #tpu.memory_space<vmem>> -> memref<128xi32, #tpu.memory_space<vmem>>
        %dma_wait3A_157 = arith.constant 0 : i32
        %dma_wait3A_158 = arith.constant 0 : i32
        %dma_wait3A_159 = tpu.memref_slice %arg11[%dma_wait3A_157, %dma_wait3A_158] : memref<10240x128xf32, #tpu.memory_space<vmem_shared>> -> memref<10240x128xf32, #tpu.memory_space<vmem_shared>>
        tpu.wait_indirect_dma semaphore(%run_scoped3A_139 : memref<!tpu.dma_semaphore, #tpu.memory_space<semaphore_mem>>) src(%dma_wait3A_153 : memref<128x128xf32, #tpu.memory_space<vmem>>) dst(%dma_wait3A_159 : memref<10240x128xf32, #tpu.memory_space<vmem_shared>>)
        tpu.yield
      }) : () -> ()
      %scan3A_138 = arith.constant 0 : i32
      scf.yield %scan3A_138 : i32
    }
    %scan3A_32 = arith.constant 39 : i32
    %add3A_33 = arith.constant 9984 : i32
    %add3A_34 = arith.addi %mul3A_25, %add3A_33 : i32
    %run_scoped3A_35 = arith.constant 0 : i32
    "tpu.region"() ({
      %run_scoped3A_68 = tpu.sem_alloc : memref<!tpu.dma_semaphore, #tpu.memory_space<semaphore_mem>>
      %dma_start3A_69 = arith.constant 0 : i32
      %dma_start3A_70 = tpu.memref_slice %arg8[%run_scoped3A_35, %dma_start3A_69] : memref<1x16xi32, #tpu.memory_space<vmem>> -> memref<1x16xi32, #tpu.memory_space<vmem>>
      %dma_start3A_71 = tpu.memref_squeeze %dma_start3A_70 : memref<1x16xi32, #tpu.memory_space<vmem>> -> memref<16xi32, #tpu.memory_space<vmem>>
      %dma_start3A_72 = tpu.memref_slice %arg3[%add3A_34] : memref<320000xi32, #tpu.memory_space<hbm>> -> memref<16xi32, #tpu.memory_space<hbm>>
      %dma_start3A_73 = arith.constant 0 : i32
      %dma_start3A_74 = tpu.memref_slice %arg8[%run_scoped3A_35, %dma_start3A_73] : memref<1x16xi32, #tpu.memory_space<vmem>> -> memref<1x16xi32, #tpu.memory_space<vmem>>
      %dma_start3A_75 = tpu.memref_squeeze %dma_start3A_74 : memref<1x16xi32, #tpu.memory_space<vmem>> -> memref<16xi32, #tpu.memory_space<vmem>>
      %dma_start3A_76 = tpu.memref_slice %arg3[%add3A_34] : memref<320000xi32, #tpu.memory_space<hbm>> -> memref<16xi32, #tpu.memory_space<hbm>>
      tpu.enqueue_dma source(%dma_start3A_76 : memref<16xi32, #tpu.memory_space<hbm>>) target(%dma_start3A_75 : memref<16xi32, #tpu.memory_space<vmem>>) target_semaphore(%run_scoped3A_68 : memref<!tpu.dma_semaphore, #tpu.memory_space<semaphore_mem>>)
      %dma_wait3A_77 = arith.constant 0 : i32
      %dma_wait3A_78 = tpu.memref_slice %arg8[%run_scoped3A_35, %dma_wait3A_77] : memref<1x16xi32, #tpu.memory_space<vmem>> -> memref<1x16xi32, #tpu.memory_space<vmem>>
      %dma_wait3A_79 = tpu.memref_squeeze %dma_wait3A_78 : memref<1x16xi32, #tpu.memory_space<vmem>> -> memref<16xi32, #tpu.memory_space<vmem>>
      %dma_wait3A_80 = tpu.memref_slice %arg3[%add3A_34] : memref<320000xi32, #tpu.memory_space<hbm>> -> memref<16xi32, #tpu.memory_space<hbm>>
      %dma_wait3A_81 = arith.constant 0 : i32
      %dma_wait3A_82 = tpu.memref_slice %arg8[%run_scoped3A_35, %dma_wait3A_81] : memref<1x16xi32, #tpu.memory_space<vmem>> -> memref<1x16xi32, #tpu.memory_space<vmem>>
      %dma_wait3A_83 = tpu.memref_squeeze %dma_wait3A_82 : memref<1x16xi32, #tpu.memory_space<vmem>> -> memref<16xi32, #tpu.memory_space<vmem>>
      %dma_wait3A_84 = tpu.memref_slice %arg3[%add3A_34] : memref<320000xi32, #tpu.memory_space<hbm>> -> memref<16xi32, #tpu.memory_space<hbm>>
      tpu.wait_dma2 semaphore(%run_scoped3A_68 : memref<!tpu.dma_semaphore, #tpu.memory_space<semaphore_mem>>) src(%dma_wait3A_84 : memref<16xi32, #tpu.memory_space<hbm>>) dst(%dma_wait3A_83 : memref<16xi32, #tpu.memory_space<vmem>>)
      tpu.yield
    }) : () -> ()
    %run_scoped3A_36 = arith.constant 0 : i32
    "tpu.region"() ({
      %run_scoped3A_68 = tpu.sem_alloc : memref<!tpu.dma_semaphore, #tpu.memory_space<semaphore_mem>>
      %dma_start3A_69 = arith.constant 0 : i32
      %dma_start3A_70 = tpu.memref_slice %arg9[%run_scoped3A_36, %dma_start3A_69] : memref<1x16xi32, #tpu.memory_space<vmem>> -> memref<1x16xi32, #tpu.memory_space<vmem>>
      %dma_start3A_71 = tpu.memref_squeeze %dma_start3A_70 : memref<1x16xi32, #tpu.memory_space<vmem>> -> memref<16xi32, #tpu.memory_space<vmem>>
      %dma_start3A_72 = tpu.memref_slice %arg4[%add3A_34] : memref<320000xi32, #tpu.memory_space<hbm>> -> memref<16xi32, #tpu.memory_space<hbm>>
      %dma_start3A_73 = arith.constant 0 : i32
      %dma_start3A_74 = tpu.memref_slice %arg9[%run_scoped3A_36, %dma_start3A_73] : memref<1x16xi32, #tpu.memory_space<vmem>> -> memref<1x16xi32, #tpu.memory_space<vmem>>
      %dma_start3A_75 = tpu.memref_squeeze %dma_start3A_74 : memref<1x16xi32, #tpu.memory_space<vmem>> -> memref<16xi32, #tpu.memory_space<vmem>>
      %dma_start3A_76 = tpu.memref_slice %arg4[%add3A_34] : memref<320000xi32, #tpu.memory_space<hbm>> -> memref<16xi32, #tpu.memory_space<hbm>>
      tpu.enqueue_dma source(%dma_start3A_76 : memref<16xi32, #tpu.memory_space<hbm>>) target(%dma_start3A_75 : memref<16xi32, #tpu.memory_space<vmem>>) target_semaphore(%run_scoped3A_68 : memref<!tpu.dma_semaphore, #tpu.memory_space<semaphore_mem>>)
      %dma_wait3A_77 = arith.constant 0 : i32
      %dma_wait3A_78 = tpu.memref_slice %arg9[%run_scoped3A_36, %dma_wait3A_77] : memref<1x16xi32, #tpu.memory_space<vmem>> -> memref<1x16xi32, #tpu.memory_space<vmem>>
      %dma_wait3A_79 = tpu.memref_squeeze %dma_wait3A_78 : memref<1x16xi32, #tpu.memory_space<vmem>> -> memref<16xi32, #tpu.memory_space<vmem>>
      %dma_wait3A_80 = tpu.memref_slice %arg4[%add3A_34] : memref<320000xi32, #tpu.memory_space<hbm>> -> memref<16xi32, #tpu.memory_space<hbm>>
      %dma_wait3A_81 = arith.constant 0 : i32
      %dma_wait3A_82 = tpu.memref_slice %arg9[%run_scoped3A_36, %dma_wait3A_81] : memref<1x16xi32, #tpu.memory_space<vmem>> -> memref<1x16xi32, #tpu.memory_space<vmem>>
      %dma_wait3A_83 = tpu.memref_squeeze %dma_wait3A_82 : memref<1x16xi32, #tpu.memory_space<vmem>> -> memref<16xi32, #tpu.memory_space<vmem>>
      %dma_wait3A_84 = tpu.memref_slice %arg4[%add3A_34] : memref<320000xi32, #tpu.memory_space<hbm>> -> memref<16xi32, #tpu.memory_space<hbm>>
      tpu.wait_dma2 semaphore(%run_scoped3A_68 : memref<!tpu.dma_semaphore, #tpu.memory_space<semaphore_mem>>) src(%dma_wait3A_84 : memref<16xi32, #tpu.memory_space<hbm>>) dst(%dma_wait3A_83 : memref<16xi32, #tpu.memory_space<vmem>>)
      tpu.yield
    }) : () -> ()
    %dma_start3A = arith.constant 0 : i32
    %dma_start3A_37 = arith.constant 0 : i32
    %dma_start3A_38 = arith.constant 0 : i32
    %dma_start3A_39 = arith.constant 0 : i32
    %dma_start3A_40 = tpu.memref_slice %arg10[%dma_start3A_37, %dma_start3A_38, %dma_start3A_39] : memref<2x128x128xf32, #tpu.memory_space<vmem>> -> memref<1x128x128xf32, #tpu.memory_space<vmem>>
    %dma_start3A_41 = tpu.memref_squeeze %dma_start3A_40 : memref<1x128x128xf32, #tpu.memory_space<vmem>> -> memref<128x128xf32, #tpu.memory_space<vmem>>
    %dma_start3A_42 = arith.constant 0 : i32
    %dma_start3A_43 = arith.constant 0 : i32
    %dma_start3A_44 = tpu.memref_slice %dma_start3A_41[%dma_start3A_42, %dma_start3A_43] : memref<128x128xf32, #tpu.memory_space<vmem>> -> memref<16x128xf32, #tpu.memory_space<vmem>>
    %dma_start3A_45 = arith.constant 0 : i32
    %dma_start3A_46 = tpu.memref_slice %arg8[%dma_start3A, %dma_start3A_45] : memref<1x16xi32, #tpu.memory_space<vmem>> -> memref<1x16xi32, #tpu.memory_space<vmem>>
    %dma_start3A_47 = tpu.memref_squeeze %dma_start3A_46 : memref<1x16xi32, #tpu.memory_space<vmem>> -> memref<16xi32, #tpu.memory_space<vmem>>
    %dma_start3A_48 = arith.constant 0 : i32
    %dma_start3A_49 = arith.constant 0 : i32
    %dma_start3A_50 = tpu.memref_slice %arg2[%dma_start3A_48, %dma_start3A_49] : memref<10000x128xf32, #tpu.memory_space<hbm>> -> memref<10000x128xf32, #tpu.memory_space<hbm>>
    tpu.enqueue_indirect_dma source(%dma_start3A_50 : memref<10000x128xf32, #tpu.memory_space<hbm>>) target(%dma_start3A_44 : memref<16x128xf32, #tpu.memory_space<vmem>>) offsets(%dma_start3A_47 : memref<16xi32, #tpu.memory_space<vmem>>) semaphore(%arg12 : memref<!tpu.dma_semaphore, #tpu.memory_space<semaphore_mem>>)
    %dma_wait3A = arith.constant 0 : i32
    %dma_wait3A_51 = arith.constant 0 : i32
    %dma_wait3A_52 = arith.constant 0 : i32
    %dma_wait3A_53 = arith.constant 0 : i32
    %dma_wait3A_54 = tpu.memref_slice %arg10[%dma_wait3A_51, %dma_wait3A_52, %dma_wait3A_53] : memref<2x128x128xf32, #tpu.memory_space<vmem>> -> memref<1x128x128xf32, #tpu.memory_space<vmem>>
    %dma_wait3A_55 = tpu.memref_squeeze %dma_wait3A_54 : memref<1x128x128xf32, #tpu.memory_space<vmem>> -> memref<128x128xf32, #tpu.memory_space<vmem>>
    %dma_wait3A_56 = arith.constant 0 : i32
    %dma_wait3A_57 = arith.constant 0 : i32
    %dma_wait3A_58 = tpu.memref_slice %dma_wait3A_55[%dma_wait3A_56, %dma_wait3A_57] : memref<128x128xf32, #tpu.memory_space<vmem>> -> memref<16x128xf32, #tpu.memory_space<vmem>>
    %dma_wait3A_59 = arith.constant 0 : i32
    %dma_wait3A_60 = tpu.memref_slice %arg8[%dma_wait3A, %dma_wait3A_59] : memref<1x16xi32, #tpu.memory_space<vmem>> -> memref<1x16xi32, #tpu.memory_space<vmem>>
    %dma_wait3A_61 = tpu.memref_squeeze %dma_wait3A_60 : memref<1x16xi32, #tpu.memory_space<vmem>> -> memref<16xi32, #tpu.memory_space<vmem>>
    %dma_wait3A_62 = arith.constant 0 : i32
    %dma_wait3A_63 = arith.constant 0 : i32
    %dma_wait3A_64 = tpu.memref_slice %arg2[%dma_wait3A_62, %dma_wait3A_63] : memref<10000x128xf32, #tpu.memory_space<hbm>> -> memref<10000x128xf32, #tpu.memory_space<hbm>>
    tpu.wait_indirect_dma semaphore(%arg12 : memref<!tpu.dma_semaphore, #tpu.memory_space<semaphore_mem>>) src(%dma_wait3A_64 : memref<10000x128xf32, #tpu.memory_space<hbm>>) dst(%dma_wait3A_58 : memref<16x128xf32, #tpu.memory_space<vmem>>)
    %run_scoped3A_65 = arith.constant 0 : i32
    %run_scoped3A_66 = arith.constant 0 : i32
    "tpu.region"() ({
      %run_scoped3A_68 = tpu.sem_alloc : memref<!tpu.dma_semaphore, #tpu.memory_space<semaphore_mem>>
      %dma_start3A_69 = arith.constant 0 : i32
      %dma_start3A_70 = arith.constant 0 : i32
      %dma_start3A_71 = tpu.memref_slice %arg10[%run_scoped3A_65, %dma_start3A_69, %dma_start3A_70] : memref<2x128x128xf32, #tpu.memory_space<vmem>> -> memref<1x128x128xf32, #tpu.memory_space<vmem>>
      %dma_start3A_72 = tpu.memref_squeeze %dma_start3A_71 : memref<1x128x128xf32, #tpu.memory_space<vmem>> -> memref<128x128xf32, #tpu.memory_space<vmem>>
      %dma_start3A_73 = arith.constant 0 : i32
      %dma_start3A_74 = arith.constant 0 : i32
      %dma_start3A_75 = tpu.memref_slice %dma_start3A_72[%dma_start3A_73, %dma_start3A_74] : memref<128x128xf32, #tpu.memory_space<vmem>> -> memref<16x128xf32, #tpu.memory_space<vmem>>
      %dma_start3A_76 = arith.constant 0 : i32
      %dma_start3A_77 = tpu.memref_slice %arg9[%run_scoped3A_66, %dma_start3A_76] : memref<1x16xi32, #tpu.memory_space<vmem>> -> memref<1x16xi32, #tpu.memory_space<vmem>>
      %dma_start3A_78 = tpu.memref_squeeze %dma_start3A_77 : memref<1x16xi32, #tpu.memory_space<vmem>> -> memref<16xi32, #tpu.memory_space<vmem>>
      %dma_start3A_79 = arith.constant 0 : i32
      %dma_start3A_80 = arith.constant 0 : i32
      %dma_start3A_81 = tpu.memref_slice %arg11[%dma_start3A_79, %dma_start3A_80] : memref<10240x128xf32, #tpu.memory_space<vmem_shared>> -> memref<10240x128xf32, #tpu.memory_space<vmem_shared>>
      tpu.enqueue_indirect_dma source(%dma_start3A_75 : memref<16x128xf32, #tpu.memory_space<vmem>>) target(%dma_start3A_81 : memref<10240x128xf32, #tpu.memory_space<vmem_shared>>) offsets(%dma_start3A_78 : memref<16xi32, #tpu.memory_space<vmem>>) semaphore(%run_scoped3A_68 : memref<!tpu.dma_semaphore, #tpu.memory_space<semaphore_mem>>) {add = true}
      %dma_wait3A_82 = arith.constant 0 : i32
      %dma_wait3A_83 = arith.constant 0 : i32
      %dma_wait3A_84 = tpu.memref_slice %arg10[%run_scoped3A_65, %dma_wait3A_82, %dma_wait3A_83] : memref<2x128x128xf32, #tpu.memory_space<vmem>> -> memref<1x128x128xf32, #tpu.memory_space<vmem>>
      %dma_wait3A_85 = tpu.memref_squeeze %dma_wait3A_84 : memref<1x128x128xf32, #tpu.memory_space<vmem>> -> memref<128x128xf32, #tpu.memory_space<vmem>>
      %dma_wait3A_86 = arith.constant 0 : i32
      %dma_wait3A_87 = arith.constant 0 : i32
      %dma_wait3A_88 = tpu.memref_slice %dma_wait3A_85[%dma_wait3A_86, %dma_wait3A_87] : memref<128x128xf32, #tpu.memory_space<vmem>> -> memref<16x128xf32, #tpu.memory_space<vmem>>
      %dma_wait3A_89 = arith.constant 0 : i32
      %dma_wait3A_90 = tpu.memref_slice %arg9[%run_scoped3A_66, %dma_wait3A_89] : memref<1x16xi32, #tpu.memory_space<vmem>> -> memref<1x16xi32, #tpu.memory_space<vmem>>
      %dma_wait3A_91 = tpu.memref_squeeze %dma_wait3A_90 : memref<1x16xi32, #tpu.memory_space<vmem>> -> memref<16xi32, #tpu.memory_space<vmem>>
      %dma_wait3A_92 = arith.constant 0 : i32
      %dma_wait3A_93 = arith.constant 0 : i32
      %dma_wait3A_94 = tpu.memref_slice %arg11[%dma_wait3A_92, %dma_wait3A_93] : memref<10240x128xf32, #tpu.memory_space<vmem_shared>> -> memref<10240x128xf32, #tpu.memory_space<vmem_shared>>
      tpu.wait_indirect_dma semaphore(%run_scoped3A_68 : memref<!tpu.dma_semaphore, #tpu.memory_space<semaphore_mem>>) src(%dma_wait3A_88 : memref<16x128xf32, #tpu.memory_space<vmem>>) dst(%dma_wait3A_94 : memref<10240x128xf32, #tpu.memory_space<vmem_shared>>)
      tpu.yield
    }) : () -> ()
    %barrier3A_67 = arith.constant 0 : index
    tpu.barrier barrier_id(%barrier3A_67)
    "tpu.region"() ({
      %run_scoped3A_68 = tpu.sem_alloc : memref<!tpu.dma_semaphore, #tpu.memory_space<semaphore_mem>>
      %dma_start3A_69 = arith.constant 0 : i32
      %dma_start3A_70 = arith.constant 0 : i32
      %dma_start3A_71 = tpu.memref_slice %arg5[%arg0, %dma_start3A_69, %dma_start3A_70] : memref<2x10240x128xf32, #tpu.memory_space<hbm>> -> memref<1x10240x128xf32, #tpu.memory_space<hbm>>
      %dma_start3A_72 = tpu.memref_squeeze %dma_start3A_71 : memref<1x10240x128xf32, #tpu.memory_space<hbm>> -> memref<10240x128xf32, #tpu.memory_space<hbm>>
      %dma_start3A_73 = arith.constant 0 : i32
      %dma_start3A_74 = tpu.memref_slice %dma_start3A_72[%mul3A_9, %dma_start3A_73] : memref<10240x128xf32, #tpu.memory_space<hbm>> -> memref<640x128xf32, #tpu.memory_space<hbm>>
      %dma_start3A_75 = arith.constant 0 : i32
      %dma_start3A_76 = tpu.memref_slice %arg11[%mul3A_9, %dma_start3A_75] : memref<10240x128xf32, #tpu.memory_space<vmem_shared>> -> memref<640x128xf32, #tpu.memory_space<vmem_shared>>
      tpu.enqueue_dma source(%dma_start3A_76 : memref<640x128xf32, #tpu.memory_space<vmem_shared>>) target(%dma_start3A_74 : memref<640x128xf32, #tpu.memory_space<hbm>>) target_semaphore(%run_scoped3A_68 : memref<!tpu.dma_semaphore, #tpu.memory_space<semaphore_mem>>)
      %dma_wait3A_77 = arith.constant 0 : i32
      %dma_wait3A_78 = arith.constant 0 : i32
      %dma_wait3A_79 = tpu.memref_slice %arg5[%arg0, %dma_wait3A_77, %dma_wait3A_78] : memref<2x10240x128xf32, #tpu.memory_space<hbm>> -> memref<1x10240x128xf32, #tpu.memory_space<hbm>>
      %dma_wait3A_80 = tpu.memref_squeeze %dma_wait3A_79 : memref<1x10240x128xf32, #tpu.memory_space<hbm>> -> memref<10240x128xf32, #tpu.memory_space<hbm>>
      %dma_wait3A_81 = arith.constant 0 : i32
      %dma_wait3A_82 = tpu.memref_slice %dma_wait3A_80[%mul3A_9, %dma_wait3A_81] : memref<10240x128xf32, #tpu.memory_space<hbm>> -> memref<640x128xf32, #tpu.memory_space<hbm>>
      %dma_wait3A_83 = arith.constant 0 : i32
      %dma_wait3A_84 = tpu.memref_slice %arg11[%mul3A_9, %dma_wait3A_83] : memref<10240x128xf32, #tpu.memory_space<vmem_shared>> -> memref<640x128xf32, #tpu.memory_space<vmem_shared>>
      tpu.wait_dma2 semaphore(%run_scoped3A_68 : memref<!tpu.dma_semaphore, #tpu.memory_space<semaphore_mem>>) src(%dma_wait3A_84 : memref<640x128xf32, #tpu.memory_space<vmem_shared>>) dst(%dma_wait3A_82 : memref<640x128xf32, #tpu.memory_space<hbm>>)
      tpu.yield
    }) : () -> ()
    return
  }
}

#map = affine_map<(d0, d1) -> (0)>
#map1 = affine_map<(d0, d1) -> (0, 0, 0)>
module attributes {stable_mosaic.version = 14 : i64} {
  func.func @_histc_body(%arg0: i32, %arg1: i32, %arg2: memref<320000xi32, #tpu.memory_space<hbm>>, %arg3: memref<2x10240x128xf32, #tpu.memory_space<hbm>>, %arg4: memref<1x128xi32, #tpu.memory_space<vmem>>, %arg5: memref<1x16xi32, #tpu.memory_space<vmem>>, %arg6: memref<128x128xf32, #tpu.memory_space<vmem>>, %arg7: memref<10240x128xf32, #tpu.memory_space<vmem_shared>>, %arg8: memref<!tpu.dma_semaphore, #tpu.memory_space<semaphore_mem>>) attributes {dimension_semantics = [#tpu.dimension_semantics<core_parallel>, #tpu.dimension_semantics<subcore_parallel>], iteration_bounds = array<i64: 2, 16>, scalar_prefetch = 0 : i64, scratch_operands = 5 : i64, tpu.core_type = #tpu.core_type<sc_vector_subcore>, window_params = [{transform_indices = #map}, {transform_indices = #map1}]} {
    %mul3A = arith.constant 16 : i32
    %mul3A_0 = arith.muli %arg0, %mul3A : i32
    %add3A = arith.addi %mul3A_0, %arg1 : i32
    %broadcast_in_dim3A = arith.constant 0.000000e+00 : f32
    %broadcast_in_dim3A_1 = vector.broadcast %broadcast_in_dim3A : f32 to vector<16xf32>
    %broadcast_in_dim3A_2 = arith.constant 1.000000e+00 : f32
    %broadcast_in_dim3A_3 = vector.broadcast %broadcast_in_dim3A_2 : f32 to vector<16xf32>
    %scan3A = arith.constant 0 : i32
    %scan3A_4 = arith.constant 0 : i32
    %scan3A_5 = arith.constant 128 : i32
    %scan3A_6 = arith.addi %scan3A_4, %scan3A_5 : i32
    %scan3A_7 = arith.constant 1 : i32
    %scan3A_8 = scf.for %scan3A_42 = %scan3A_4 to %scan3A_6 step %scan3A_7 iter_args(%scan3A_43 = %scan3A) -> (i32)  : i32 {
      %swap3A = arith.index_cast %scan3A_42 : i32 to index
      %swap3A_44 = arith.constant 0 : index
      %swap3A_45 = tpu.vector_load %arg6[%swap3A, %swap3A_44] {strides = array<i32>} : memref<128x128xf32, #tpu.memory_space<vmem>>, vector<1x16xf32>,
      %swap3A_46 = vector.shape_cast %swap3A_45 : vector<1x16xf32> to vector<16xf32>
      %swap3A_47 = vector.shape_cast %broadcast_in_dim3A_1 : vector<16xf32> to vector<1x16xf32>
      tpu.vector_store %arg6[%swap3A, %swap3A_44], %swap3A_47 {strides = array<i32>} : memref<128x128xf32, #tpu.memory_space<vmem>>, vector<1x16xf32>,
      %swap3A_48 = arith.index_cast %scan3A_42 : i32 to index
      %swap3A_49 = arith.constant 16 : index
      %swap3A_50 = tpu.vector_load %arg6[%swap3A_48, %swap3A_49] {strides = array<i32>} : memref<128x128xf32, #tpu.memory_space<vmem>>, vector<1x16xf32>,
      %swap3A_51 = vector.shape_cast %swap3A_50 : vector<1x16xf32> to vector<16xf32>
      %swap3A_52 = vector.shape_cast %broadcast_in_dim3A_1 : vector<16xf32> to vector<1x16xf32>
      tpu.vector_store %arg6[%swap3A_48, %swap3A_49], %swap3A_52 {strides = array<i32>} : memref<128x128xf32, #tpu.memory_space<vmem>>, vector<1x16xf32>,
      %swap3A_53 = arith.index_cast %scan3A_42 : i32 to index
      %swap3A_54 = arith.constant 32 : index
      %swap3A_55 = tpu.vector_load %arg6[%swap3A_53, %swap3A_54] {strides = array<i32>} : memref<128x128xf32, #tpu.memory_space<vmem>>, vector<1x16xf32>,
      %swap3A_56 = vector.shape_cast %swap3A_55 : vector<1x16xf32> to vector<16xf32>
      %swap3A_57 = vector.shape_cast %broadcast_in_dim3A_1 : vector<16xf32> to vector<1x16xf32>
      tpu.vector_store %arg6[%swap3A_53, %swap3A_54], %swap3A_57 {strides = array<i32>} : memref<128x128xf32, #tpu.memory_space<vmem>>, vector<1x16xf32>,
      %swap3A_58 = arith.index_cast %scan3A_42 : i32 to index
      %swap3A_59 = arith.constant 48 : index
      %swap3A_60 = tpu.vector_load %arg6[%swap3A_58, %swap3A_59] {strides = array<i32>} : memref<128x128xf32, #tpu.memory_space<vmem>>, vector<1x16xf32>,
      %swap3A_61 = vector.shape_cast %swap3A_60 : vector<1x16xf32> to vector<16xf32>
      %swap3A_62 = vector.shape_cast %broadcast_in_dim3A_1 : vector<16xf32> to vector<1x16xf32>
      tpu.vector_store %arg6[%swap3A_58, %swap3A_59], %swap3A_62 {strides = array<i32>} : memref<128x128xf32, #tpu.memory_space<vmem>>, vector<1x16xf32>,
      %swap3A_63 = arith.index_cast %scan3A_42 : i32 to index
      %swap3A_64 = arith.constant 64 : index
      %swap3A_65 = tpu.vector_load %arg6[%swap3A_63, %swap3A_64] {strides = array<i32>} : memref<128x128xf32, #tpu.memory_space<vmem>>, vector<1x16xf32>,
      %swap3A_66 = vector.shape_cast %swap3A_65 : vector<1x16xf32> to vector<16xf32>
      %swap3A_67 = vector.shape_cast %broadcast_in_dim3A_1 : vector<16xf32> to vector<1x16xf32>
      tpu.vector_store %arg6[%swap3A_63, %swap3A_64], %swap3A_67 {strides = array<i32>} : memref<128x128xf32, #tpu.memory_space<vmem>>, vector<1x16xf32>,
      %swap3A_68 = arith.index_cast %scan3A_42 : i32 to index
      %swap3A_69 = arith.constant 80 : index
      %swap3A_70 = tpu.vector_load %arg6[%swap3A_68, %swap3A_69] {strides = array<i32>} : memref<128x128xf32, #tpu.memory_space<vmem>>, vector<1x16xf32>,
      %swap3A_71 = vector.shape_cast %swap3A_70 : vector<1x16xf32> to vector<16xf32>
      %swap3A_72 = vector.shape_cast %broadcast_in_dim3A_1 : vector<16xf32> to vector<1x16xf32>
      tpu.vector_store %arg6[%swap3A_68, %swap3A_69], %swap3A_72 {strides = array<i32>} : memref<128x128xf32, #tpu.memory_space<vmem>>, vector<1x16xf32>,
      %swap3A_73 = arith.index_cast %scan3A_42 : i32 to index
      %swap3A_74 = arith.constant 96 : index
      %swap3A_75 = tpu.vector_load %arg6[%swap3A_73, %swap3A_74] {strides = array<i32>} : memref<128x128xf32, #tpu.memory_space<vmem>>, vector<1x16xf32>,
      %swap3A_76 = vector.shape_cast %swap3A_75 : vector<1x16xf32> to vector<16xf32>
      %swap3A_77 = vector.shape_cast %broadcast_in_dim3A_1 : vector<16xf32> to vector<1x16xf32>
      tpu.vector_store %arg6[%swap3A_73, %swap3A_74], %swap3A_77 {strides = array<i32>} : memref<128x128xf32, #tpu.memory_space<vmem>>, vector<1x16xf32>,
      %swap3A_78 = arith.index_cast %scan3A_42 : i32 to index
      %swap3A_79 = arith.constant 112 : index
      %swap3A_80 = tpu.vector_load %arg6[%swap3A_78, %swap3A_79] {strides = array<i32>} : memref<128x128xf32, #tpu.memory_space<vmem>>, vector<1x16xf32>,
      %swap3A_81 = vector.shape_cast %swap3A_80 : vector<1x16xf32> to vector<16xf32>
      %swap3A_82 = vector.shape_cast %broadcast_in_dim3A_1 : vector<16xf32> to vector<1x16xf32>
      tpu.vector_store %arg6[%swap3A_78, %swap3A_79], %swap3A_82 {strides = array<i32>} : memref<128x128xf32, #tpu.memory_space<vmem>>, vector<1x16xf32>,
      %scan3A_83 = arith.constant 0 : i32
      scf.yield %scan3A_83 : i32
    }
    %scan3A_9 = arith.constant 128 : i32
    %mul3A_10 = arith.constant 640 : i32
    %mul3A_11 = arith.muli %arg1, %mul3A_10 : i32
    %add3A_12 = arith.constant 0 : i32
    %add3A_13 = arith.addi %mul3A_11, %add3A_12 : i32
    "tpu.region"() ({
      %run_scoped3A_42 = tpu.sem_alloc : memref<!tpu.dma_semaphore, #tpu.memory_space<semaphore_mem>>
      %dma_start3A = arith.constant 0 : i32
      %dma_start3A_43 = tpu.memref_slice %arg7[%add3A_13, %dma_start3A] : memref<10240x128xf32, #tpu.memory_space<vmem_shared>> -> memref<128x128xf32, #tpu.memory_space<vmem_shared>>
      %dma_start3A_44 = arith.constant 0 : i32
      %dma_start3A_45 = tpu.memref_slice %arg7[%add3A_13, %dma_start3A_44] : memref<10240x128xf32, #tpu.memory_space<vmem_shared>> -> memref<128x128xf32, #tpu.memory_space<vmem_shared>>
      tpu.enqueue_dma source(%arg6 : memref<128x128xf32, #tpu.memory_space<vmem>>) target(%dma_start3A_45 : memref<128x128xf32, #tpu.memory_space<vmem_shared>>) target_semaphore(%run_scoped3A_42 : memref<!tpu.dma_semaphore, #tpu.memory_space<semaphore_mem>>)
      %dma_wait3A = arith.constant 0 : i32
      %dma_wait3A_46 = tpu.memref_slice %arg7[%add3A_13, %dma_wait3A] : memref<10240x128xf32, #tpu.memory_space<vmem_shared>> -> memref<128x128xf32, #tpu.memory_space<vmem_shared>>
      %dma_wait3A_47 = arith.constant 0 : i32
      %dma_wait3A_48 = tpu.memref_slice %arg7[%add3A_13, %dma_wait3A_47] : memref<10240x128xf32, #tpu.memory_space<vmem_shared>> -> memref<128x128xf32, #tpu.memory_space<vmem_shared>>
      tpu.wait_dma2 semaphore(%run_scoped3A_42 : memref<!tpu.dma_semaphore, #tpu.memory_space<semaphore_mem>>) src(%arg6 : memref<128x128xf32, #tpu.memory_space<vmem>>) dst(%dma_wait3A_48 : memref<128x128xf32, #tpu.memory_space<vmem_shared>>)
      tpu.yield
    }) : () -> ()
    %add3A_14 = arith.constant 128 : i32
    %add3A_15 = arith.addi %mul3A_11, %add3A_14 : i32
    "tpu.region"() ({
      %run_scoped3A_42 = tpu.sem_alloc : memref<!tpu.dma_semaphore, #tpu.memory_space<semaphore_mem>>
      %dma_start3A = arith.constant 0 : i32
      %dma_start3A_43 = tpu.memref_slice %arg7[%add3A_15, %dma_start3A] : memref<10240x128xf32, #tpu.memory_space<vmem_shared>> -> memref<128x128xf32, #tpu.memory_space<vmem_shared>>
      %dma_start3A_44 = arith.constant 0 : i32
      %dma_start3A_45 = tpu.memref_slice %arg7[%add3A_15, %dma_start3A_44] : memref<10240x128xf32, #tpu.memory_space<vmem_shared>> -> memref<128x128xf32, #tpu.memory_space<vmem_shared>>
      tpu.enqueue_dma source(%arg6 : memref<128x128xf32, #tpu.memory_space<vmem>>) target(%dma_start3A_45 : memref<128x128xf32, #tpu.memory_space<vmem_shared>>) target_semaphore(%run_scoped3A_42 : memref<!tpu.dma_semaphore, #tpu.memory_space<semaphore_mem>>)
      %dma_wait3A = arith.constant 0 : i32
      %dma_wait3A_46 = tpu.memref_slice %arg7[%add3A_15, %dma_wait3A] : memref<10240x128xf32, #tpu.memory_space<vmem_shared>> -> memref<128x128xf32, #tpu.memory_space<vmem_shared>>
      %dma_wait3A_47 = arith.constant 0 : i32
      %dma_wait3A_48 = tpu.memref_slice %arg7[%add3A_15, %dma_wait3A_47] : memref<10240x128xf32, #tpu.memory_space<vmem_shared>> -> memref<128x128xf32, #tpu.memory_space<vmem_shared>>
      tpu.wait_dma2 semaphore(%run_scoped3A_42 : memref<!tpu.dma_semaphore, #tpu.memory_space<semaphore_mem>>) src(%arg6 : memref<128x128xf32, #tpu.memory_space<vmem>>) dst(%dma_wait3A_48 : memref<128x128xf32, #tpu.memory_space<vmem_shared>>)
      tpu.yield
    }) : () -> ()
    %add3A_16 = arith.constant 256 : i32
    %add3A_17 = arith.addi %mul3A_11, %add3A_16 : i32
    "tpu.region"() ({
      %run_scoped3A_42 = tpu.sem_alloc : memref<!tpu.dma_semaphore, #tpu.memory_space<semaphore_mem>>
      %dma_start3A = arith.constant 0 : i32
      %dma_start3A_43 = tpu.memref_slice %arg7[%add3A_17, %dma_start3A] : memref<10240x128xf32, #tpu.memory_space<vmem_shared>> -> memref<128x128xf32, #tpu.memory_space<vmem_shared>>
      %dma_start3A_44 = arith.constant 0 : i32
      %dma_start3A_45 = tpu.memref_slice %arg7[%add3A_17, %dma_start3A_44] : memref<10240x128xf32, #tpu.memory_space<vmem_shared>> -> memref<128x128xf32, #tpu.memory_space<vmem_shared>>
      tpu.enqueue_dma source(%arg6 : memref<128x128xf32, #tpu.memory_space<vmem>>) target(%dma_start3A_45 : memref<128x128xf32, #tpu.memory_space<vmem_shared>>) target_semaphore(%run_scoped3A_42 : memref<!tpu.dma_semaphore, #tpu.memory_space<semaphore_mem>>)
      %dma_wait3A = arith.constant 0 : i32
      %dma_wait3A_46 = tpu.memref_slice %arg7[%add3A_17, %dma_wait3A] : memref<10240x128xf32, #tpu.memory_space<vmem_shared>> -> memref<128x128xf32, #tpu.memory_space<vmem_shared>>
      %dma_wait3A_47 = arith.constant 0 : i32
      %dma_wait3A_48 = tpu.memref_slice %arg7[%add3A_17, %dma_wait3A_47] : memref<10240x128xf32, #tpu.memory_space<vmem_shared>> -> memref<128x128xf32, #tpu.memory_space<vmem_shared>>
      tpu.wait_dma2 semaphore(%run_scoped3A_42 : memref<!tpu.dma_semaphore, #tpu.memory_space<semaphore_mem>>) src(%arg6 : memref<128x128xf32, #tpu.memory_space<vmem>>) dst(%dma_wait3A_48 : memref<128x128xf32, #tpu.memory_space<vmem_shared>>)
      tpu.yield
    }) : () -> ()
    %add3A_18 = arith.constant 384 : i32
    %add3A_19 = arith.addi %mul3A_11, %add3A_18 : i32
    "tpu.region"() ({
      %run_scoped3A_42 = tpu.sem_alloc : memref<!tpu.dma_semaphore, #tpu.memory_space<semaphore_mem>>
      %dma_start3A = arith.constant 0 : i32
      %dma_start3A_43 = tpu.memref_slice %arg7[%add3A_19, %dma_start3A] : memref<10240x128xf32, #tpu.memory_space<vmem_shared>> -> memref<128x128xf32, #tpu.memory_space<vmem_shared>>
      %dma_start3A_44 = arith.constant 0 : i32
      %dma_start3A_45 = tpu.memref_slice %arg7[%add3A_19, %dma_start3A_44] : memref<10240x128xf32, #tpu.memory_space<vmem_shared>> -> memref<128x128xf32, #tpu.memory_space<vmem_shared>>
      tpu.enqueue_dma source(%arg6 : memref<128x128xf32, #tpu.memory_space<vmem>>) target(%dma_start3A_45 : memref<128x128xf32, #tpu.memory_space<vmem_shared>>) target_semaphore(%run_scoped3A_42 : memref<!tpu.dma_semaphore, #tpu.memory_space<semaphore_mem>>)
      %dma_wait3A = arith.constant 0 : i32
      %dma_wait3A_46 = tpu.memref_slice %arg7[%add3A_19, %dma_wait3A] : memref<10240x128xf32, #tpu.memory_space<vmem_shared>> -> memref<128x128xf32, #tpu.memory_space<vmem_shared>>
      %dma_wait3A_47 = arith.constant 0 : i32
      %dma_wait3A_48 = tpu.memref_slice %arg7[%add3A_19, %dma_wait3A_47] : memref<10240x128xf32, #tpu.memory_space<vmem_shared>> -> memref<128x128xf32, #tpu.memory_space<vmem_shared>>
      tpu.wait_dma2 semaphore(%run_scoped3A_42 : memref<!tpu.dma_semaphore, #tpu.memory_space<semaphore_mem>>) src(%arg6 : memref<128x128xf32, #tpu.memory_space<vmem>>) dst(%dma_wait3A_48 : memref<128x128xf32, #tpu.memory_space<vmem_shared>>)
      tpu.yield
    }) : () -> ()
    %add3A_20 = arith.constant 512 : i32
    %add3A_21 = arith.addi %mul3A_11, %add3A_20 : i32
    "tpu.region"() ({
      %run_scoped3A_42 = tpu.sem_alloc : memref<!tpu.dma_semaphore, #tpu.memory_space<semaphore_mem>>
      %dma_start3A = arith.constant 0 : i32
      %dma_start3A_43 = tpu.memref_slice %arg7[%add3A_21, %dma_start3A] : memref<10240x128xf32, #tpu.memory_space<vmem_shared>> -> memref<128x128xf32, #tpu.memory_space<vmem_shared>>
      %dma_start3A_44 = arith.constant 0 : i32
      %dma_start3A_45 = tpu.memref_slice %arg7[%add3A_21, %dma_start3A_44] : memref<10240x128xf32, #tpu.memory_space<vmem_shared>> -> memref<128x128xf32, #tpu.memory_space<vmem_shared>>
      tpu.enqueue_dma source(%arg6 : memref<128x128xf32, #tpu.memory_space<vmem>>) target(%dma_start3A_45 : memref<128x128xf32, #tpu.memory_space<vmem_shared>>) target_semaphore(%run_scoped3A_42 : memref<!tpu.dma_semaphore, #tpu.memory_space<semaphore_mem>>)
      %dma_wait3A = arith.constant 0 : i32
      %dma_wait3A_46 = tpu.memref_slice %arg7[%add3A_21, %dma_wait3A] : memref<10240x128xf32, #tpu.memory_space<vmem_shared>> -> memref<128x128xf32, #tpu.memory_space<vmem_shared>>
      %dma_wait3A_47 = arith.constant 0 : i32
      %dma_wait3A_48 = tpu.memref_slice %arg7[%add3A_21, %dma_wait3A_47] : memref<10240x128xf32, #tpu.memory_space<vmem_shared>> -> memref<128x128xf32, #tpu.memory_space<vmem_shared>>
      tpu.wait_dma2 semaphore(%run_scoped3A_42 : memref<!tpu.dma_semaphore, #tpu.memory_space<semaphore_mem>>) src(%arg6 : memref<128x128xf32, #tpu.memory_space<vmem>>) dst(%dma_wait3A_48 : memref<128x128xf32, #tpu.memory_space<vmem_shared>>)
      tpu.yield
    }) : () -> ()
    %barrier3A = arith.constant 0 : index
    tpu.barrier barrier_id(%barrier3A)
    %scan3A_22 = arith.constant 0 : i32
    %scan3A_23 = arith.constant 0 : i32
    %scan3A_24 = arith.constant 128 : i32
    %scan3A_25 = arith.addi %scan3A_23, %scan3A_24 : i32
    %scan3A_26 = arith.constant 1 : i32
    %scan3A_27 = scf.for %scan3A_42 = %scan3A_23 to %scan3A_25 step %scan3A_26 iter_args(%scan3A_43 = %scan3A_22) -> (i32)  : i32 {
      %swap3A = arith.index_cast %scan3A_42 : i32 to index
      %swap3A_44 = arith.constant 0 : index
      %swap3A_45 = tpu.vector_load %arg6[%swap3A, %swap3A_44] {strides = array<i32>} : memref<128x128xf32, #tpu.memory_space<vmem>>, vector<1x16xf32>,
      %swap3A_46 = vector.shape_cast %swap3A_45 : vector<1x16xf32> to vector<16xf32>
      %swap3A_47 = vector.shape_cast %broadcast_in_dim3A_3 : vector<16xf32> to vector<1x16xf32>
      tpu.vector_store %arg6[%swap3A, %swap3A_44], %swap3A_47 {strides = array<i32>} : memref<128x128xf32, #tpu.memory_space<vmem>>, vector<1x16xf32>,
      %swap3A_48 = arith.index_cast %scan3A_42 : i32 to index
      %swap3A_49 = arith.constant 16 : index
      %swap3A_50 = tpu.vector_load %arg6[%swap3A_48, %swap3A_49] {strides = array<i32>} : memref<128x128xf32, #tpu.memory_space<vmem>>, vector<1x16xf32>,
      %swap3A_51 = vector.shape_cast %swap3A_50 : vector<1x16xf32> to vector<16xf32>
      %swap3A_52 = vector.shape_cast %broadcast_in_dim3A_3 : vector<16xf32> to vector<1x16xf32>
      tpu.vector_store %arg6[%swap3A_48, %swap3A_49], %swap3A_52 {strides = array<i32>} : memref<128x128xf32, #tpu.memory_space<vmem>>, vector<1x16xf32>,
      %swap3A_53 = arith.index_cast %scan3A_42 : i32 to index
      %swap3A_54 = arith.constant 32 : index
      %swap3A_55 = tpu.vector_load %arg6[%swap3A_53, %swap3A_54] {strides = array<i32>} : memref<128x128xf32, #tpu.memory_space<vmem>>, vector<1x16xf32>,
      %swap3A_56 = vector.shape_cast %swap3A_55 : vector<1x16xf32> to vector<16xf32>
      %swap3A_57 = vector.shape_cast %broadcast_in_dim3A_3 : vector<16xf32> to vector<1x16xf32>
      tpu.vector_store %arg6[%swap3A_53, %swap3A_54], %swap3A_57 {strides = array<i32>} : memref<128x128xf32, #tpu.memory_space<vmem>>, vector<1x16xf32>,
      %swap3A_58 = arith.index_cast %scan3A_42 : i32 to index
      %swap3A_59 = arith.constant 48 : index
      %swap3A_60 = tpu.vector_load %arg6[%swap3A_58, %swap3A_59] {strides = array<i32>} : memref<128x128xf32, #tpu.memory_space<vmem>>, vector<1x16xf32>,
      %swap3A_61 = vector.shape_cast %swap3A_60 : vector<1x16xf32> to vector<16xf32>
      %swap3A_62 = vector.shape_cast %broadcast_in_dim3A_3 : vector<16xf32> to vector<1x16xf32>
      tpu.vector_store %arg6[%swap3A_58, %swap3A_59], %swap3A_62 {strides = array<i32>} : memref<128x128xf32, #tpu.memory_space<vmem>>, vector<1x16xf32>,
      %swap3A_63 = arith.index_cast %scan3A_42 : i32 to index
      %swap3A_64 = arith.constant 64 : index
      %swap3A_65 = tpu.vector_load %arg6[%swap3A_63, %swap3A_64] {strides = array<i32>} : memref<128x128xf32, #tpu.memory_space<vmem>>, vector<1x16xf32>,
      %swap3A_66 = vector.shape_cast %swap3A_65 : vector<1x16xf32> to vector<16xf32>
      %swap3A_67 = vector.shape_cast %broadcast_in_dim3A_3 : vector<16xf32> to vector<1x16xf32>
      tpu.vector_store %arg6[%swap3A_63, %swap3A_64], %swap3A_67 {strides = array<i32>} : memref<128x128xf32, #tpu.memory_space<vmem>>, vector<1x16xf32>,
      %swap3A_68 = arith.index_cast %scan3A_42 : i32 to index
      %swap3A_69 = arith.constant 80 : index
      %swap3A_70 = tpu.vector_load %arg6[%swap3A_68, %swap3A_69] {strides = array<i32>} : memref<128x128xf32, #tpu.memory_space<vmem>>, vector<1x16xf32>,
      %swap3A_71 = vector.shape_cast %swap3A_70 : vector<1x16xf32> to vector<16xf32>
      %swap3A_72 = vector.shape_cast %broadcast_in_dim3A_3 : vector<16xf32> to vector<1x16xf32>
      tpu.vector_store %arg6[%swap3A_68, %swap3A_69], %swap3A_72 {strides = array<i32>} : memref<128x128xf32, #tpu.memory_space<vmem>>, vector<1x16xf32>,
      %swap3A_73 = arith.index_cast %scan3A_42 : i32 to index
      %swap3A_74 = arith.constant 96 : index
      %swap3A_75 = tpu.vector_load %arg6[%swap3A_73, %swap3A_74] {strides = array<i32>} : memref<128x128xf32, #tpu.memory_space<vmem>>, vector<1x16xf32>,
      %swap3A_76 = vector.shape_cast %swap3A_75 : vector<1x16xf32> to vector<16xf32>
      %swap3A_77 = vector.shape_cast %broadcast_in_dim3A_3 : vector<16xf32> to vector<1x16xf32>
      tpu.vector_store %arg6[%swap3A_73, %swap3A_74], %swap3A_77 {strides = array<i32>} : memref<128x128xf32, #tpu.memory_space<vmem>>, vector<1x16xf32>,
      %swap3A_78 = arith.index_cast %scan3A_42 : i32 to index
      %swap3A_79 = arith.constant 112 : index
      %swap3A_80 = tpu.vector_load %arg6[%swap3A_78, %swap3A_79] {strides = array<i32>} : memref<128x128xf32, #tpu.memory_space<vmem>>, vector<1x16xf32>,
      %swap3A_81 = vector.shape_cast %swap3A_80 : vector<1x16xf32> to vector<16xf32>
      %swap3A_82 = vector.shape_cast %broadcast_in_dim3A_3 : vector<16xf32> to vector<1x16xf32>
      tpu.vector_store %arg6[%swap3A_78, %swap3A_79], %swap3A_82 {strides = array<i32>} : memref<128x128xf32, #tpu.memory_space<vmem>>, vector<1x16xf32>,
      %scan3A_83 = arith.constant 0 : i32
      scf.yield %scan3A_83 : i32
    }
    %scan3A_28 = arith.constant 128 : i32
    %mul3A_29 = arith.constant 10000 : i32
    %mul3A_30 = arith.muli %add3A, %mul3A_29 : i32
    %scan3A_31 = arith.constant 0 : i32
    %scan3A_32 = arith.constant 0 : i32
    %scan3A_33 = arith.constant 78 : i32
    %scan3A_34 = arith.addi %scan3A_32, %scan3A_33 : i32
    %scan3A_35 = arith.constant 1 : i32
    %scan3A_36 = scf.for %scan3A_42 = %scan3A_32 to %scan3A_34 step %scan3A_35 iter_args(%scan3A_43 = %scan3A_31) -> (i32)  : i32 {
      %mul3A_44 = arith.constant 128 : i32
      %mul3A_45 = arith.muli %scan3A_42, %mul3A_44 : i32
      %add3A_46 = arith.addi %mul3A_30, %mul3A_45 : i32
      %run_scoped3A_47 = arith.constant 0 : i32
      "tpu.region"() ({
        %run_scoped3A_50 = tpu.sem_alloc : memref<!tpu.dma_semaphore, #tpu.memory_space<semaphore_mem>>
        %dma_start3A = arith.constant 0 : i32
        %dma_start3A_51 = tpu.memref_slice %arg4[%run_scoped3A_47, %dma_start3A] : memref<1x128xi32, #tpu.memory_space<vmem>> -> memref<1x128xi32, #tpu.memory_space<vmem>>
        %dma_start3A_52 = tpu.memref_squeeze %dma_start3A_51 : memref<1x128xi32, #tpu.memory_space<vmem>> -> memref<128xi32, #tpu.memory_space<vmem>>
        %dma_start3A_53 = tpu.memref_slice %arg2[%add3A_46] : memref<320000xi32, #tpu.memory_space<hbm>> -> memref<128xi32, #tpu.memory_space<hbm>>
        %dma_start3A_54 = arith.constant 0 : i32
        %dma_start3A_55 = tpu.memref_slice %arg4[%run_scoped3A_47, %dma_start3A_54] : memref<1x128xi32, #tpu.memory_space<vmem>> -> memref<1x128xi32, #tpu.memory_space<vmem>>
        %dma_start3A_56 = tpu.memref_squeeze %dma_start3A_55 : memref<1x128xi32, #tpu.memory_space<vmem>> -> memref<128xi32, #tpu.memory_space<vmem>>
        %dma_start3A_57 = tpu.memref_slice %arg2[%add3A_46] : memref<320000xi32, #tpu.memory_space<hbm>> -> memref<128xi32, #tpu.memory_space<hbm>>
        tpu.enqueue_dma source(%dma_start3A_57 : memref<128xi32, #tpu.memory_space<hbm>>) target(%dma_start3A_56 : memref<128xi32, #tpu.memory_space<vmem>>) target_semaphore(%run_scoped3A_50 : memref<!tpu.dma_semaphore, #tpu.memory_space<semaphore_mem>>)
        %dma_wait3A = arith.constant 0 : i32
        %dma_wait3A_58 = tpu.memref_slice %arg4[%run_scoped3A_47, %dma_wait3A] : memref<1x128xi32, #tpu.memory_space<vmem>> -> memref<1x128xi32, #tpu.memory_space<vmem>>
        %dma_wait3A_59 = tpu.memref_squeeze %dma_wait3A_58 : memref<1x128xi32, #tpu.memory_space<vmem>> -> memref<128xi32, #tpu.memory_space<vmem>>
        %dma_wait3A_60 = tpu.memref_slice %arg2[%add3A_46] : memref<320000xi32, #tpu.memory_space<hbm>> -> memref<128xi32, #tpu.memory_space<hbm>>
        %dma_wait3A_61 = arith.constant 0 : i32
        %dma_wait3A_62 = tpu.memref_slice %arg4[%run_scoped3A_47, %dma_wait3A_61] : memref<1x128xi32, #tpu.memory_space<vmem>> -> memref<1x128xi32, #tpu.memory_space<vmem>>
        %dma_wait3A_63 = tpu.memref_squeeze %dma_wait3A_62 : memref<1x128xi32, #tpu.memory_space<vmem>> -> memref<128xi32, #tpu.memory_space<vmem>>
        %dma_wait3A_64 = tpu.memref_slice %arg2[%add3A_46] : memref<320000xi32, #tpu.memory_space<hbm>> -> memref<128xi32, #tpu.memory_space<hbm>>
        tpu.wait_dma2 semaphore(%run_scoped3A_50 : memref<!tpu.dma_semaphore, #tpu.memory_space<semaphore_mem>>) src(%dma_wait3A_64 : memref<128xi32, #tpu.memory_space<hbm>>) dst(%dma_wait3A_63 : memref<128xi32, #tpu.memory_space<vmem>>)
        tpu.yield
      }) : () -> ()
      %run_scoped3A_48 = arith.constant 0 : i32
      "tpu.region"() ({
        %run_scoped3A_50 = tpu.sem_alloc : memref<!tpu.dma_semaphore, #tpu.memory_space<semaphore_mem>>
        %dma_start3A = arith.constant 0 : i32
        %dma_start3A_51 = tpu.memref_slice %arg4[%run_scoped3A_48, %dma_start3A] : memref<1x128xi32, #tpu.memory_space<vmem>> -> memref<1x128xi32, #tpu.memory_space<vmem>>
        %dma_start3A_52 = tpu.memref_squeeze %dma_start3A_51 : memref<1x128xi32, #tpu.memory_space<vmem>> -> memref<128xi32, #tpu.memory_space<vmem>>
        %dma_start3A_53 = arith.constant 0 : i32
        %dma_start3A_54 = arith.constant 0 : i32
        %dma_start3A_55 = tpu.memref_slice %arg7[%dma_start3A_53, %dma_start3A_54] : memref<10240x128xf32, #tpu.memory_space<vmem_shared>> -> memref<10240x128xf32, #tpu.memory_space<vmem_shared>>
        tpu.enqueue_indirect_dma source(%arg6 : memref<128x128xf32, #tpu.memory_space<vmem>>) target(%dma_start3A_55 : memref<10240x128xf32, #tpu.memory_space<vmem_shared>>) offsets(%dma_start3A_52 : memref<128xi32, #tpu.memory_space<vmem>>) semaphore(%run_scoped3A_50 : memref<!tpu.dma_semaphore, #tpu.memory_space<semaphore_mem>>) {add = true}
        %dma_wait3A = arith.constant 0 : i32
        %dma_wait3A_56 = tpu.memref_slice %arg4[%run_scoped3A_48, %dma_wait3A] : memref<1x128xi32, #tpu.memory_space<vmem>> -> memref<1x128xi32, #tpu.memory_space<vmem>>
        %dma_wait3A_57 = tpu.memref_squeeze %dma_wait3A_56 : memref<1x128xi32, #tpu.memory_space<vmem>> -> memref<128xi32, #tpu.memory_space<vmem>>
        %dma_wait3A_58 = arith.constant 0 : i32
        %dma_wait3A_59 = arith.constant 0 : i32
        %dma_wait3A_60 = tpu.memref_slice %arg7[%dma_wait3A_58, %dma_wait3A_59] : memref<10240x128xf32, #tpu.memory_space<vmem_shared>> -> memref<10240x128xf32, #tpu.memory_space<vmem_shared>>
        tpu.wait_indirect_dma semaphore(%run_scoped3A_50 : memref<!tpu.dma_semaphore, #tpu.memory_space<semaphore_mem>>) src(%arg6 : memref<128x128xf32, #tpu.memory_space<vmem>>) dst(%dma_wait3A_60 : memref<10240x128xf32, #tpu.memory_space<vmem_shared>>)
        tpu.yield
      }) : () -> ()
      %scan3A_49 = arith.constant 0 : i32
      scf.yield %scan3A_49 : i32
    }
    %scan3A_37 = arith.constant 78 : i32
    %add3A_38 = arith.constant 9984 : i32
    %add3A_39 = arith.addi %mul3A_30, %add3A_38 : i32
    %run_scoped3A = arith.constant 0 : i32
    "tpu.region"() ({
      %run_scoped3A_42 = tpu.sem_alloc : memref<!tpu.dma_semaphore, #tpu.memory_space<semaphore_mem>>
      %dma_start3A = arith.constant 0 : i32
      %dma_start3A_43 = tpu.memref_slice %arg5[%run_scoped3A, %dma_start3A] : memref<1x16xi32, #tpu.memory_space<vmem>> -> memref<1x16xi32, #tpu.memory_space<vmem>>
      %dma_start3A_44 = tpu.memref_squeeze %dma_start3A_43 : memref<1x16xi32, #tpu.memory_space<vmem>> -> memref<16xi32, #tpu.memory_space<vmem>>
      %dma_start3A_45 = tpu.memref_slice %arg2[%add3A_39] : memref<320000xi32, #tpu.memory_space<hbm>> -> memref<16xi32, #tpu.memory_space<hbm>>
      %dma_start3A_46 = arith.constant 0 : i32
      %dma_start3A_47 = tpu.memref_slice %arg5[%run_scoped3A, %dma_start3A_46] : memref<1x16xi32, #tpu.memory_space<vmem>> -> memref<1x16xi32, #tpu.memory_space<vmem>>
      %dma_start3A_48 = tpu.memref_squeeze %dma_start3A_47 : memref<1x16xi32, #tpu.memory_space<vmem>> -> memref<16xi32, #tpu.memory_space<vmem>>
      %dma_start3A_49 = tpu.memref_slice %arg2[%add3A_39] : memref<320000xi32, #tpu.memory_space<hbm>> -> memref<16xi32, #tpu.memory_space<hbm>>
      tpu.enqueue_dma source(%dma_start3A_49 : memref<16xi32, #tpu.memory_space<hbm>>) target(%dma_start3A_48 : memref<16xi32, #tpu.memory_space<vmem>>) target_semaphore(%run_scoped3A_42 : memref<!tpu.dma_semaphore, #tpu.memory_space<semaphore_mem>>)
      %dma_wait3A = arith.constant 0 : i32
      %dma_wait3A_50 = tpu.memref_slice %arg5[%run_scoped3A, %dma_wait3A] : memref<1x16xi32, #tpu.memory_space<vmem>> -> memref<1x16xi32, #tpu.memory_space<vmem>>
      %dma_wait3A_51 = tpu.memref_squeeze %dma_wait3A_50 : memref<1x16xi32, #tpu.memory_space<vmem>> -> memref<16xi32, #tpu.memory_space<vmem>>
      %dma_wait3A_52 = tpu.memref_slice %arg2[%add3A_39] : memref<320000xi32, #tpu.memory_space<hbm>> -> memref<16xi32, #tpu.memory_space<hbm>>
      %dma_wait3A_53 = arith.constant 0 : i32
      %dma_wait3A_54 = tpu.memref_slice %arg5[%run_scoped3A, %dma_wait3A_53] : memref<1x16xi32, #tpu.memory_space<vmem>> -> memref<1x16xi32, #tpu.memory_space<vmem>>
      %dma_wait3A_55 = tpu.memref_squeeze %dma_wait3A_54 : memref<1x16xi32, #tpu.memory_space<vmem>> -> memref<16xi32, #tpu.memory_space<vmem>>
      %dma_wait3A_56 = tpu.memref_slice %arg2[%add3A_39] : memref<320000xi32, #tpu.memory_space<hbm>> -> memref<16xi32, #tpu.memory_space<hbm>>
      tpu.wait_dma2 semaphore(%run_scoped3A_42 : memref<!tpu.dma_semaphore, #tpu.memory_space<semaphore_mem>>) src(%dma_wait3A_56 : memref<16xi32, #tpu.memory_space<hbm>>) dst(%dma_wait3A_55 : memref<16xi32, #tpu.memory_space<vmem>>)
      tpu.yield
    }) : () -> ()
    %run_scoped3A_40 = arith.constant 0 : i32
    "tpu.region"() ({
      %run_scoped3A_42 = tpu.sem_alloc : memref<!tpu.dma_semaphore, #tpu.memory_space<semaphore_mem>>
      %dma_start3A = arith.constant 0 : i32
      %dma_start3A_43 = arith.constant 0 : i32
      %dma_start3A_44 = tpu.memref_slice %arg6[%dma_start3A, %dma_start3A_43] : memref<128x128xf32, #tpu.memory_space<vmem>> -> memref<16x128xf32, #tpu.memory_space<vmem>>
      %dma_start3A_45 = arith.constant 0 : i32
      %dma_start3A_46 = tpu.memref_slice %arg5[%run_scoped3A_40, %dma_start3A_45] : memref<1x16xi32, #tpu.memory_space<vmem>> -> memref<1x16xi32, #tpu.memory_space<vmem>>
      %dma_start3A_47 = tpu.memref_squeeze %dma_start3A_46 : memref<1x16xi32, #tpu.memory_space<vmem>> -> memref<16xi32, #tpu.memory_space<vmem>>
      %dma_start3A_48 = arith.constant 0 : i32
      %dma_start3A_49 = arith.constant 0 : i32
      %dma_start3A_50 = tpu.memref_slice %arg7[%dma_start3A_48, %dma_start3A_49] : memref<10240x128xf32, #tpu.memory_space<vmem_shared>> -> memref<10240x128xf32, #tpu.memory_space<vmem_shared>>
      tpu.enqueue_indirect_dma source(%dma_start3A_44 : memref<16x128xf32, #tpu.memory_space<vmem>>) target(%dma_start3A_50 : memref<10240x128xf32, #tpu.memory_space<vmem_shared>>) offsets(%dma_start3A_47 : memref<16xi32, #tpu.memory_space<vmem>>) semaphore(%run_scoped3A_42 : memref<!tpu.dma_semaphore, #tpu.memory_space<semaphore_mem>>) {add = true}
      %dma_wait3A = arith.constant 0 : i32
      %dma_wait3A_51 = arith.constant 0 : i32
      %dma_wait3A_52 = tpu.memref_slice %arg6[%dma_wait3A, %dma_wait3A_51] : memref<128x128xf32, #tpu.memory_space<vmem>> -> memref<16x128xf32, #tpu.memory_space<vmem>>
      %dma_wait3A_53 = arith.constant 0 : i32
      %dma_wait3A_54 = tpu.memref_slice %arg5[%run_scoped3A_40, %dma_wait3A_53] : memref<1x16xi32, #tpu.memory_space<vmem>> -> memref<1x16xi32, #tpu.memory_space<vmem>>
      %dma_wait3A_55 = tpu.memref_squeeze %dma_wait3A_54 : memref<1x16xi32, #tpu.memory_space<vmem>> -> memref<16xi32, #tpu.memory_space<vmem>>
      %dma_wait3A_56 = arith.constant 0 : i32
      %dma_wait3A_57 = arith.constant 0 : i32
      %dma_wait3A_58 = tpu.memref_slice %arg7[%dma_wait3A_56, %dma_wait3A_57] : memref<10240x128xf32, #tpu.memory_space<vmem_shared>> -> memref<10240x128xf32, #tpu.memory_space<vmem_shared>>
      tpu.wait_indirect_dma semaphore(%run_scoped3A_42 : memref<!tpu.dma_semaphore, #tpu.memory_space<semaphore_mem>>) src(%dma_wait3A_52 : memref<16x128xf32, #tpu.memory_space<vmem>>) dst(%dma_wait3A_58 : memref<10240x128xf32, #tpu.memory_space<vmem_shared>>)
      tpu.yield
    }) : () -> ()
    %barrier3A_41 = arith.constant 0 : index
    tpu.barrier barrier_id(%barrier3A_41)
    "tpu.region"() ({
      %run_scoped3A_42 = tpu.sem_alloc : memref<!tpu.dma_semaphore, #tpu.memory_space<semaphore_mem>>
      %dma_start3A = arith.constant 0 : i32
      %dma_start3A_43 = arith.constant 0 : i32
      %dma_start3A_44 = tpu.memref_slice %arg3[%arg0, %dma_start3A, %dma_start3A_43] : memref<2x10240x128xf32, #tpu.memory_space<hbm>> -> memref<1x10240x128xf32, #tpu.memory_space<hbm>>
      %dma_start3A_45 = tpu.memref_squeeze %dma_start3A_44 : memref<1x10240x128xf32, #tpu.memory_space<hbm>> -> memref<10240x128xf32, #tpu.memory_space<hbm>>
      %dma_start3A_46 = arith.constant 0 : i32
      %dma_start3A_47 = tpu.memref_slice %dma_start3A_45[%mul3A_11, %dma_start3A_46] : memref<10240x128xf32, #tpu.memory_space<hbm>> -> memref<640x128xf32, #tpu.memory_space<hbm>>
      %dma_start3A_48 = arith.constant 0 : i32
      %dma_start3A_49 = tpu.memref_slice %arg7[%mul3A_11, %dma_start3A_48] : memref<10240x128xf32, #tpu.memory_space<vmem_shared>> -> memref<640x128xf32, #tpu.memory_space<vmem_shared>>
      tpu.enqueue_dma source(%dma_start3A_49 : memref<640x128xf32, #tpu.memory_space<vmem_shared>>) target(%dma_start3A_47 : memref<640x128xf32, #tpu.memory_space<hbm>>) target_semaphore(%run_scoped3A_42 : memref<!tpu.dma_semaphore, #tpu.memory_space<semaphore_mem>>)
      %dma_wait3A = arith.constant 0 : i32
      %dma_wait3A_50 = arith.constant 0 : i32
      %dma_wait3A_51 = tpu.memref_slice %arg3[%arg0, %dma_wait3A, %dma_wait3A_50] : memref<2x10240x128xf32, #tpu.memory_space<hbm>> -> memref<1x10240x128xf32, #tpu.memory_space<hbm>>
      %dma_wait3A_52 = tpu.memref_squeeze %dma_wait3A_51 : memref<1x10240x128xf32, #tpu.memory_space<hbm>> -> memref<10240x128xf32, #tpu.memory_space<hbm>>
      %dma_wait3A_53 = arith.constant 0 : i32
      %dma_wait3A_54 = tpu.memref_slice %dma_wait3A_52[%mul3A_11, %dma_wait3A_53] : memref<10240x128xf32, #tpu.memory_space<hbm>> -> memref<640x128xf32, #tpu.memory_space<hbm>>
      %dma_wait3A_55 = arith.constant 0 : i32
      %dma_wait3A_56 = tpu.memref_slice %arg7[%mul3A_11, %dma_wait3A_55] : memref<10240x128xf32, #tpu.memory_space<vmem_shared>> -> memref<640x128xf32, #tpu.memory_space<vmem_shared>>
      tpu.wait_dma2 semaphore(%run_scoped3A_42 : memref<!tpu.dma_semaphore, #tpu.memory_space<semaphore_mem>>) src(%dma_wait3A_56 : memref<640x128xf32, #tpu.memory_space<vmem_shared>>) dst(%dma_wait3A_54 : memref<640x128xf32, #tpu.memory_space<hbm>>)
      tpu.yield
    }) : () -> ()
    return
  }
}

module attributes {stable_mosaic.version = 14 : i64} {
  func.func @_z_body(%arg0: memref<10000x128xf32, #tpu.memory_space<vmem>>, %arg1: memref<1x128xf32, #tpu.memory_space<vmem>>, %arg2: memref<80x125xf32, #tpu.memory_space<vmem>>) attributes {dimension_semantics = [], scalar_prefetch = 0 : i64, scratch_operands = 0 : i64, tpu.core_type = #tpu.core_type<tc>} {
    %get3A = arith.constant 0 : index
    %get3A_0 = arith.constant 0 : index
    %get3A_1 = vector.load %arg1[%get3A, %get3A_0] : memref<1x128xf32, #tpu.memory_space<vmem>>, vector<1x128xf32>
    %iota3A = tpu.iota {dimensions = array<i32: 0>} : vector<128x128xi32>
    %iota3A_2 = tpu.iota {dimensions = array<i32: 1>} : vector<128x128xi32>
    %eq3A = arith.cmpi eq, %iota3A, %iota3A_2 : vector<128x128xi32>
    %broadcast_in_dim3A = vector.shape_cast %get3A_1 : vector<1x128xf32> to vector<1x128xf32>
    %broadcast_in_dim3A_3 = vector.broadcast %broadcast_in_dim3A : vector<1x128xf32> to vector<128x128xf32>
    %jit3A = arith.constant 0.000000e+00 : f32
    %broadcast_in_dim3A_4 = vector.broadcast %jit3A : f32 to vector<128x128xf32>
    %select_n3A = arith.select %eq3A, %broadcast_in_dim3A_3, %broadcast_in_dim3A_4 : vector<128x128xi1>, vector<128x128xf32>
    %broadcast_in_dim3A_5 = arith.constant 1.000000e+00 : f32
    %broadcast_in_dim3A_6 = vector.broadcast %broadcast_in_dim3A_5 : f32 to vector<128x128xf32>
    %dot_general3A = arith.constant dense<0.000000e+00> : vector<128x128xf32>
    %dot_general3A_7 = tpu.matmul %select_n3A, %broadcast_in_dim3A_6, %dot_general3A {dimension_numbers = #tpu.dot_dimension_numbers<[1], [0], [0], [1], [0, 0, 1, 1], [], []>, transpose_lhs_hint = false} : vector<128x128xf32>, vector<128x128xf32>, vector<128x128xf32> -> vector<128x128xf32>
    %get3A_8 = arith.constant 0 : index
    %get3A_9 = arith.constant 0 : index
    %get3A_10 = vector.load %arg0[%get3A_8, %get3A_9] : memref<10000x128xf32, #tpu.memory_space<vmem>>, vector<10000x128xf32>
    %convert_element_type3A = arith.truncf %get3A_10 : vector<10000x128xf32> to vector<10000x128xbf16>
    %convert_element_type3A_11 = arith.extf %convert_element_type3A : vector<10000x128xbf16> to vector<10000x128xf32>
    %convert_element_type3A_12 = arith.truncf %dot_general3A_7 : vector<128x128xf32> to vector<128x128xbf16>
    %convert_element_type3A_13 = arith.extf %convert_element_type3A_12 : vector<128x128xbf16> to vector<128x128xf32>
    %dot_general3A_14 = arith.constant dense<0.000000e+00> : vector<10000x128xf32>
    %dot_general3A_15 = tpu.matmul %convert_element_type3A_11, %convert_element_type3A_13, %dot_general3A_14 {dimension_numbers = #tpu.dot_dimension_numbers<[1], [0], [0], [1], [0, 0, 1, 1], [], []>, transpose_lhs_hint = false} : vector<10000x128xf32>, vector<128x128xf32>, vector<10000x128xf32> -> vector<10000x128xf32>
    %reduce_max3A = arith.constant dense<0xFF800000> : vector<10000xf32>
    %reduce_max3A_16 = vector.multi_reduction <maximumf>, %dot_general3A_15, %reduce_max3A [1] : vector<10000x128xf32> to vector<10000xf32>
    %reshape3A = vector.shape_cast %reduce_max3A_16 : vector<10000xf32> to vector<80x125xf32>
    %swap3A = arith.constant 0 : index
    %swap3A_17 = arith.constant 0 : index
    %swap3A_18 = vector.load %arg2[%swap3A, %swap3A_17] : memref<80x125xf32, #tpu.memory_space<vmem>>, vector<80x125xf32>
    tpu.vector_store %arg2[%swap3A, %swap3A_17], %reshape3A {strides = array<i32>} : memref<80x125xf32, #tpu.memory_space<vmem>>, vector<80x125xf32>,
    return
  }
}

module attributes {stable_mosaic.version = 14 : i64} {
  func.func @_prep_body(%arg0: memref<80x125xf32, #tpu.memory_space<vmem>>, %arg1: memref<10000x128xf32, #tpu.memory_space<vmem>>, %arg2: memref<128x128xf32, #tpu.memory_space<vmem>>, %arg3: memref<384x128xf32, #tpu.memory_space<vmem>>, %arg4: memref<384x128xf32, #tpu.memory_space<vmem>>, %arg5: memref<1x384xf32, #tpu.memory_space<vmem>>, %arg6: memref<1x384xf32, #tpu.memory_space<vmem>>, %arg7: memref<128x128xf32, #tpu.memory_space<vmem>>, %arg8: memref<80x125xf32, #tpu.memory_space<vmem>>, %arg9: memref<128x128xf32, #tpu.memory_space<vmem>>, %arg10: memref<128xf32, #tpu.memory_space<smem>>, %arg11: memref<128xi32, #tpu.memory_space<smem>>) attributes {dimension_semantics = [], scalar_prefetch = 0 : i64, scratch_operands = 4 : i64, tpu.core_type = #tpu.core_type<tc>} {
    %get3A = arith.constant 0 : index
    %get3A_0 = arith.constant 0 : index
    %get3A_1 = vector.load %arg0[%get3A, %get3A_0] : memref<80x125xf32, #tpu.memory_space<vmem>>, vector<80x125xf32>
    %swap3A = arith.constant 0 : index
    %swap3A_2 = arith.constant 0 : index
    %swap3A_3 = vector.load %arg8[%swap3A, %swap3A_2] : memref<80x125xf32, #tpu.memory_space<vmem>>, vector<80x125xf32>
    tpu.vector_store %arg8[%swap3A, %swap3A_2], %get3A_1 {strides = array<i32>} : memref<80x125xf32, #tpu.memory_space<vmem>>, vector<80x125xf32>,
    %iota3A = tpu.iota {dimensions = array<i32: 0>} : vector<80x125xi32>
    %iota3A_4 = tpu.iota {dimensions = array<i32: 1>} : vector<80x125xi32>
    %mul3A = arith.constant 125 : i32
    %mul3A_5 = vector.broadcast %mul3A : i32 to vector<80x125xi32>
    %mul3A_6 = arith.muli %iota3A, %mul3A_5 : vector<80x125xi32>
    %add3A = arith.addi %mul3A_6, %iota3A_4 : vector<80x125xi32>
    %scan3A = arith.constant 0 : i32
    %scan3A_7 = arith.constant 128 : i32
    %scan3A_8 = arith.addi %scan3A, %scan3A_7 : i32
    %scan3A_9 = arith.constant 1 : i32
    scf.for %scan3A_72 = %scan3A to %scan3A_8 step %scan3A_9  : i32 {
      %get3A_73 = arith.constant 0 : index
      %get3A_74 = arith.constant 0 : index
      %get3A_75 = vector.load %arg8[%get3A_73, %get3A_74] : memref<80x125xf32, #tpu.memory_space<vmem>>, vector<80x125xf32>
      %reduce_max3A = vector.shape_cast %get3A_75 : vector<80x125xf32> to vector<1x80x125xf32>
      %reduce_max3A_76 = arith.constant dense<0xFF800000> : vector<1xf32>
      %reduce_max3A_77 = vector.multi_reduction <maximumf>, %reduce_max3A, %reduce_max3A_76 [1, 2] : vector<1x80x125xf32> to vector<1xf32>
      %reduce_max3A_78 = vector.shape_cast %reduce_max3A_77 : vector<1xf32> to vector<1x1x1xf32>
      %reduce_max3A_79 = vector.extract %reduce_max3A_78[0, 0, 0] : f32 from vector<1x1x1xf32>
      %eq3A = vector.broadcast %reduce_max3A_79 : f32 to vector<80x125xf32>
      %eq3A_80 = arith.cmpf oeq, %get3A_75, %eq3A : vector<80x125xf32>
      %jit3A = arith.constant 1073741824 : i32
      %broadcast_in_dim3A = vector.broadcast %jit3A : i32 to vector<80x125xi32>
      %select_n3A = arith.select %eq3A_80, %add3A, %broadcast_in_dim3A : vector<80x125xi1>, vector<80x125xi32>
      %reduce_min3A = vector.shape_cast %select_n3A : vector<80x125xi32> to vector<1x80x125xi32>
      %reduce_min3A_81 = arith.constant dense<2147483647> : vector<1xi32>
      %reduce_min3A_82 = vector.multi_reduction <minsi>, %reduce_min3A, %reduce_min3A_81 [1, 2] : vector<1x80x125xi32> to vector<1xi32>
      %reduce_min3A_83 = vector.shape_cast %reduce_min3A_82 : vector<1xi32> to vector<1x1x1xi32>
      %reduce_min3A_84 = vector.extract %reduce_min3A_83[0, 0, 0] : i32 from vector<1x1x1xi32>
      %swap3A_85 = arith.index_cast %scan3A_72 : i32 to index
      %swap3A_86 = memref.load %arg10[%swap3A_85] : memref<128xf32, #tpu.memory_space<smem>>
      memref.store %reduce_max3A_79, %arg10[%swap3A_85] : memref<128xf32, #tpu.memory_space<smem>>
      %swap3A_87 = arith.index_cast %scan3A_72 : i32 to index
      %swap3A_88 = memref.load %arg11[%swap3A_87] : memref<128xi32, #tpu.memory_space<smem>>
      memref.store %reduce_min3A_84, %arg11[%swap3A_87] : memref<128xi32, #tpu.memory_space<smem>>
      %eq3A_89 = vector.broadcast %reduce_min3A_84 : i32 to vector<80x125xi32>
      %eq3A_90 = arith.cmpi eq, %add3A, %eq3A_89 : vector<80x125xi32>
      %jit3A_91 = arith.constant -2.000000e+00 : f32
      %broadcast_in_dim3A_92 = vector.broadcast %jit3A_91 : f32 to vector<80x125xf32>
      %select_n3A_93 = arith.select %eq3A_90, %broadcast_in_dim3A_92, %get3A_75 : vector<80x125xi1>, vector<80x125xf32>
      %swap3A_94 = arith.constant 0 : index
      %swap3A_95 = arith.constant 0 : index
      %swap3A_96 = vector.load %arg8[%swap3A_94, %swap3A_95] : memref<80x125xf32, #tpu.memory_space<vmem>>, vector<80x125xf32>
      tpu.vector_store %arg8[%swap3A_94, %swap3A_95], %select_n3A_93 {strides = array<i32>} : memref<80x125xf32, #tpu.memory_space<vmem>>, vector<80x125xf32>,
    }
    %scan3A_10 = arith.constant 128 : i32
    %scan3A_11 = arith.constant 0 : i32
    %scan3A_12 = arith.constant 128 : i32
    %scan3A_13 = arith.addi %scan3A_11, %scan3A_12 : i32
    %scan3A_14 = arith.constant 1 : i32
    scf.for %scan3A_72 = %scan3A_11 to %scan3A_13 step %scan3A_14  : i32 {
      %get3A_73 = arith.index_cast %scan3A_72 : i32 to index
      %get3A_74 = memref.load %arg11[%get3A_73] : memref<128xi32, #tpu.memory_space<smem>>
      %get3A_75 = arith.index_cast %get3A_74 : i32 to index
      %get3A_76 = arith.constant 0 : index
      %get3A_77 = vector.load %arg1[%get3A_75, %get3A_76] : memref<10000x128xf32, #tpu.memory_space<vmem>>, vector<1x128xf32>
      %get3A_78 = arith.index_cast %scan3A_72 : i32 to index
      %get3A_79 = memref.load %arg10[%get3A_78] : memref<128xf32, #tpu.memory_space<smem>>
      %mul3A_80 = vector.broadcast %get3A_79 : f32 to vector<1x128xf32>
      %mul3A_81 = arith.mulf %get3A_77, %mul3A_80 : vector<1x128xf32>
      %swap3A_82 = arith.index_cast %scan3A_72 : i32 to index
      %swap3A_83 = arith.constant 0 : index
      %swap3A_84 = vector.load %arg9[%swap3A_82, %swap3A_83] : memref<128x128xf32, #tpu.memory_space<vmem>>, vector<1x128xf32>
      tpu.vector_store %arg9[%swap3A_82, %swap3A_83], %mul3A_81 {strides = array<i32>} : memref<128x128xf32, #tpu.memory_space<vmem>>, vector<1x128xf32>,
    }
    %scan3A_15 = arith.constant 128 : i32
    %get3A_16 = arith.constant 0 : index
    %get3A_17 = arith.constant 0 : index
    %get3A_18 = vector.load %arg9[%get3A_16, %get3A_17] : memref<128x128xf32, #tpu.memory_space<vmem>>, vector<128x128xf32>
    %get3A_19 = arith.constant 0 : index
    %get3A_20 = arith.constant 0 : index
    %get3A_21 = vector.load %arg2[%get3A_19, %get3A_20] : memref<128x128xf32, #tpu.memory_space<vmem>>, vector<128x128xf32>
    %convert_element_type3A = arith.truncf %get3A_18 : vector<128x128xf32> to vector<128x128xbf16>
    %get3A_22 = arith.constant 0 : index
    %get3A_23 = arith.constant 0 : index
    %get3A_24 = vector.load %arg3[%get3A_22, %get3A_23] : memref<384x128xf32, #tpu.memory_space<vmem>>, vector<384x128xf32>
    %convert_element_type3A_25 = arith.truncf %get3A_24 : vector<384x128xf32> to vector<384x128xbf16>
    %dot_general3A = arith.constant dense<0.000000e+00> : vector<128x384xf32>
    %dot_general3A_26 = tpu.matmul %convert_element_type3A, %convert_element_type3A_25, %dot_general3A {dimension_numbers = #tpu.dot_dimension_numbers<[1], [1], [0], [0], [0, 0, 1, 0], [], []>, transpose_lhs_hint = false} : vector<128x128xbf16>, vector<384x128xbf16>, vector<128x384xf32> -> vector<128x384xf32>
    %get3A_27 = arith.constant 0 : index
    %get3A_28 = arith.constant 0 : index
    %get3A_29 = vector.load %arg5[%get3A_27, %get3A_28] : memref<1x384xf32, #tpu.memory_space<vmem>>, vector<1x384xf32>
    %add3A_30 = vector.broadcast %get3A_29 : vector<1x384xf32> to vector<128x384xf32>
    %add3A_31 = arith.addf %dot_general3A_26, %add3A_30 : vector<128x384xf32>
    %convert_element_type3A_32 = arith.truncf %get3A_21 : vector<128x128xf32> to vector<128x128xbf16>
    %get3A_33 = arith.constant 0 : index
    %get3A_34 = arith.constant 0 : index
    %get3A_35 = vector.load %arg4[%get3A_33, %get3A_34] : memref<384x128xf32, #tpu.memory_space<vmem>>, vector<384x128xf32>
    %convert_element_type3A_36 = arith.truncf %get3A_35 : vector<384x128xf32> to vector<384x128xbf16>
    %dot_general3A_37 = arith.constant dense<0.000000e+00> : vector<128x384xf32>
    %dot_general3A_38 = tpu.matmul %convert_element_type3A_32, %convert_element_type3A_36, %dot_general3A_37 {dimension_numbers = #tpu.dot_dimension_numbers<[1], [1], [0], [0], [0, 0, 1, 0], [], []>, transpose_lhs_hint = false} : vector<128x128xbf16>, vector<384x128xbf16>, vector<128x384xf32> -> vector<128x384xf32>
    %get3A_39 = arith.constant 0 : index
    %get3A_40 = arith.constant 0 : index
    %get3A_41 = vector.load %arg6[%get3A_39, %get3A_40] : memref<1x384xf32, #tpu.memory_space<vmem>>, vector<1x384xf32>
    %add3A_42 = vector.broadcast %get3A_41 : vector<1x384xf32> to vector<128x384xf32>
    %add3A_43 = arith.addf %dot_general3A_38, %add3A_42 : vector<128x384xf32>
    %slice3A = vector.extract_strided_slice %add3A_31 {offsets = [0, 0], sizes = [128, 128], strides = [1, 1]} : vector<128x384xf32> to vector<128x128xf32>
    %slice3A_44 = vector.extract_strided_slice %add3A_43 {offsets = [0, 0], sizes = [128, 128], strides = [1, 1]} : vector<128x384xf32> to vector<128x128xf32>
    %add3A_45 = arith.addf %slice3A, %slice3A_44 : vector<128x128xf32>
    %logistic3A = arith.negf %add3A_45 : vector<128x128xf32>
    %logistic3A_46 = math.exp %logistic3A : vector<128x128xf32>
    %logistic3A_47 = arith.constant 1.000000e+00 : f32
    %logistic3A_48 = vector.broadcast %logistic3A_47 : f32 to vector<128x128xf32>
    %logistic3A_49 = arith.addf %logistic3A_48, %logistic3A_46 : vector<128x128xf32>
    %logistic3A_50 = arith.divf %logistic3A_48, %logistic3A_49 : vector<128x128xf32>
    %slice3A_51 = vector.extract_strided_slice %add3A_31 {offsets = [0, 128], sizes = [128, 128], strides = [1, 1]} : vector<128x384xf32> to vector<128x128xf32>
    %slice3A_52 = vector.extract_strided_slice %add3A_43 {offsets = [0, 128], sizes = [128, 128], strides = [1, 1]} : vector<128x384xf32> to vector<128x128xf32>
    %add3A_53 = arith.addf %slice3A_51, %slice3A_52 : vector<128x128xf32>
    %logistic3A_54 = arith.negf %add3A_53 : vector<128x128xf32>
    %logistic3A_55 = math.exp %logistic3A_54 : vector<128x128xf32>
    %logistic3A_56 = arith.constant 1.000000e+00 : f32
    %logistic3A_57 = vector.broadcast %logistic3A_56 : f32 to vector<128x128xf32>
    %logistic3A_58 = arith.addf %logistic3A_57, %logistic3A_55 : vector<128x128xf32>
    %logistic3A_59 = arith.divf %logistic3A_57, %logistic3A_58 : vector<128x128xf32>
    %slice3A_60 = vector.extract_strided_slice %add3A_31 {offsets = [0, 256], sizes = [128, 128], strides = [1, 1]} : vector<128x384xf32> to vector<128x128xf32>
    %slice3A_61 = vector.extract_strided_slice %add3A_43 {offsets = [0, 256], sizes = [128, 128], strides = [1, 1]} : vector<128x384xf32> to vector<128x128xf32>
    %mul3A_62 = arith.mulf %logistic3A_50, %slice3A_61 : vector<128x128xf32>
    %add3A_63 = arith.addf %slice3A_60, %mul3A_62 : vector<128x128xf32>
    %tanh3A = math.tanh %add3A_63 : vector<128x128xf32>
    %sub3A = arith.constant 1.000000e+00 : f32
    %sub3A_64 = vector.broadcast %sub3A : f32 to vector<128x128xf32>
    %sub3A_65 = arith.subf %sub3A_64, %logistic3A_59 : vector<128x128xf32>
    %mul3A_66 = arith.mulf %sub3A_65, %tanh3A : vector<128x128xf32>
    %mul3A_67 = arith.mulf %logistic3A_59, %get3A_21 : vector<128x128xf32>
    %add3A_68 = arith.addf %mul3A_66, %mul3A_67 : vector<128x128xf32>
    %swap3A_69 = arith.constant 0 : index
    %swap3A_70 = arith.constant 0 : index
    %swap3A_71 = vector.load %arg7[%swap3A_69, %swap3A_70] : memref<128x128xf32, #tpu.memory_space<vmem>>, vector<128x128xf32>
    tpu.vector_store %arg7[%swap3A_69, %swap3A_70], %add3A_68 {strides = array<i32>} : memref<128x128xf32, #tpu.memory_space<vmem>>, vector<128x128xf32>,
    return
  }
}

module attributes {stable_mosaic.version = 14 : i64} {
  func.func @_dis_body(%arg0: i32, %arg1: memref<2x1024x128xf32, #tpu.memory_space<vmem>>, %arg2: memref<1024x128xf32, #tpu.memory_space<vmem>>) attributes {dimension_semantics = [#tpu.dimension_semantics<arbitrary>], iteration_bounds = array<i64: 10>, scalar_prefetch = 0 : i64, scratch_operands = 0 : i64, tpu.core_type = #tpu.core_type<tc>, window_params = [{transform_indices = @transform_0, window_bounds = array<i64: 2, 1024, 128>}, {transform_indices = @transform_1, window_bounds = array<i64: 1024, 128>}]} {
    %get3A = arith.constant 0 : index
    %get3A_0 = arith.constant 0 : index
    %get3A_1 = arith.constant 0 : index
    %get3A_2 = vector.load %arg1[%get3A, %get3A_0, %get3A_1] : memref<2x1024x128xf32, #tpu.memory_space<vmem>>, vector<1x1024x128xf32>
    %get3A_3 = vector.shape_cast %get3A_2 : vector<1x1024x128xf32> to vector<1024x128xf32>
    %get3A_4 = arith.constant 1 : index
    %get3A_5 = arith.constant 0 : index
    %get3A_6 = arith.constant 0 : index
    %get3A_7 = vector.load %arg1[%get3A_4, %get3A_5, %get3A_6] : memref<2x1024x128xf32, #tpu.memory_space<vmem>>, vector<1x1024x128xf32>
    %get3A_8 = vector.shape_cast %get3A_7 : vector<1x1024x128xf32> to vector<1024x128xf32>
    %add3A = arith.addf %get3A_3, %get3A_8 : vector<1024x128xf32>
    %add3A_9 = arith.constant 1.000000e+00 : f32
    %add3A_10 = vector.broadcast %add3A_9 : f32 to vector<1024x128xf32>
    %add3A_11 = arith.addf %add3A, %add3A_10 : vector<1024x128xf32>
    %rsqrt3A = math.rsqrt %add3A_11 : vector<1024x128xf32>
    %swap3A = arith.constant 0 : index
    %swap3A_12 = arith.constant 0 : index
    %swap3A_13 = vector.load %arg2[%swap3A, %swap3A_12] : memref<1024x128xf32, #tpu.memory_space<vmem>>, vector<1024x128xf32>
    tpu.vector_store %arg2[%swap3A, %swap3A_12], %rsqrt3A {strides = array<i32>} : memref<1024x128xf32, #tpu.memory_space<vmem>>, vector<1024x128xf32>,
    return
  }
  func.func @transform_0(%arg0: i32) -> (i32, i32, i32) {
    %c0_i32 = arith.constant 0 : i32
    %c0_i32_0 = arith.constant 0 : i32
    %c0_i32_1 = arith.constant 0 : i32
    return %c0_i32, %arg0, %c0_i32_0 : i32, i32, i32
  }
  func.func @transform_1(%arg0: i32) -> (i32, i32) {
    %c0_i32 = arith.constant 0 : i32
    %c0_i32_0 = arith.constant 0 : i32
    return %arg0, %c0_i32 : i32, i32
  }
}

module attributes {stable_mosaic.version = 14 : i64} {
  func.func @_mm_scale_body(%arg0: i32, %arg1: memref<1000x128xf32, #tpu.memory_space<vmem>>, %arg2: memref<128x128xf32, #tpu.memory_space<vmem>>, %arg3: memref<1000x128xf32, #tpu.memory_space<vmem>>, %arg4: memref<1000x128xf32, #tpu.memory_space<vmem>>) attributes {dimension_semantics = [#tpu.dimension_semantics<arbitrary>], iteration_bounds = array<i64: 10>, scalar_prefetch = 0 : i64, scratch_operands = 0 : i64, tpu.core_type = #tpu.core_type<tc>, window_params = [{transform_indices = @transform_0, window_bounds = array<i64: 1000, 128>}, {pipeline_mode = #tpu.pipeline_mode<synchronous>, transform_indices = @transform_1, window_bounds = array<i64: 128, 128>}, {transform_indices = @transform_2, window_bounds = array<i64: 1000, 128>}, {transform_indices = @transform_3, window_bounds = array<i64: 1000, 128>}]} {
    %get3A = arith.constant 0 : index
    %get3A_0 = arith.constant 0 : index
    %get3A_1 = vector.load %arg1[%get3A, %get3A_0] : memref<1000x128xf32, #tpu.memory_space<vmem>>, vector<1000x128xf32>
    %convert_element_type3A = arith.truncf %get3A_1 : vector<1000x128xf32> to vector<1000x128xbf16>
    %get3A_2 = arith.constant 0 : index
    %get3A_3 = arith.constant 0 : index
    %get3A_4 = vector.load %arg2[%get3A_2, %get3A_3] : memref<128x128xf32, #tpu.memory_space<vmem>>, vector<128x128xf32>
    %convert_element_type3A_5 = arith.truncf %get3A_4 : vector<128x128xf32> to vector<128x128xbf16>
    %dot_general3A = arith.constant dense<0.000000e+00> : vector<1000x128xf32>
    %dot_general3A_6 = tpu.matmul %convert_element_type3A, %convert_element_type3A_5, %dot_general3A {dimension_numbers = #tpu.dot_dimension_numbers<[1], [0], [0], [1], [0, 0, 1, 1], [], []>, transpose_lhs_hint = false} : vector<1000x128xbf16>, vector<128x128xbf16>, vector<1000x128xf32> -> vector<1000x128xf32>
    %get3A_7 = arith.constant 0 : index
    %get3A_8 = arith.constant 0 : index
    %get3A_9 = vector.load %arg3[%get3A_7, %get3A_8] : memref<1000x128xf32, #tpu.memory_space<vmem>>, vector<1000x128xf32>
    %mul3A = arith.mulf %dot_general3A_6, %get3A_9 : vector<1000x128xf32>
    %swap3A = arith.constant 0 : index
    %swap3A_10 = arith.constant 0 : index
    %swap3A_11 = vector.load %arg4[%swap3A, %swap3A_10] : memref<1000x128xf32, #tpu.memory_space<vmem>>, vector<1000x128xf32>
    tpu.vector_store %arg4[%swap3A, %swap3A_10], %mul3A {strides = array<i32>} : memref<1000x128xf32, #tpu.memory_space<vmem>>, vector<1000x128xf32>,
    return
  }
  func.func @transform_0(%arg0: i32) -> (i32, i32) {
    %c0_i32 = arith.constant 0 : i32
    %c0_i32_0 = arith.constant 0 : i32
    return %arg0, %c0_i32 : i32, i32
  }
  func.func @transform_1(%arg0: i32) -> (i32, i32) {
    %c0_i32 = arith.constant 0 : i32
    %c0_i32_0 = arith.constant 0 : i32
    %c0_i32_1 = arith.constant 0 : i32
    return %c0_i32, %c0_i32_0 : i32, i32
  }
  func.func @transform_2(%arg0: i32) -> (i32, i32) {
    %c0_i32 = arith.constant 0 : i32
    %c0_i32_0 = arith.constant 0 : i32
    return %arg0, %c0_i32 : i32, i32
  }
  func.func @transform_3(%arg0: i32) -> (i32, i32) {
    %c0_i32 = arith.constant 0 : i32
    %c0_i32_0 = arith.constant 0 : i32
    return %arg0, %c0_i32 : i32, i32
  }
}

module attributes {stable_mosaic.version = 14 : i64} {
  func.func @_mid_body(%arg0: i32, %arg1: memref<2x1000x128xf32, #tpu.memory_space<vmem>>, %arg2: memref<1000x128xf32, #tpu.memory_space<vmem>>, %arg3: memref<1000x128xf32, #tpu.memory_space<vmem>>, %arg4: memref<128x128xf32, #tpu.memory_space<vmem>>, %arg5: memref<1000x128xf32, #tpu.memory_space<vmem>>) attributes {dimension_semantics = [#tpu.dimension_semantics<arbitrary>], iteration_bounds = array<i64: 10>, scalar_prefetch = 0 : i64, scratch_operands = 0 : i64, tpu.core_type = #tpu.core_type<tc>, window_params = [{transform_indices = @transform_0, window_bounds = array<i64: 2, 1000, 128>}, {transform_indices = @transform_1, window_bounds = array<i64: 1000, 128>}, {transform_indices = @transform_2, window_bounds = array<i64: 1000, 128>}, {pipeline_mode = #tpu.pipeline_mode<synchronous>, transform_indices = @transform_3, window_bounds = array<i64: 128, 128>}, {transform_indices = @transform_4, window_bounds = array<i64: 1000, 128>}]} {
    %get3A = arith.constant 0 : index
    %get3A_0 = arith.constant 0 : index
    %get3A_1 = vector.load %arg3[%get3A, %get3A_0] : memref<1000x128xf32, #tpu.memory_space<vmem>>, vector<1000x128xf32>
    %get3A_2 = arith.constant 0 : index
    %get3A_3 = arith.constant 0 : index
    %get3A_4 = arith.constant 0 : index
    %get3A_5 = vector.load %arg1[%get3A_2, %get3A_3, %get3A_4] : memref<2x1000x128xf32, #tpu.memory_space<vmem>>, vector<1x1000x128xf32>
    %get3A_6 = vector.shape_cast %get3A_5 : vector<1x1000x128xf32> to vector<1000x128xf32>
    %get3A_7 = arith.constant 1 : index
    %get3A_8 = arith.constant 0 : index
    %get3A_9 = arith.constant 0 : index
    %get3A_10 = vector.load %arg1[%get3A_7, %get3A_8, %get3A_9] : memref<2x1000x128xf32, #tpu.memory_space<vmem>>, vector<1x1000x128xf32>
    %get3A_11 = vector.shape_cast %get3A_10 : vector<1x1000x128xf32> to vector<1000x128xf32>
    %add3A = arith.addf %get3A_6, %get3A_11 : vector<1000x128xf32>
    %get3A_12 = arith.constant 0 : index
    %get3A_13 = arith.constant 0 : index
    %get3A_14 = vector.load %arg2[%get3A_12, %get3A_13] : memref<1000x128xf32, #tpu.memory_space<vmem>>, vector<1000x128xf32>
    %add3A_15 = arith.addf %add3A, %get3A_14 : vector<1000x128xf32>
    %mul3A = arith.mulf %get3A_1, %add3A_15 : vector<1000x128xf32>
    %max3A = arith.constant 0.000000e+00 : f32
    %max3A_16 = vector.broadcast %max3A : f32 to vector<1000x128xf32>
    %max3A_17 = arith.maximumf %mul3A, %max3A_16 : vector<1000x128xf32>
    %convert_element_type3A = arith.truncf %max3A_17 : vector<1000x128xf32> to vector<1000x128xbf16>
    %get3A_18 = arith.constant 0 : index
    %get3A_19 = arith.constant 0 : index
    %get3A_20 = vector.load %arg4[%get3A_18, %get3A_19] : memref<128x128xf32, #tpu.memory_space<vmem>>, vector<128x128xf32>
    %convert_element_type3A_21 = arith.truncf %get3A_20 : vector<128x128xf32> to vector<128x128xbf16>
    %dot_general3A = arith.constant dense<0.000000e+00> : vector<1000x128xf32>
    %dot_general3A_22 = tpu.matmul %convert_element_type3A, %convert_element_type3A_21, %dot_general3A {dimension_numbers = #tpu.dot_dimension_numbers<[1], [0], [0], [1], [0, 0, 1, 1], [], []>, transpose_lhs_hint = false} : vector<1000x128xbf16>, vector<128x128xbf16>, vector<1000x128xf32> -> vector<1000x128xf32>
    %mul3A_23 = arith.mulf %dot_general3A_22, %get3A_1 : vector<1000x128xf32>
    %swap3A = arith.constant 0 : index
    %swap3A_24 = arith.constant 0 : index
    %swap3A_25 = vector.load %arg5[%swap3A, %swap3A_24] : memref<1000x128xf32, #tpu.memory_space<vmem>>, vector<1000x128xf32>
    tpu.vector_store %arg5[%swap3A, %swap3A_24], %mul3A_23 {strides = array<i32>} : memref<1000x128xf32, #tpu.memory_space<vmem>>, vector<1000x128xf32>,
    return
  }
  func.func @transform_0(%arg0: i32) -> (i32, i32, i32) {
    %c0_i32 = arith.constant 0 : i32
    %c0_i32_0 = arith.constant 0 : i32
    %c0_i32_1 = arith.constant 0 : i32
    return %c0_i32, %arg0, %c0_i32_0 : i32, i32, i32
  }
  func.func @transform_1(%arg0: i32) -> (i32, i32) {
    %c0_i32 = arith.constant 0 : i32
    %c0_i32_0 = arith.constant 0 : i32
    return %arg0, %c0_i32 : i32, i32
  }
  func.func @transform_2(%arg0: i32) -> (i32, i32) {
    %c0_i32 = arith.constant 0 : i32
    %c0_i32_0 = arith.constant 0 : i32
    return %arg0, %c0_i32 : i32, i32
  }
  func.func @transform_3(%arg0: i32) -> (i32, i32) {
    %c0_i32 = arith.constant 0 : i32
    %c0_i32_0 = arith.constant 0 : i32
    %c0_i32_1 = arith.constant 0 : i32
    return %c0_i32, %c0_i32_0 : i32, i32
  }
  func.func @transform_4(%arg0: i32) -> (i32, i32) {
    %c0_i32 = arith.constant 0 : i32
    %c0_i32_0 = arith.constant 0 : i32
    return %arg0, %c0_i32 : i32, i32
  }
}

module attributes {stable_mosaic.version = 14 : i64} {
  func.func @_fin_body(%arg0: i32, %arg1: memref<2x1000x128xf32, #tpu.memory_space<vmem>>, %arg2: memref<1000x128xf32, #tpu.memory_space<vmem>>, %arg3: memref<1000x128xf32, #tpu.memory_space<vmem>>, %arg4: memref<1x128xf32, #tpu.memory_space<vmem>>, %arg5: memref<1000x128xf32, #tpu.memory_space<vmem>>) attributes {dimension_semantics = [#tpu.dimension_semantics<arbitrary>], iteration_bounds = array<i64: 10>, scalar_prefetch = 0 : i64, scratch_operands = 0 : i64, tpu.core_type = #tpu.core_type<tc>, window_params = [{transform_indices = @transform_0, window_bounds = array<i64: 2, 1000, 128>}, {transform_indices = @transform_1, window_bounds = array<i64: 1000, 128>}, {transform_indices = @transform_2, window_bounds = array<i64: 1000, 128>}, {pipeline_mode = #tpu.pipeline_mode<synchronous>, transform_indices = @transform_3, window_bounds = array<i64: 1, 128>}, {transform_indices = @transform_4, window_bounds = array<i64: 1000, 128>}]} {
    %get3A = arith.constant 0 : index
    %get3A_0 = arith.constant 0 : index
    %get3A_1 = vector.load %arg3[%get3A, %get3A_0] : memref<1000x128xf32, #tpu.memory_space<vmem>>, vector<1000x128xf32>
    %get3A_2 = arith.constant 0 : index
    %get3A_3 = arith.constant 0 : index
    %get3A_4 = arith.constant 0 : index
    %get3A_5 = vector.load %arg1[%get3A_2, %get3A_3, %get3A_4] : memref<2x1000x128xf32, #tpu.memory_space<vmem>>, vector<1x1000x128xf32>
    %get3A_6 = vector.shape_cast %get3A_5 : vector<1x1000x128xf32> to vector<1000x128xf32>
    %get3A_7 = arith.constant 1 : index
    %get3A_8 = arith.constant 0 : index
    %get3A_9 = arith.constant 0 : index
    %get3A_10 = vector.load %arg1[%get3A_7, %get3A_8, %get3A_9] : memref<2x1000x128xf32, #tpu.memory_space<vmem>>, vector<1x1000x128xf32>
    %get3A_11 = vector.shape_cast %get3A_10 : vector<1x1000x128xf32> to vector<1000x128xf32>
    %add3A = arith.addf %get3A_6, %get3A_11 : vector<1000x128xf32>
    %get3A_12 = arith.constant 0 : index
    %get3A_13 = arith.constant 0 : index
    %get3A_14 = vector.load %arg2[%get3A_12, %get3A_13] : memref<1000x128xf32, #tpu.memory_space<vmem>>, vector<1000x128xf32>
    %add3A_15 = arith.addf %add3A, %get3A_14 : vector<1000x128xf32>
    %mul3A = arith.mulf %get3A_1, %add3A_15 : vector<1000x128xf32>
    %get3A_16 = arith.constant 0 : index
    %get3A_17 = arith.constant 0 : index
    %get3A_18 = vector.load %arg4[%get3A_16, %get3A_17] : memref<1x128xf32, #tpu.memory_space<vmem>>, vector<1x128xf32>
    %add3A_19 = vector.broadcast %get3A_18 : vector<1x128xf32> to vector<1000x128xf32>
    %add3A_20 = arith.addf %mul3A, %add3A_19 : vector<1000x128xf32>
    %swap3A = arith.constant 0 : index
    %swap3A_21 = arith.constant 0 : index
    %swap3A_22 = vector.load %arg5[%swap3A, %swap3A_21] : memref<1000x128xf32, #tpu.memory_space<vmem>>, vector<1000x128xf32>
    tpu.vector_store %arg5[%swap3A, %swap3A_21], %add3A_20 {strides = array<i32>} : memref<1000x128xf32, #tpu.memory_space<vmem>>, vector<1000x128xf32>,
    return
  }
  func.func @transform_0(%arg0: i32) -> (i32, i32, i32) {
    %c0_i32 = arith.constant 0 : i32
    %c0_i32_0 = arith.constant 0 : i32
    %c0_i32_1 = arith.constant 0 : i32
    return %c0_i32, %arg0, %c0_i32_0 : i32, i32, i32
  }
  func.func @transform_1(%arg0: i32) -> (i32, i32) {
    %c0_i32 = arith.constant 0 : i32
    %c0_i32_0 = arith.constant 0 : i32
    return %arg0, %c0_i32 : i32, i32
  }
  func.func @transform_2(%arg0: i32) -> (i32, i32) {
    %c0_i32 = arith.constant 0 : i32
    %c0_i32_0 = arith.constant 0 : i32
    return %arg0, %c0_i32 : i32, i32
  }
  func.func @transform_3(%arg0: i32) -> (i32, i32) {
    %c0_i32 = arith.constant 0 : i32
    %c0_i32_0 = arith.constant 0 : i32
    %c0_i32_1 = arith.constant 0 : i32
    return %c0_i32, %c0_i32_0 : i32, i32
  }
  func.func @transform_4(%arg0: i32) -> (i32, i32) {
    %c0_i32 = arith.constant 0 : i32
    %c0_i32_0 = arith.constant 0 : i32
    return %arg0, %c0_i32 : i32, i32
  }
}

</mosaic_0001>

<sc_bundles>
// kernel: kernel.11.cloned.1.call-start
scs
__scs_entry_jumppad:
0x0: {  	(pc) =	sbr.rel $0x88, $3  }
0x1: {  	(tag) =	ssettag $0x0;
	lr =	simm.s32 $0x1  }
0x2: {  	[smem:$0x3F97] =	sst lr;
	_ =	strace $0xD0000000  }
0x3: {  	_ = 	snop  }
0x4: {  	_ = 	snop  }
0x5: {  	_ = 	snop  }
0x6: {  	_ = 	snop  }
0x7: {  	_ = 	snop  }
__scs_overlays_trampoline_lowered:
0x8: {  	[smem:$0x3FA6] =	sst s0  }
0x9: {  	[smem:$0x3FA7] =	sst s1  }
0xa: {  	[smem:$0x3FA8] =	sst s2  }
0xb: {  	[smem:$0x3FA9] =	sst s3  }
0xc: {  	[smem:$0x3FAA] =	sst s4  }
0xd: {  	[smem:$0x3FAB] =	sst s5  }
0xe: {  	[smem:$0x3FAC] =	sst s6  }
0xf: {  	[smem:$0x3FAD] =	sst s7  }
0x10: {  	[smem:$0x3FAE] =	sst s8  }
0x11: {  	[smem:$0x3FAF] =	sst s9;
	s0 =	simm.s32 @!p0 $0x0  }
0x12: {  	s1 =	sld [smem:$0x3F95];
	s0 =	simm.s32 @p0 $0x1  }
0x13: {  	[smem:$0x3FB0] =	sst s0;
	s0 =	simm.s32 @!p1 $0x0  }
0x14: {  	s2 =	sld [smem:$0x3F94];
	s0 =	simm.s32 @p1 $0x1  }
0x15: {  	[smem:$0x3FB1] =	sst s0;
	s0 =	simm.s32 @!p2 $0x0  }
0x16: {  	s3 =	sld [smem:$0x3FDB];
	s0 =	simm.s32 @p2 $0x1  }
0x17: {  	s4 =	simm.s32 $0x1BF5;
	[smem:$0x3FB3] =	sst s0  }
0x18: {  	s0 =	sld [smem:$0x3F96];
	_ =	swait.ge [sflag:s4], $0x0  }
0x19: {  	s7 =	sld [smem:$0x3F97]  }
0x1a: {  	s8 =	sadd.s32 $0xFFFFE003, lr  }
0x1b: {  	s9 =	sadd.s32 $0xFFFFFEF7, lr;
	s5 =	simm.s32 $0xFFFFFFFF;
	p2 =	slt.u32 s8, $0xFFFFF086  }
0x1c: {  	p1 =	slt.u32 s9, $0xF7A;
	s5 =	simm.s32 @!p2 $0x0  }
0x1d: {  	s5 =	simm.s32 @p1 $0x1;
	p0 =	seq.s32 s7, s2  }
0x1e: {  	s7 =	smul.u32 @!p0 $0xF7A, s2;
	p2 =	seq.s32 @!p0 s5, $0x0  }
0x1f: {  	s9 =	smul.u32 $0xF7A, s1;
	s8 =	simm.s32 @!p0 $0x1BF5;
	p2 =	por !p2, p0  }
0x20: {  	[sflag:s8] =	ssyncset.s32 @!p0 $0xFFFFF086;
	s6 =	sadd.s32 @!p0 s3, s7;
	s7 =	simm.s32 @!p0 $0x108  }
0x21: {  	s3 =	sadd.s32 s3, s9;
	s6 =	sadd.s32 @!p0 $0x88, s6;
	s7 =	simm.s32 @p2 $0x1082  }
0x22: {  	[simem:s7], [sflag:s8] =	dma.local @!p0 [hbm:s6], $0xF7A  }
0x23: {  	s9 =	sor.u32 $0xD0000000, s2;
	s6 =	simm.s32 $0x108;
	_ =	swait.ge @!p0 [sflag:s8], $0x0  }
0x24: {  	s3 =	sadd.s32 $0x88, s3;
	s6 =	simm.s32 @!p1 $0x1082;
	[sflag:s4] =	ssyncset.s32 $0xFFFFF086  }
0x25: {  	[simem:s6], [sflag:s4] =	dma.local [hbm:s3], $0xF7A  }
0x26: {  	[smem:$0x3F97] =	sst s1;
	(tag) =	ssettag s2;
	_ =	strace s9  }
0x27: {  	s1 =	sld [smem:$0x3FA7]  }
0x28: {  	s2 =	sld [smem:$0x3FA8]  }
0x29: {  	s4 =	sld [smem:$0x3FAA]  }
0x2a: {  	p0 =	seq.s32 s5, $0x0;
	s5 =	sld [smem:$0x3FAB]  }
0x2b: {  	s6 =	sld [smem:$0x3FAC]  }
0x2c: {  	s7 =	sld [smem:$0x3FAD]  }
0x2d: {  	s3 =	simm.s32 $0x108;
	s8 =	sld [smem:$0x3FAE]  }
0x2e: {  	s3 =	simm.s32 @!p0 $0x1082;
	s9 =	sld [smem:$0x3FAF]  }
0x2f: {  	lr =	sadd.s32 s0, s3;
	s0 =	sld [smem:$0x3FA6]  }
0x30: {  	s3 =	sld [smem:$0x3FA9]  }
0x31: {  	[smem:$0x3FB2] =	sst s10  }
0x32: {  	s10 =	sld [smem:$0x3FB0];
	_ =	sdelay $0x3  }
0x33: {  	p0 =	seq.s32 s10, $0x1;
	s10 =	sld [smem:$0x3FB2];
	_ =	sdelay $0x3  }
0x34: {  	[smem:$0x3FB2] =	sst s10  }
0x35: {  	s10 =	sld [smem:$0x3FB1];
	_ =	sdelay $0x3  }
0x36: {  	p1 =	seq.s32 s10, $0x1;
	s10 =	sld [smem:$0x3FB2];
	_ =	sdelay $0x3  }
0x37: {  	[smem:$0x3FB2] =	sst s10  }
0x38: {  	s10 =	sld [smem:$0x3FB3]  }
0x39: {  	_ = 	snop;
	(pc) =	sbr.ind lr, $3  }
0x3a: {  	_ = 	snop  }
0x3b: {  	_ = 	snop  }
0x3c: {  	p2 =	seq.s32 s10, $0x1;
	s10 =	sld [smem:$0x3FB2]  }
0x3d: {  	_ =	shalt  }
0x3e: {  	_ =	shalt  }
0x3f: {  	_ =	shalt  }
0x40: {  	_ =	shalt  }
0x41: {  	_ =	shalt  }
0x42: {  	_ =	shalt  }
0x43: {  	_ =	shalt  }
0x44: {  	_ =	shalt  }
0x45: {  	_ =	shalt  }
0x46: {  	_ =	shalt  }
0x47: {  	_ =	shalt  }
0x48: {  	_ =	shalt  }
0x49: {  	_ =	shalt  }
0x4a: {  	_ =	shalt  }
0x4b: {  	_ =	shalt  }
0x4c: {  	_ =	shalt  }
0x4d: {  	_ =	shalt  }
0x4e: {  	_ =	shalt  }
0x4f: {  	_ =	shalt  }
0x50: {  	_ =	shalt  }
0x51: {  	_ =	shalt  }
0x52: {  	_ =	shalt  }
0x53: {  	_ =	shalt  }
0x54: {  	_ =	shalt  }
0x55: {  	_ =	shalt  }
0x56: {  	_ =	shalt  }
0x57: {  	_ =	shalt  }
0x58: {  	_ =	shalt  }
0x59: {  	_ =	shalt  }
0x5a: {  	_ =	shalt  }
0x5b: {  	_ =	shalt  }
0x5c: {  	_ =	shalt  }
0x5d: {  	_ =	shalt  }
0x5e: {  	_ =	shalt  }
0x5f: {  	_ =	shalt  }
0x60: {  	_ =	shalt  }
0x61: {  	_ =	shalt  }
0x62: {  	_ =	shalt  }
0x63: {  	_ =	shalt  }
0x64: {  	_ =	shalt  }
0x65: {  	_ =	shalt  }
0x66: {  	_ =	shalt  }
0x67: {  	_ =	shalt  }
0x68: {  	_ =	shalt  }
0x69: {  	_ =	shalt  }
0x6a: {  	_ =	shalt  }
0x6b: {  	_ =	shalt  }
0x6c: {  	_ =	shalt  }
0x6d: {  	_ =	shalt  }
0x6e: {  	_ =	shalt  }
0x6f: {  	_ =	shalt  }
0x70: {  	_ =	shalt  }
0x71: {  	_ =	shalt  }
0x72: {  	_ =	shalt  }
0x73: {  	_ =	shalt  }
0x74: {  	_ =	shalt  }
0x75: {  	_ =	shalt  }
0x76: {  	_ =	shalt  }
0x77: {  	_ =	shalt  }
0x78: {  	_ =	shalt  }
0x79: {  	_ =	shalt  }
0x7a: {  	_ =	shalt  }
0x7b: {  	_ =	shalt  }
0x7c: {  	_ =	shalt  }
0x7d: {  	_ =	shalt  }
0x7e: {  	_ =	shalt  }
0x7f: {  	_ =	shalt  }
0x80: {  	_ =	shalt  }
0x81: {  	_ =	shalt  }
0x82: {  	_ =	shalt  }
0x83: {  	_ =	shalt  }
0x84: {  	_ =	shalt  }
0x85: {  	_ =	shalt  }
0x86: {  	_ =	shalt  }
0x87: {  	_ =	shalt  }
.Lfunc_end0:
.L_simem_size_0:
called_computation_lowered:
.L_overlay_start_0:
0x88: {  	s2 =	sld [smem:$0x3FD9]  }
0x89: {  	s3 =	sld [smem:$0x3FFE];
	_ =	sdelay $0x1  }
0x8a: {  	s1 =	srdreg.scid  }
0x8b: {  	s0 =	sand.u32 $0x1, s1  }
0x8c: {  	s16 =	sshll.u32 s0, $0xA;
	s2 =	sadd.s32 s3, s2  }
0x8d: {  	s2 =	sadd.s32 s2, s16  }
0x8e: {  	[smem:$0x3FBE] =	sst s2  }
0x8f: {  	_ = 	snop  }
0x90: {  	(tm) =	ssettm $0x1  }
0x91: {  	s17 =	sld [smem:$0x3FFB];
	_ =	sdelay $0x3  }
0x92: {  	_ =	strace s17  }
0x93: {  	s2 =	sld [smem:$0x3FFC];
	_ =	sdelay $0x3  }
0x94: {  	_ =	strace s2  }
0x95: {  	s2 =	sld [smem:$0x3FFD];
	_ =	sdelay $0x3  }
0x96: {  	_ =	strace s2  }
0x97: {  	_ =	strace $0x8FFFFFFF  }
0x98: {  	s18 =	sld [smem:$0x3FDB];
	_ =	sdelay $0x1  }
0x99: {  	s19 =	simm.s32 $_scs_section_size  }
0x9a: {  	s4 =	simm.s32 $_size__tile_overlayer_lowered;
	s5 =	simm.s32 $_tile_overlayer_lowered  }
0x9b: {  	s22 =	simm.s32 $0x1BFF;
	s21 =	sshll.u32 s5, $0x1;
	s2 =	sadd.s32 s19, s18  }
0x9c: {  	s6 =	simm.s32 $0x0;
	s20 =	sshll.u32 s4, $0x1;
	s4 =	sadd.s32 s21, s2  }
0x9d: {  	[timem:s6], [sflag:s22] =	dma.local [hbm:s4], s20  }
0x9e: {  	_ =	swait.ge [sflag:s22], s20  }
0x9f: {  	s3 =	ssub.s32 $0x0, s20;
	[sflag:s22] =	ssyncset.done $0x0  }
0xa0: {  	[sflag:s22] =	ssyncadd.s32 s3;
	_ =	sdelay $0x1  }
0xa1: {  	s23 =	simm.s32 $0x1B8B  }
0xa2: {  	_ =	swait.ge [sflag:s23], $0x1  }
0xa3: {  	[sflag:s23] =	ssyncset.done $0x0  }
0xa4: {  	s25 =	simm.s32 $0x1B8E;
	s24 =	sld [smem:$0x3FFE];
	[sflag:s23] =	ssyncadd.s32 $0xFFFFFFFF  }
0xa5: {  	s26 =	simm.s32 $execute0_lowered;
	[smem:$0x3FD2] =	sst s25  }
0xa6: {  	s4 =	sshll.u32 s26, $0x1;
	_ =	strace $0x80000046;
	[dreg:$0x1] =	wrdreg $0xFFFFFFFF  }
0xa7: {  	s28 =	simm.s32 $_size_execute0_lowered;
	s2 =	sadd.s32 s2, s4;
	[dreg:$0x0] =	wrdreg $0x0  }
0xa8: {  	s4 =	sshll.u32 s28, $0x1;
	[dreg:$0x2] =	wrdreg s2  }
0xa9: {  	[dreg:$0x3] =	wrdreg s4  }
0xaa: {  	[dreg:$0x4] =	wrdreg $0xC0  }
0xab: {  	_ =	task [dreg:s6], $0x5FFFF  }
0xac: {  	[dreg:$0x1] =	wrdreg $0xFFFFFFFF  }
0xad: {  	[dreg:$0x0] =	wrdreg $0x60  }
0xae: {  	[dreg:$0x2] =	wrdreg s24  }
0xaf: {  	[dreg:$0x3] =	wrdreg $0x41000  }
0xb0: {  	[dreg:$0x4] =	wrdreg $0x9  }
0xb1: {  	_ =	task.clear_ibuf [dreg:s6], $0x5FFFF;
	_ =	strace $0x90000046  }
0xb2: {  	s29 =	simm.s32 $0x9;
	_ =	strace $0x80000048  }
0xb3: {  	_ =	swait.ge [sflag:s29], $0x1  }
0xb4: {  	[sflag:s29] =	ssyncadd.s32 $0xFFFFFFFF  }
0xb5: {  	_ =	strace $0x90000048  }
0xb6: {  	_ =	sfence  }
0xb7: {  	s30 =	sld [smem:$0x0];
	_ =	sdelay $0x2  }
0xb8: {  	s31 =	sshll.u32 s1, $0xD;
	s1 =	sshrl.u32 s1, $0x2  }
0xb9: {  	s3 =	sand.u32 $0x4000, s31;
	s1 =	sadd.s32 s1, s30  }
0xba: {  	s0 =	sor.u32 s3, s0;
	s1 =	sshll.u32 s1, $0x11  }
0xbb: {  	s0 =	sor.u32 s1, s0  }
0xbc: {  	s0 =	sadd.s32 $0x8F2B, s0  }
0xbd: {  	[sflag:s0] =	ssyncadd.remote.s32 $0x1  }
0xbe: {  	_ =	sfence.sel $0xFFFF  }
0xbf: {  	[dreg:$0x0] =	wrdreg $0xFFFFFFFF;
	(pc) =	sbr.abs _section_cstart, $3  }
0xc0: {  	[dreg:$0x1] =	wrdreg $0xFFFFFFFF  }
0xc1: {  	_ =	task.clear_ibuf [dreg:s6], $0x2FFFF;
	_ =	strace $0x9FFFFFFF  }
0xc2: {  	(tm) =	ssettm $0x7FFFFFFF  }
0xc3: {  	_ =	shalt  }
tec
execute0_lowered:
.L_overlay_start_1:
0x0: {  	(tag) =	ssettag $0x1  }
0x1: {  	s4 =	rddreg [dreg:$0x0]  }
0x2: {  	s1 =	rddreg [dreg:$0x1];
	s3 =	srdreg.scid  }
0x3: {  	s0 =	rddreg [dreg:$0x2];
	s2 =	simm.s32 $0x0;
	s5 =	sand.u32 $0x1, s3  }
0x4: {  	s15 =	simm.s32 $0x10;
	s3 =	stileid.u32;
	s6 =	smul.u32 $0x28000, s5  }
0x5: {  	s19 =	simm.s32 $0x0;
	[smem:$0x7FF] =	sst s2;
	s8 =	smul.u32 $0x50000, s3  }
0x6: {  	s11 =	sadd.s32 $0xC000, s4;
	_ =	strace $0x80000047;
	s12 =	smul.u32 $0x27100, s5  }
0x7: {  	s7 =	sshll.u32 s5, $0x4;
	s26 =	ssub.s32 $0x2, s5;
	s30 =	smul.u32 $0x2710, s3  }
0x8: {  	s17 =	smul.u32 $0x2800, s3;
	s31 =	sshll.u32 s3, $0x6;
	s25 =	sor.u32 s3, s7  }
0x9: {  	s9 =	sshrl.u32 s26, $0x1;
	s10 =	sadd.s32 s6, s4;
	s28 =	sshrl.u32 s8, $0x2  }
0xa: {  	s29 =	smul.u32 $0x2710, s25;
	s13 =	ssub.s32 s26, s9;
	s12 =	sadd.s32 s30, s12  }
0xb: {  	s4 =	sadd.s32 s28, s1;
	s16 =	sadd.s32 $0x15E00, s10;
	s12 =	sshrl.u32 s12, $0x3  }
0xc: {  	s10 =	smax.u32 s13, $0x1;
	s13 =	simm.s32 $0x1;
	s5 =	sadd.s32 $0x4000, s4  }
0xd: {  	s6 =	sadd.s32 $0x8000, s4;
	s7 =	sadd.s32 $0xC000, s4;
	s14 =	sshrl.u32 s29, $0x3  }
0xe: {  	s8 =	sadd.s32 $0x10000, s4;
	s16 =	sadd.s32 s17, s16;
	s17 =	sor.u32 $0x1C01, s31  }
0xf: {  	s18 =	sshrl.u32 s4, $0x3;
	s14 =	sadd.s32 s11, s14;
	s11 =	sadd.s32 s12, s11  }
0x10: {  	v0 =	vimm.f32 $0.0e+00;
	v1 =	vimm.f32 $1.000000000e+00;
	s12 =	simm.s32 $0x100;
	s9 =	sadd.s32 $0x4E0, s14;
	s14 =	simm.s32 $0x80  }
.LBB2_1:
0x11: {  	s20 =	simm.s32 $0x0;
	s21 =	simm.s32 $0x200  }
.LBB2_2:
0x12: {  	p0 =	sne.s32 s21, $0xFE00;
	[tilespmem:s20+$0x170] =	vst v0  }
0x13: {  	[tilespmem:s20+$0x100] =	vst v0  }
0x14: {  	[tilespmem:s20+$0x110] =	vst v0  }
.Ltmp0:
0x15: {  	[tilespmem:s20+$0x120] =	vst v0;
	(pc) =	sbr.rel @p0 .LBB2_2-.Ltmp0, $4  }
0x16: {  	[tilespmem:s20+$0x130] =	vst v0  }
0x17: {  	[tilespmem:s20+$0x140] =	vst v0  }
0x18: {  	[tilespmem:s20+$0x150] =	vst v0  }
0x19: {  	[tilespmem:s20+$0x160] =	vst v0;
	s20 =	sshra.s32 s21, $0x2;
	s21 =	sadd.s32 $0x200, s21  }
0x1a: {  	[tilespmem:s20+$0x170] =	vst v0  }
0x1b: {  	[tilespmem:s20+$0x100] =	vst v0  }
0x1c: {  	[tilespmem:s20+$0x110] =	vst v0  }
0x1d: {  	[tilespmem:s20+$0x120] =	vst v0  }
0x1e: {  	[tilespmem:s20+$0x130] =	vst v0  }
0x1f: {  	[tilespmem:s20+$0x140] =	vst v0  }
0x20: {  	[tilespmem:s20+$0x150] =	vst v0  }
0x21: {  	[tilespmem:s20+$0x160] =	vst v0  }
0x22: {  	[spmem:s4] =	stream.linear.scatter [tilespmem:s12], [sflag:$0x1], $0x4000, $0x38;
	[tilespmem:$0x18100] =	vst v63  }
0x23: {  	_ =	swait.ge [sflag:s13], $0x4000  }
0x24: {  	[sflag:s13] =	ssyncset.done $0x0  }
0x25: {  	[sflag:s13] =	ssyncadd.s32 $0xFFFFC000  }
0x26: {  	[spmem:s5] =	stream.linear.scatter [tilespmem:s12], [sflag:$0x1], $0x4000, $0x38;
	[tilespmem:$0x18100] =	vst v63  }
0x27: {  	_ =	swait.ge [sflag:s13], $0x4000  }
0x28: {  	[sflag:s13] =	ssyncset.done $0x0  }
0x29: {  	[sflag:s13] =	ssyncadd.s32 $0xFFFFC000  }
0x2a: {  	[spmem:s6] =	stream.linear.scatter [tilespmem:s12], [sflag:$0x1], $0x4000, $0x38;
	[tilespmem:$0x18100] =	vst v63  }
0x2b: {  	_ =	swait.ge [sflag:s13], $0x4000  }
0x2c: {  	[sflag:s13] =	ssyncset.done $0x0  }
0x2d: {  	[sflag:s13] =	ssyncadd.s32 $0xFFFFC000  }
0x2e: {  	[spmem:s7] =	stream.linear.scatter [tilespmem:s12], [sflag:$0x1], $0x4000, $0x38;
	[tilespmem:$0x18100] =	vst v63  }
0x2f: {  	_ =	swait.ge [sflag:s13], $0x4000  }
0x30: {  	[sflag:s13] =	ssyncset.done $0x0  }
0x31: {  	[sflag:s13] =	ssyncadd.s32 $0xFFFFC000  }
0x32: {  	[spmem:s8] =	stream.linear.scatter [tilespmem:s12], [sflag:$0x1], $0x4000, $0x38;
	[tilespmem:$0x18100] =	vst v63  }
0x33: {  	_ =	swait.ge [sflag:s13], $0x4000  }
0x34: {  	[sflag:s13] =	ssyncset.done $0x0  }
0x35: {  	[sflag:s13] =	ssyncadd.s32 $0xFFFFC000  }
0x36: {  	s20 =	simm.s32 $0x0;
	s21 =	simm.s32 $0x200;
	[bflag:$0x0] =	sbarrier.arrive $0xFFFF  }
.LBB2_4:
0x37: {  	p0 =	sne.s32 s21, $0xFE00;
	[tilespmem:s20+$0x170] =	vst v1  }
0x38: {  	[tilespmem:s20+$0x100] =	vst v1  }
0x39: {  	[tilespmem:s20+$0x110] =	vst v1  }
.Ltmp1:
0x3a: {  	[tilespmem:s20+$0x120] =	vst v1;
	(pc) =	sbr.rel @p0 .LBB2_4-.Ltmp1, $4  }
0x3b: {  	[tilespmem:s20+$0x130] =	vst v1  }
0x3c: {  	[tilespmem:s20+$0x140] =	vst v1  }
0x3d: {  	[tilespmem:s20+$0x150] =	vst v1  }
0x3e: {  	[tilespmem:s20+$0x160] =	vst v1;
	s20 =	sshra.s32 s21, $0x2;
	s21 =	sadd.s32 $0x200, s21  }
0x3f: {  	[tilespmem:s20+$0x170] =	vst v1  }
0x40: {  	[tilespmem:s20+$0x100] =	vst v1  }
0x41: {  	[tilespmem:s20+$0x110] =	vst v1  }
0x42: {  	[tilespmem:s20+$0x120] =	vst v1  }
0x43: {  	[tilespmem:s20+$0x130] =	vst v1  }
0x44: {  	[tilespmem:s20+$0x140] =	vst v1  }
0x45: {  	[tilespmem:s20+$0x150] =	vst v1  }
0x46: {  	[tilespmem:s20+$0x160] =	vst v1;
	s31 =	sadd.s32 $0x0, s11  }
0x47: {  	[tilespmem:s2], [sflag:$0x1] =	stream.linear.gather [hbm4b:s31+s2], $0x80, $0x38;
	[tilespmem:$0x18100] =	vst v63  }
0x48: {  	_ =	swait.ge [sflag:s13], $0x80  }
0x49: {  	[sflag:s13] =	ssyncset.done $0x0  }
0x4a: {  	[sflag:s13] =	ssyncadd.s32 $0xFFFFFF80  }
0x4b: {  	[spmem:s1] =	stream.indirect.scatter.add.f32 [tilespmem:s12], [sflag:$0x1], $0x80, s2, s14, $0xb8;
	[tilespmem:$0x18100] =	vst v63  }
0x4c: {  	_ =	swait.ge [sflag:s13], $0x4000  }
0x4d: {  	s20 =	simm.s32 $0x10;
	s21 =	simm.s32 $0x20;
	[sflag:s13] =	ssyncset.done $0x0  }
.LBB2_6:
0x4e: {  	s22 =	sadd.s32 s20, s11  }
0x4f: {  	[sflag:s13] =	ssyncadd.s32 $0xFFFFC000;
	s20 =	smov.u32 s21;
	s23 =	sadd.s32 $0x10, s21  }
0x50: {  	[tilespmem:s2], [sflag:$0x1] =	stream.linear.gather [hbm4b:s22+s2], $0x80, $0x38;
	[tilespmem:$0x18100] =	vst v63  }
0x51: {  	p0 =	sne.s32 s21, $0x4D0;
	_ =	swait.ge [sflag:s13], $0x80  }
.Ltmp2:
0x52: {  	[sflag:s13] =	ssyncset.done $0x0;
	(pc) =	sbr.rel @p0 .LBB2_6-.Ltmp2, $4  }
0x53: {  	[sflag:s13] =	ssyncadd.s32 $0xFFFFFF80  }
0x54: {  	[spmem:s1] =	stream.indirect.scatter.add.f32 [tilespmem:s12], [sflag:$0x1], $0x80, s2, s14, $0xb8;
	[tilespmem:$0x18100] =	vst v63  }
0x55: {  	_ =	swait.ge [sflag:s13], $0x4000  }
0x56: {  	s21 =	smov.u32 s23;
	[sflag:s13] =	ssyncset.done $0x0  }
0x57: {  	s20 =	sadd.s32 s20, s11;
	[sflag:s13] =	ssyncadd.s32 $0xFFFFC000  }
0x58: {  	[tilespmem:s2], [sflag:$0x1] =	stream.linear.gather [hbm4b:s20+s2], $0x80, $0x38;
	[tilespmem:$0x18100] =	vst v63  }
0x59: {  	_ =	swait.ge [sflag:s13], $0x80  }
0x5a: {  	[sflag:s13] =	ssyncset.done $0x0  }
0x5b: {  	[sflag:s13] =	ssyncadd.s32 $0xFFFFFF80  }
0x5c: {  	[spmem:s1] =	stream.indirect.scatter.add.f32 [tilespmem:s12], [sflag:$0x1], $0x80, s2, s14, $0xb8;
	[tilespmem:$0x18100] =	vst v63  }
0x5d: {  	_ =	swait.ge [sflag:s13], $0x4000  }
0x5e: {  	[sflag:s13] =	ssyncset.done $0x0  }
0x5f: {  	[sflag:s13] =	ssyncadd.s32 $0xFFFFC000  }
0x60: {  	[tilespmem:s14], [sflag:$0x1] =	stream.linear.gather [hbm4b:s9+s2], $0x10, $0x38;
	[tilespmem:$0x18100] =	vst v63  }
0x61: {  	_ =	swait.ge [sflag:s13], $0x10  }
0x62: {  	[sflag:s13] =	ssyncset.done $0x0  }
0x63: {  	[sflag:s13] =	ssyncadd.s32 $0xFFFFFFF0  }
0x64: {  	[spmem:s1] =	stream.indirect.scatter.add.f32 [tilespmem:s12], [sflag:$0x1], $0x80, s14, s15, $0xb8;
	[tilespmem:$0x18100] =	vst v63  }
0x65: {  	_ =	swait.ge [sflag:s13], $0x800  }
0x66: {  	s19 =	sadd.s32 $0x1, s19;
	[sflag:s13] =	ssyncset.done $0x0  }
0x67: {  	p0 =	sne.s32 s19, s10;
	[sflag:s13] =	ssyncadd.s32 $0xFFFFF800  }
.Ltmp3:
0x68: {  	[bflag:$0x0] =	sbarrier.arrive $0xFFFF;
	(pc) =	sbr.rel @p0 .LBB2_1-.Ltmp3, $4  }
0x69: {  	[hbm:s16], [sflag:s17] =	dma.local [spmem:s18], $0x2800  }
0x6a: {  	_ =	swait.ge [sflag:s13], $0x2800  }
0x6b: {  	[sflag:s13] =	ssyncset.done $0x0  }
0x6c: {  	[sflag:s13] =	ssyncadd.s32 $0xFFFFD800  }
0x6d: {  	_ =	sfence.sel $0x180000  }
0x6e: {  	[bflag:$0x0] =	sbarrier.arrive $0xFFFF  }
0x6f: {  	p0 =	sne.s32 s3, $0x0;
	_ =	strace $0x90000047  }
0x70: {  	s0 =	sadd.s32 @!p0 $0x100000, s0;
	[bflag:$0x2] =	sbarrier.arrive $0xFFFF  }
0x71: {  	[sflag:s0] =	ssyncadd.tile.s32 @!p0 $0x1;
	_ =	shalt  }
.Lfunc_end2:
_tile_overlayer_lowered:
.L_overlay_start_2:
0x72: {  	(tag) =	ssettag $0x2  }
0x73: {  	s0 =	rddreg [dreg:$0x0];
	s2 =	stileid.u32  }
0x74: {  	s1 =	rddreg [dreg:$0x1];
	p0 =	sne.s32 s2, $0x0  }
0x75: {  	s3 =	rddreg [dreg:$0x2];
	[bflag:$0x3] =	sbarrier.arrive $0xFFFF;
	s2 =	simm.s32 @!p0 $0x1C01  }
0x76: {  	[timem:s3], [sflag:s2] =	dma.local @!p0 [hbm:s0], s1  }
0x77: {  	s0 =	simm.s32 @!p0 $0x1  }
0x78: {  	_ =	swait.ge @!p0 [sflag:s0], s1  }
0x79: {  	s1 =	ssub.s32 @!p0 $0x0, s1;
	[sflag:s0] =	ssyncset.done @!p0 $0x0  }
0x7a: {  	[sflag:s0] =	ssyncadd.s32 @!p0 s1  }
0x7b: {  	[bflag:$0x3] =	sbarrier.arrive $0xFFFF  }
0x7c: {  	_ =	shalt  }

// kernel: kernel.14.cloned.1.call-start
scs
__scs_entry_jumppad:
0x0: {  	(pc) =	sbr.rel $0x88, $3  }
0x1: {  	(tag) =	ssettag $0x0;
	lr =	simm.s32 $0x1  }
0x2: {  	[smem:$0x3F97] =	sst lr;
	_ =	strace $0xD0000000  }
0x3: {  	_ = 	snop  }
0x4: {  	_ = 	snop  }
0x5: {  	_ = 	snop  }
0x6: {  	_ = 	snop  }
0x7: {  	_ = 	snop  }
__scs_overlays_trampoline_lowered:
0x8: {  	[smem:$0x3FA6] =	sst s0  }
0x9: {  	[smem:$0x3FA7] =	sst s1  }
0xa: {  	[smem:$0x3FA8] =	sst s2  }
0xb: {  	[smem:$0x3FA9] =	sst s3  }
0xc: {  	[smem:$0x3FAA] =	sst s4  }
0xd: {  	[smem:$0x3FAB] =	sst s5  }
0xe: {  	[smem:$0x3FAC] =	sst s6  }
0xf: {  	[smem:$0x3FAD] =	sst s7  }
0x10: {  	[smem:$0x3FAE] =	sst s8  }
0x11: {  	[smem:$0x3FAF] =	sst s9;
	s0 =	simm.s32 @!p0 $0x0  }
0x12: {  	s1 =	sld [smem:$0x3F95];
	s0 =	simm.s32 @p0 $0x1  }
0x13: {  	[smem:$0x3FB0] =	sst s0;
	s0 =	simm.s32 @!p1 $0x0  }
0x14: {  	s2 =	sld [smem:$0x3F94];
	s0 =	simm.s32 @p1 $0x1  }
0x15: {  	[smem:$0x3FB1] =	sst s0;
	s0 =	simm.s32 @!p2 $0x0  }
0x16: {  	s3 =	sld [smem:$0x3FDB];
	s0 =	simm.s32 @p2 $0x1  }
0x17: {  	s4 =	simm.s32 $0x1BF5;
	[smem:$0x3FB3] =	sst s0  }
0x18: {  	s0 =	sld [smem:$0x3F96];
	_ =	swait.ge [sflag:s4], $0x0  }
0x19: {  	s7 =	sld [smem:$0x3F97]  }
0x1a: {  	s8 =	sadd.s32 $0xFFFFE003, lr  }
0x1b: {  	s9 =	sadd.s32 $0xFFFFFEF7, lr;
	s5 =	simm.s32 $0xFFFFFFFF;
	p2 =	slt.u32 s8, $0xFFFFF086  }
0x1c: {  	p1 =	slt.u32 s9, $0xF7A;
	s5 =	simm.s32 @!p2 $0x0  }
0x1d: {  	s5 =	simm.s32 @p1 $0x1;
	p0 =	seq.s32 s7, s2  }
0x1e: {  	s7 =	smul.u32 @!p0 $0xF7A, s2;
	p2 =	seq.s32 @!p0 s5, $0x0  }
0x1f: {  	s9 =	smul.u32 $0xF7A, s1;
	s8 =	simm.s32 @!p0 $0x1BF5;
	p2 =	por !p2, p0  }
0x20: {  	[sflag:s8] =	ssyncset.s32 @!p0 $0xFFFFF086;
	s6 =	sadd.s32 @!p0 s3, s7;
	s7 =	simm.s32 @!p0 $0x108  }
0x21: {  	s3 =	sadd.s32 s3, s9;
	s6 =	sadd.s32 @!p0 $0x88, s6;
	s7 =	simm.s32 @p2 $0x1082  }
0x22: {  	[simem:s7], [sflag:s8] =	dma.local @!p0 [hbm:s6], $0xF7A  }
0x23: {  	s9 =	sor.u32 $0xD0000000, s2;
	s6 =	simm.s32 $0x108;
	_ =	swait.ge @!p0 [sflag:s8], $0x0  }
0x24: {  	s3 =	sadd.s32 $0x88, s3;
	s6 =	simm.s32 @!p1 $0x1082;
	[sflag:s4] =	ssyncset.s32 $0xFFFFF086  }
0x25: {  	[simem:s6], [sflag:s4] =	dma.local [hbm:s3], $0xF7A  }
0x26: {  	[smem:$0x3F97] =	sst s1;
	(tag) =	ssettag s2;
	_ =	strace s9  }
0x27: {  	s1 =	sld [smem:$0x3FA7]  }
0x28: {  	s2 =	sld [smem:$0x3FA8]  }
0x29: {  	s4 =	sld [smem:$0x3FAA]  }
0x2a: {  	p0 =	seq.s32 s5, $0x0;
	s5 =	sld [smem:$0x3FAB]  }
0x2b: {  	s6 =	sld [smem:$0x3FAC]  }
0x2c: {  	s7 =	sld [smem:$0x3FAD]  }
0x2d: {  	s3 =	simm.s32 $0x108;
	s8 =	sld [smem:$0x3FAE]  }
0x2e: {  	s3 =	simm.s32 @!p0 $0x1082;
	s9 =	sld [smem:$0x3FAF]  }
0x2f: {  	lr =	sadd.s32 s0, s3;
	s0 =	sld [smem:$0x3FA6]  }
0x30: {  	s3 =	sld [smem:$0x3FA9]  }
0x31: {  	[smem:$0x3FB2] =	sst s10  }
0x32: {  	s10 =	sld [smem:$0x3FB0];
	_ =	sdelay $0x3  }
0x33: {  	p0 =	seq.s32 s10, $0x1;
	s10 =	sld [smem:$0x3FB2];
	_ =	sdelay $0x3  }
0x34: {  	[smem:$0x3FB2] =	sst s10  }
0x35: {  	s10 =	sld [smem:$0x3FB1];
	_ =	sdelay $0x3  }
0x36: {  	p1 =	seq.s32 s10, $0x1;
	s10 =	sld [smem:$0x3FB2];
	_ =	sdelay $0x3  }
0x37: {  	[smem:$0x3FB2] =	sst s10  }
0x38: {  	s10 =	sld [smem:$0x3FB3]  }
0x39: {  	_ = 	snop;
	(pc) =	sbr.ind lr, $3  }
0x3a: {  	_ = 	snop  }
0x3b: {  	_ = 	snop  }
0x3c: {  	p2 =	seq.s32 s10, $0x1;
	s10 =	sld [smem:$0x3FB2]  }
0x3d: {  	_ =	shalt  }
0x3e: {  	_ =	shalt  }
0x3f: {  	_ =	shalt  }
0x40: {  	_ =	shalt  }
0x41: {  	_ =	shalt  }
0x42: {  	_ =	shalt  }
0x43: {  	_ =	shalt  }
0x44: {  	_ =	shalt  }
0x45: {  	_ =	shalt  }
0x46: {  	_ =	shalt  }
0x47: {  	_ =	shalt  }
0x48: {  	_ =	shalt  }
0x49: {  	_ =	shalt  }
0x4a: {  	_ =	shalt  }
0x4b: {  	_ =	shalt  }
0x4c: {  	_ =	shalt  }
0x4d: {  	_ =	shalt  }
0x4e: {  	_ =	shalt  }
0x4f: {  	_ =	shalt  }
0x50: {  	_ =	shalt  }
0x51: {  	_ =	shalt  }
0x52: {  	_ =	shalt  }
0x53: {  	_ =	shalt  }
0x54: {  	_ =	shalt  }
0x55: {  	_ =	shalt  }
0x56: {  	_ =	shalt  }
0x57: {  	_ =	shalt  }
0x58: {  	_ =	shalt  }
0x59: {  	_ =	shalt  }
0x5a: {  	_ =	shalt  }
0x5b: {  	_ =	shalt  }
0x5c: {  	_ =	shalt  }
0x5d: {  	_ =	shalt  }
0x5e: {  	_ =	shalt  }
0x5f: {  	_ =	shalt  }
0x60: {  	_ =	shalt  }
0x61: {  	_ =	shalt  }
0x62: {  	_ =	shalt  }
0x63: {  	_ =	shalt  }
0x64: {  	_ =	shalt  }
0x65: {  	_ =	shalt  }
0x66: {  	_ =	shalt  }
0x67: {  	_ =	shalt  }
0x68: {  	_ =	shalt  }
0x69: {  	_ =	shalt  }
0x6a: {  	_ =	shalt  }
0x6b: {  	_ =	shalt  }
0x6c: {  	_ =	shalt  }
0x6d: {  	_ =	shalt  }
0x6e: {  	_ =	shalt  }
0x6f: {  	_ =	shalt  }
0x70: {  	_ =	shalt  }
0x71: {  	_ =	shalt  }
0x72: {  	_ =	shalt  }
0x73: {  	_ =	shalt  }
0x74: {  	_ =	shalt  }
0x75: {  	_ =	shalt  }
0x76: {  	_ =	shalt  }
0x77: {  	_ =	shalt  }
0x78: {  	_ =	shalt  }
0x79: {  	_ =	shalt  }
0x7a: {  	_ =	shalt  }
0x7b: {  	_ =	shalt  }
0x7c: {  	_ =	shalt  }
0x7d: {  	_ =	shalt  }
0x7e: {  	_ =	shalt  }
0x7f: {  	_ =	shalt  }
0x80: {  	_ =	shalt  }
0x81: {  	_ =	shalt  }
0x82: {  	_ =	shalt  }
0x83: {  	_ =	shalt  }
0x84: {  	_ =	shalt  }
0x85: {  	_ =	shalt  }
0x86: {  	_ =	shalt  }
0x87: {  	_ =	shalt  }
.Lfunc_end0:
.L_simem_size_0:
called_computation.1_lowered:
.L_overlay_start_0:
0x88: {  	s2 =	sld [smem:$0x3FD9]  }
0x89: {  	s3 =	sld [smem:$0x3FFE];
	_ =	sdelay $0x1  }
0x8a: {  	s1 =	srdreg.scid  }
0x8b: {  	s0 =	sand.u32 $0x1, s1  }
0x8c: {  	s17 =	sshll.u32 s0, $0xA;
	s2 =	sadd.s32 s3, s2  }
0x8d: {  	s2 =	sadd.s32 s2, s17  }
0x8e: {  	[smem:$0x3FBE] =	sst s2  }
0x8f: {  	_ = 	snop  }
0x90: {  	s2 =	sld [smem:$0x3FD0];
	(tm) =	ssettm $0x1  }
0x91: {  	s18 =	sld [smem:$0x3FFB];
	_ =	sdelay $0x3  }
0x92: {  	_ =	strace s18  }
0x93: {  	s3 =	sld [smem:$0x3FFC];
	_ =	sdelay $0x3  }
0x94: {  	_ =	strace s3  }
0x95: {  	s3 =	sld [smem:$0x3FFD];
	_ =	sdelay $0x3  }
0x96: {  	_ =	strace s3  }
0x97: {  	_ =	strace $0x8FFFFFFF  }
0x98: {  	s19 =	sld [smem:$0x3FDB];
	_ =	sdelay $0x1  }
0x99: {  	s4 =	simm.s32 $_scs_section_size  }
0x9a: {  	s5 =	simm.s32 $_size__tile_overlayer_lowered;
	s6 =	simm.s32 $_tile_overlayer_lowered  }
0x9b: {  	s22 =	simm.s32 $0x1BFF;
	s21 =	sshll.u32 s6, $0x1;
	s3 =	sadd.s32 s4, s19  }
0x9c: {  	s7 =	simm.s32 $0x0;
	s20 =	sshll.u32 s5, $0x1;
	s5 =	sadd.s32 s21, s3  }
0x9d: {  	[timem:s7], [sflag:s22] =	dma.local [hbm:s5], s20  }
0x9e: {  	_ =	swait.ge [sflag:s22], s20  }
0x9f: {  	s4 =	ssub.s32 $0x0, s20;
	[sflag:s22] =	ssyncset.done $0x0  }
0xa0: {  	[sflag:s22] =	ssyncadd.s32 s4;
	_ =	sdelay $0x1  }
0xa1: {  	s23 =	simm.s32 $0x1B8B  }
0xa2: {  	_ =	swait.ge [sflag:s23], $0x1  }
0xa3: {  	[sflag:s23] =	ssyncset.done $0x0  }
0xa4: {  	s25 =	simm.s32 $0x1B8E;
	s24 =	sld [smem:$0x3FFE];
	[sflag:s23] =	ssyncadd.s32 $0xFFFFFFFF  }
0xa5: {  	s26 =	simm.s32 $execute0_lowered;
	[smem:$0x3FD2] =	sst s25  }
0xa6: {  	s5 =	sshll.u32 s26, $0x1;
	_ =	strace $0x80000049;
	[dreg:$0x1] =	wrdreg $0xFFFFFFFF  }
0xa7: {  	s28 =	simm.s32 $_size_execute0_lowered;
	s3 =	sadd.s32 s3, s5;
	[dreg:$0x0] =	wrdreg $0x0  }
0xa8: {  	s5 =	sshll.u32 s28, $0x1;
	[dreg:$0x2] =	wrdreg s3  }
0xa9: {  	[dreg:$0x3] =	wrdreg s5  }
0xaa: {  	[dreg:$0x4] =	wrdreg $0xC0  }
0xab: {  	_ =	task [dreg:s7], $0x5FFFF  }
0xac: {  	[dreg:$0x1] =	wrdreg $0xFFFFFFFF  }
0xad: {  	[dreg:$0x0] =	wrdreg $0x60  }
0xae: {  	[dreg:$0x2] =	wrdreg s2  }
0xaf: {  	[dreg:$0x3] =	wrdreg s24  }
0xb0: {  	[dreg:$0x4] =	wrdreg $0x83000  }
0xb1: {  	[dreg:$0x5] =	wrdreg $0x9  }
0xb2: {  	_ =	task.clear_ibuf [dreg:s7], $0x6FFFF;
	_ =	strace $0x90000049  }
0xb3: {  	s29 =	simm.s32 $0x9;
	_ =	strace $0x8000004B  }
0xb4: {  	_ =	swait.ge [sflag:s29], $0x1  }
0xb5: {  	[sflag:s29] =	ssyncadd.s32 $0xFFFFFFFF  }
0xb6: {  	_ =	strace $0x9000004B  }
0xb7: {  	_ =	sfence  }
0xb8: {  	s30 =	sld [smem:$0x0];
	_ =	sdelay $0x2  }
0xb9: {  	s31 =	sshll.u32 s1, $0xD;
	s1 =	sshrl.u32 s1, $0x2  }
0xba: {  	s3 =	sand.u32 $0x4000, s31;
	s1 =	sadd.s32 s1, s30  }
0xbb: {  	s0 =	sor.u32 s3, s0;
	s1 =	sshll.u32 s1, $0x11  }
0xbc: {  	s0 =	sor.u32 s1, s0  }
0xbd: {  	s0 =	sadd.s32 $0x8F2B, s0  }
0xbe: {  	[sflag:s0] =	ssyncadd.remote.s32 $0x1  }
0xbf: {  	_ =	sfence.sel $0xFFFF  }
0xc0: {  	[dreg:$0x0] =	wrdreg $0xFFFFFFFF;
	(pc) =	sbr.abs _section_cstart, $3  }
0xc1: {  	[dreg:$0x1] =	wrdreg $0xFFFFFFFF  }
0xc2: {  	_ =	task.clear_ibuf [dreg:s7], $0x2FFFF;
	_ =	strace $0x9FFFFFFF  }
0xc3: {  	(tm) =	ssettm $0x7FFFFFFF  }
tec
execute0_lowered:
.L_overlay_start_1:
0x0: {  	(tag) =	ssettag $0x1  }
0x1: {  	s1 =	rddreg [dreg:$0x0]  }
0x2: {  	s0 =	rddreg [dreg:$0x1]  }
0x3: {  	s2 =	rddreg [dreg:$0x2];
	s3 =	simm.s32 $0x0;
	s4 =	srdreg.scid  }
0x4: {  	s23 =	stileid.u32;
	s19 =	simm.s32 $0x100;
	s20 =	simm.s32 $0x80  }
0x5: {  	s21 =	simm.s32 $0x180;
	s22 =	simm.s32 $0x4300;
	s28 =	simm.s32 $0x10  }
0x6: {  	s29 =	simm.s32 $0x0;
	[smem:$0x7FF] =	sst s3;
	s8 =	smul.u32 $0x50000, s23  }
0x7: {  	s6 =	sand.u32 $0x1, s4;
	s16 =	sadd.s32 $0x2200, s0;
	s30 =	smul.u32 $0x2710, s23  }
0x8: {  	s15 =	sadd.s32 $0xC000, s0;
	_ =	strace $0x8000004A;
	s5 =	smul.u32 $0x28000, s6  }
0x9: {  	s7 =	sshll.u32 s6, $0x4;
	s25 =	ssub.s32 $0x2, s6;
	s11 =	smul.u32 $0x27100, s6  }
0xa: {  	s24 =	sor.u32 s23, s7;
	s8 =	sshrl.u32 s8, $0x2;
	s10 =	sshrl.u32 s25, $0x1  }
0xb: {  	s0 =	sadd.s32 s5, s0;
	s9 =	smul.u32 $0x2710, s24;
	s5 =	sadd.s32 s8, s2  }
0xc: {  	s12 =	ssub.s32 s25, s10;
	s14 =	sadd.s32 s30, s11;
	s24 =	smul.u32 $0x2800, s23  }
0xd: {  	s23 =	simm.s32 $0x1;
	s25 =	simm.s32 $0x200;
	s26 =	sadd.s32 $0x4000, s5  }
0xe: {  	s7 =	sadd.s32 $0x8000, s5;
	s8 =	sadd.s32 $0xC000, s5;
	s31 =	sadd.s32 $0x80, s14  }
0xf: {  	s0 =	sadd.s32 $0x15E00, s0;
	s12 =	smax.u32 s12, $0x1;
	s18 =	sshrl.u32 s14, $0x3  }
0x10: {  	[dreg:$0x4] =	wrdreg s26;
	s13 =	sshrl.u32 s9, $0x3;
	s9 =	sadd.s32 $0x10000, s5  }
0x11: {  	s17 =	sshrl.u32 s31, $0x3;
	s24 =	sadd.s32 s24, s0;
	s13 =	sadd.s32 $0x4E0, s13  }
0x12: {  	s26 =	simm.s32 $0x280;
	s14 =	sadd.s32 s17, s16;
	s10 =	sadd.s32 s16, s13  }
0x13: {  	s11 =	sadd.s32 s15, s13;
	s13 =	sadd.s32 s17, s15;
	s15 =	sadd.s32 s18, s15  }
0x14: {  	v0 =	vimm.f32 $0.0e+00;
	s16 =	sadd.s32 s18, s16;
	s17 =	simm.s32 $0x300;
	s18 =	simm.s32 $0x2  }
.LBB2_1:
0x15: {  	s30 =	simm.s32 $0x0;
	s31 =	simm.s32 $0x200  }
.LBB2_2:
0x16: {  	p0 =	sne.s32 s31, $0xFE00;
	[tilespmem:s30+$0x370] =	vst v0  }
0x17: {  	[tilespmem:s30+$0x300] =	vst v0  }
0x18: {  	[tilespmem:s30+$0x310] =	vst v0  }
.Ltmp0:
0x19: {  	[tilespmem:s30+$0x320] =	vst v0;
	(pc) =	sbr.rel @p0 .LBB2_2-.Ltmp0, $4  }
0x1a: {  	[tilespmem:s30+$0x330] =	vst v0  }
0x1b: {  	[tilespmem:s30+$0x340] =	vst v0  }
0x1c: {  	[tilespmem:s30+$0x350] =	vst v0  }
0x1d: {  	[tilespmem:s30+$0x360] =	vst v0;
	s30 =	sshra.s32 s31, $0x2;
	s31 =	sadd.s32 $0x200, s31  }
0x1e: {  	[tilespmem:s30+$0x370] =	vst v0  }
0x1f: {  	[tilespmem:s30+$0x300] =	vst v0  }
0x20: {  	[tilespmem:s30+$0x310] =	vst v0  }
0x21: {  	[tilespmem:s30+$0x320] =	vst v0  }
0x22: {  	[tilespmem:s30+$0x330] =	vst v0  }
0x23: {  	[tilespmem:s30+$0x340] =	vst v0  }
0x24: {  	[tilespmem:s30+$0x350] =	vst v0  }
0x25: {  	[tilespmem:s30+$0x360] =	vst v0  }
0x26: {  	[spmem:s5] =	stream.linear.scatter [tilespmem:s17], [sflag:$0x2], $0x4000, $0x38;
	[tilespmem:$0x1C300] =	vst v63  }
0x27: {  	_ =	swait.ge [sflag:s18], $0x4000  }
0x28: {  	[sflag:s18] =	ssyncset.done $0x0  }
0x29: {  	s0 =	rddreg [dreg:$0x4];
	[sflag:s18] =	ssyncadd.s32 $0xFFFFC000  }
0x2a: {  	[spmem:s0] =	stream.linear.scatter [tilespmem:s17], [sflag:$0x2], $0x4000, $0x38;
	[tilespmem:$0x1C300] =	vst v63  }
0x2b: {  	_ =	swait.ge [sflag:s18], $0x4000  }
0x2c: {  	[sflag:s18] =	ssyncset.done $0x0  }
0x2d: {  	[sflag:s18] =	ssyncadd.s32 $0xFFFFC000  }
0x2e: {  	[spmem:s7] =	stream.linear.scatter [tilespmem:s17], [sflag:$0x2], $0x4000, $0x38;
	[tilespmem:$0x1C300] =	vst v63  }
0x2f: {  	_ =	swait.ge [sflag:s18], $0x4000  }
0x30: {  	[sflag:s18] =	ssyncset.done $0x0  }
0x31: {  	[sflag:s18] =	ssyncadd.s32 $0xFFFFC000  }
0x32: {  	[spmem:s8] =	stream.linear.scatter [tilespmem:s17], [sflag:$0x2], $0x4000, $0x38;
	[tilespmem:$0x1C300] =	vst v63  }
0x33: {  	_ =	swait.ge [sflag:s18], $0x4000  }
0x34: {  	[sflag:s18] =	ssyncset.done $0x0  }
0x35: {  	[sflag:s18] =	ssyncadd.s32 $0xFFFFC000  }
0x36: {  	[spmem:s9] =	stream.linear.scatter [tilespmem:s17], [sflag:$0x2], $0x4000, $0x38;
	[tilespmem:$0x1C300] =	vst v63  }
0x37: {  	_ =	swait.ge [sflag:s18], $0x4000  }
0x38: {  	[sflag:s18] =	ssyncset.done $0x0  }
0x39: {  	[sflag:s18] =	ssyncadd.s32 $0xFFFFC000  }
0x3a: {  	s4 =	sadd.s32 $0x0, s16;
	[bflag:$0x0] =	sbarrier.arrive $0xFFFF  }
0x3b: {  	[tilespmem:s3], [sflag:$0x2] =	stream.linear.gather [hbm4b:s4+s3], $0x80, $0x38;
	[tilespmem:$0x1C300] =	vst v63  }
0x3c: {  	_ =	swait.ge [sflag:s18], $0x80  }
0x3d: {  	[sflag:s18] =	ssyncset.done $0x0  }
0x3e: {  	s6 =	sadd.s32 $0x0, s15;
	[sflag:s18] =	ssyncadd.s32 $0xFFFFFF80  }
0x3f: {  	[tilespmem:s19], [sflag:$0x2] =	stream.linear.gather [hbm4b:s6+s3], $0x80, $0x38;
	[tilespmem:$0x1C300] =	vst v63  }
0x40: {  	_ =	swait.ge [sflag:s18], $0x80  }
0x41: {  	[sflag:s18] =	ssyncset.done $0x0  }
0x42: {  	[sflag:s18] =	ssyncadd.s32 $0xFFFFFF80  }
0x43: {  	[tilespmem:s17], [sflag:$0x1] =	stream.indirect.gather [hbm4b:s1+s20], $0x80, s3, s20, $0xb8;
	[tilespmem:$0x1C300] =	vst v63  }
0x44: {  	s4 =	sadd.s32 $0x0, s14  }
0x45: {  	[tilespmem:s20], [sflag:$0x2] =	stream.linear.gather [hbm4b:s4+s3], $0x80, $0x38;
	[tilespmem:$0x1C300] =	vst v63  }
0x46: {  	_ =	swait.ge [sflag:s18], $0x80  }
0x47: {  	[sflag:s18] =	ssyncset.done $0x0  }
0x48: {  	s6 =	sadd.s32 $0x0, s13;
	[sflag:s18] =	ssyncadd.s32 $0xFFFFFF80  }
0x49: {  	[tilespmem:s21], [sflag:$0x2] =	stream.linear.gather [hbm4b:s6+s3], $0x80, $0x38;
	[tilespmem:$0x1C300] =	vst v63  }
0x4a: {  	_ =	swait.ge [sflag:s18], $0x80  }
0x4b: {  	[sflag:s18] =	ssyncset.done $0x0  }
0x4c: {  	[sflag:s18] =	ssyncadd.s32 $0xFFFFFF80  }
0x4d: {  	[tilespmem:s22], [sflag:$0x1] =	stream.indirect.gather [hbm4b:s1+s20], $0x80, s20, s20, $0xb8;
	[tilespmem:$0x1C300] =	vst v63  }
0x4e: {  	_ =	swait.ge [sflag:s23], $0x4000  }
0x4f: {  	[sflag:s23] =	ssyncset.done $0x0  }
0x50: {  	[sflag:s23] =	ssyncadd.s32 $0xFFFFC000  }
0x51: {  	[spmem:s2] =	stream.indirect.scatter.add.f32 [tilespmem:s17], [sflag:$0x2], $0x80, s19, s20, $0xb8;
	[tilespmem:$0x1C300] =	vst v63  }
0x52: {  	_ =	swait.ge [sflag:s18], $0x4000  }
0x53: {  	[sflag:s18] =	ssyncset.done $0x0  }
0x54: {  	[sflag:s18] =	ssyncadd.s32 $0xFFFFC000  }
0x55: {  	_ =	swait.ge [sflag:s23], $0x4000  }
0x56: {  	[sflag:s23] =	ssyncset.done $0x0  }
0x57: {  	[sflag:s23] =	ssyncadd.s32 $0xFFFFC000  }
0x58: {  	[spmem:s2] =	stream.indirect.scatter.add.f32 [tilespmem:s22], [sflag:$0x2], $0x80, s21, s20, $0xb8;
	[tilespmem:$0x1C300] =	vst v63  }
0x59: {  	_ =	swait.ge [sflag:s18], $0x4000  }
0x5a: {  	s30 =	simm.s32 $0x20;
	s31 =	simm.s32 $0x40;
	[sflag:s18] =	ssyncset.done $0x0  }
.LBB2_4:
0x5b: {  	s4 =	sadd.s32 s30, s16  }
0x5c: {  	[sflag:s18] =	ssyncadd.s32 $0xFFFFC000;
	s6 =	smov.u32 s31;
	s0 =	sadd.s32 $0x20, s31  }
0x5d: {  	[tilespmem:s3], [sflag:$0x2] =	stream.linear.gather [hbm4b:s4+s3], $0x80, $0x38;
	[tilespmem:$0x1C300] =	vst v63  }
0x5e: {  	p0 =	sne.s32 s31, $0x4C0;
	_ =	swait.ge [sflag:s18], $0x80  }
0x5f: {  	[sflag:s18] =	ssyncset.done $0x0  }
0x60: {  	s4 =	sadd.s32 s30, s15;
	[sflag:s18] =	ssyncadd.s32 $0xFFFFFF80  }
0x61: {  	[tilespmem:s19], [sflag:$0x2] =	stream.linear.gather [hbm4b:s4+s3], $0x80, $0x38;
	[tilespmem:$0x1C300] =	vst v63  }
0x62: {  	_ =	swait.ge [sflag:s18], $0x80  }
0x63: {  	[sflag:s18] =	ssyncset.done $0x0  }
0x64: {  	[sflag:s18] =	ssyncadd.s32 $0xFFFFFF80  }
0x65: {  	[tilespmem:s17], [sflag:$0x1] =	stream.indirect.gather [hbm4b:s1+s20], $0x80, s3, s20, $0xb8;
	[tilespmem:$0x1C300] =	vst v63  }
0x66: {  	s4 =	sadd.s32 s30, s14  }
0x67: {  	[tilespmem:s20], [sflag:$0x2] =	stream.linear.gather [hbm4b:s4+s3], $0x80, $0x38;
	[tilespmem:$0x1C300] =	vst v63  }
0x68: {  	_ =	swait.ge [sflag:s18], $0x80  }
0x69: {  	[sflag:s18] =	ssyncset.done $0x0  }
0x6a: {  	s4 =	sadd.s32 s30, s13;
	s30 =	smov.u32 s6;
	[sflag:s18] =	ssyncadd.s32 $0xFFFFFF80  }
0x6b: {  	[tilespmem:s21], [sflag:$0x2] =	stream.linear.gather [hbm4b:s4+s3], $0x80, $0x38;
	[tilespmem:$0x1C300] =	vst v63  }
0x6c: {  	_ =	swait.ge [sflag:s18], $0x80  }
0x6d: {  	[sflag:s18] =	ssyncset.done $0x0  }
0x6e: {  	[sflag:s18] =	ssyncadd.s32 $0xFFFFFF80  }
0x6f: {  	[tilespmem:s22], [sflag:$0x1] =	stream.indirect.gather [hbm4b:s1+s20], $0x80, s20, s20, $0xb8;
	[tilespmem:$0x1C300] =	vst v63  }
0x70: {  	_ =	swait.ge [sflag:s23], $0x4000  }
0x71: {  	[sflag:s23] =	ssyncset.done $0x0  }
0x72: {  	[sflag:s23] =	ssyncadd.s32 $0xFFFFC000  }
0x73: {  	[spmem:s2] =	stream.indirect.scatter.add.f32 [tilespmem:s17], [sflag:$0x2], $0x80, s19, s20, $0xb8;
	[tilespmem:$0x1C300] =	vst v63  }
0x74: {  	_ =	swait.ge [sflag:s18], $0x4000  }
0x75: {  	[sflag:s18] =	ssyncset.done $0x0  }
0x76: {  	[sflag:s18] =	ssyncadd.s32 $0xFFFFC000  }
0x77: {  	_ =	swait.ge [sflag:s23], $0x4000  }
.Ltmp1:
0x78: {  	[sflag:s23] =	ssyncset.done $0x0;
	(pc) =	sbr.rel @p0 .LBB2_4-.Ltmp1, $4  }
0x79: {  	[sflag:s23] =	ssyncadd.s32 $0xFFFFC000  }
0x7a: {  	[spmem:s2] =	stream.indirect.scatter.add.f32 [tilespmem:s22], [sflag:$0x2], $0x80, s21, s20, $0xb8;
	[tilespmem:$0x1C300] =	vst v63  }
0x7b: {  	_ =	swait.ge [sflag:s18], $0x4000  }
0x7c: {  	s31 =	smov.u32 s0;
	[sflag:s18] =	ssyncset.done $0x0  }
0x7d: {  	s0 =	sadd.s32 s30, s16;
	[sflag:s18] =	ssyncadd.s32 $0xFFFFC000  }
0x7e: {  	[tilespmem:s3], [sflag:$0x2] =	stream.linear.gather [hbm4b:s0+s3], $0x80, $0x38;
	[tilespmem:$0x1C300] =	vst v63  }
0x7f: {  	_ =	swait.ge [sflag:s18], $0x80  }
0x80: {  	[sflag:s18] =	ssyncset.done $0x0  }
0x81: {  	s4 =	sadd.s32 s30, s15;
	[sflag:s18] =	ssyncadd.s32 $0xFFFFFF80  }
0x82: {  	[tilespmem:s19], [sflag:$0x2] =	stream.linear.gather [hbm4b:s4+s3], $0x80, $0x38;
	[tilespmem:$0x1C300] =	vst v63  }
0x83: {  	_ =	swait.ge [sflag:s18], $0x80  }
0x84: {  	[sflag:s18] =	ssyncset.done $0x0  }
0x85: {  	[sflag:s18] =	ssyncadd.s32 $0xFFFFFF80  }
0x86: {  	[tilespmem:s17], [sflag:$0x1] =	stream.indirect.gather [hbm4b:s1+s20], $0x80, s3, s20, $0xb8;
	[tilespmem:$0x1C300] =	vst v63  }
0x87: {  	s6 =	sadd.s32 s30, s14  }
0x88: {  	[tilespmem:s20], [sflag:$0x2] =	stream.linear.gather [hbm4b:s6+s3], $0x80, $0x38;
	[tilespmem:$0x1C300] =	vst v63  }
0x89: {  	_ =	swait.ge [sflag:s18], $0x80  }
0x8a: {  	[sflag:s18] =	ssyncset.done $0x0  }
0x8b: {  	s30 =	sadd.s32 s30, s13;
	[sflag:s18] =	ssyncadd.s32 $0xFFFFFF80  }
0x8c: {  	[tilespmem:s21], [sflag:$0x2] =	stream.linear.gather [hbm4b:s30+s3], $0x80, $0x38;
	[tilespmem:$0x1C300] =	vst v63  }
0x8d: {  	_ =	swait.ge [sflag:s18], $0x80  }
0x8e: {  	[sflag:s18] =	ssyncset.done $0x0  }
0x8f: {  	[sflag:s18] =	ssyncadd.s32 $0xFFFFFF80  }
0x90: {  	[tilespmem:s22], [sflag:$0x1] =	stream.indirect.gather [hbm4b:s1+s20], $0x80, s20, s20, $0xb8;
	[tilespmem:$0x1C300] =	vst v63  }
0x91: {  	_ =	swait.ge [sflag:s23], $0x4000  }
0x92: {  	[sflag:s23] =	ssyncset.done $0x0  }
0x93: {  	[sflag:s23] =	ssyncadd.s32 $0xFFFFC000  }
0x94: {  	[spmem:s2] =	stream.indirect.scatter.add.f32 [tilespmem:s17], [sflag:$0x2], $0x80, s19, s20, $0xb8;
	[tilespmem:$0x1C300] =	vst v63  }
0x95: {  	_ =	swait.ge [sflag:s18], $0x4000  }
0x96: {  	[sflag:s18] =	ssyncset.done $0x0  }
0x97: {  	[sflag:s18] =	ssyncadd.s32 $0xFFFFC000  }
0x98: {  	_ =	swait.ge [sflag:s23], $0x4000  }
0x99: {  	[sflag:s23] =	ssyncset.done $0x0  }
0x9a: {  	[sflag:s23] =	ssyncadd.s32 $0xFFFFC000  }
0x9b: {  	[spmem:s2] =	stream.indirect.scatter.add.f32 [tilespmem:s22], [sflag:$0x2], $0x80, s21, s20, $0xb8;
	[tilespmem:$0x1C300] =	vst v63  }
0x9c: {  	_ =	swait.ge [sflag:s18], $0x4000  }
0x9d: {  	[sflag:s18] =	ssyncset.done $0x0  }
0x9e: {  	[sflag:s18] =	ssyncadd.s32 $0xFFFFC000  }
0x9f: {  	[tilespmem:s25], [sflag:$0x2] =	stream.linear.gather [hbm4b:s10+s3], $0x10, $0x38;
	[tilespmem:$0x1C300] =	vst v63  }
0xa0: {  	_ =	swait.ge [sflag:s18], $0x10  }
0xa1: {  	[sflag:s18] =	ssyncset.done $0x0  }
0xa2: {  	[sflag:s18] =	ssyncadd.s32 $0xFFFFFFF0  }
0xa3: {  	[tilespmem:s26], [sflag:$0x2] =	stream.linear.gather [hbm4b:s11+s3], $0x10, $0x38;
	[tilespmem:$0x1C300] =	vst v63  }
0xa4: {  	_ =	swait.ge [sflag:s18], $0x10  }
0xa5: {  	[sflag:s18] =	ssyncset.done $0x0  }
0xa6: {  	[sflag:s18] =	ssyncadd.s32 $0xFFFFFFF0  }
0xa7: {  	[tilespmem:s17], [sflag:$0x1] =	stream.indirect.gather [hbm4b:s1+s28], $0x80, s25, s28, $0xb8;
	[tilespmem:$0x1C300] =	vst v63  }
0xa8: {  	_ =	swait.ge [sflag:s23], $0x800  }
0xa9: {  	[sflag:s23] =	ssyncset.done $0x0  }
0xaa: {  	[sflag:s23] =	ssyncadd.s32 $0xFFFFF800  }
0xab: {  	[spmem:s2] =	stream.indirect.scatter.add.f32 [tilespmem:s17], [sflag:$0x2], $0x80, s26, s28, $0xb8;
	[tilespmem:$0x1C300] =	vst v63  }
0xac: {  	s31 =	stileid.u32;
	_ =	swait.ge [sflag:s18], $0x800  }
0xad: {  	s29 =	sadd.s32 $0x1, s29;
	s0 =	sshll.u32 s31, $0x6;
	[sflag:s18] =	ssyncset.done $0x0  }
0xae: {  	p0 =	sne.s32 s29, s12;
	s0 =	sor.u32 $0x1C02, s0;
	[sflag:s18] =	ssyncadd.s32 $0xFFFFF800  }
.Ltmp2:
0xaf: {  	s4 =	sshrl.u32 s5, $0x3;
	[bflag:$0x0] =	sbarrier.arrive $0xFFFF;
	(pc) =	sbr.rel @p0 .LBB2_1-.Ltmp2, $4  }
0xb0: {  	[hbm:s24], [sflag:s0] =	dma.local [spmem:s4], $0x2800  }
0xb1: {  	_ =	swait.ge [sflag:s18], $0x2800  }
0xb2: {  	[sflag:s18] =	ssyncset.done $0x0  }
0xb3: {  	[sflag:s18] =	ssyncadd.s32 $0xFFFFD800  }
0xb4: {  	_ =	sfence.sel $0x180000  }
0xb5: {  	[bflag:$0x0] =	sbarrier.arrive $0xFFFF  }
0xb6: {  	_ =	strace $0x9000004A  }
0xb7: {  	s0 =	stileid.u32;
	[bflag:$0x2] =	sbarrier.arrive $0xFFFF  }
0xb8: {  	p0 =	sne.s32 s0, $0x0;
	s0 =	rddreg [dreg:$0x3]  }
0xb9: {  	s0 =	sadd.s32 @!p0 $0x100000, s0  }
0xba: {  	[sflag:s0] =	ssyncadd.tile.s32 @!p0 $0x1;
	_ =	shalt  }
.Lfunc_end2:
_tile_overlayer_lowered:
.L_overlay_start_2:
0xbb: {  	(tag) =	ssettag $0x2  }
0xbc: {  	s0 =	rddreg [dreg:$0x0];
	s2 =	stileid.u32  }
0xbd: {  	s1 =	rddreg [dreg:$0x1];
	p0 =	sne.s32 s2, $0x0  }
0xbe: {  	s3 =	rddreg [dreg:$0x2];
	[bflag:$0x3] =	sbarrier.arrive $0xFFFF;
	s2 =	simm.s32 @!p0 $0x1C02  }
0xbf: {  	[timem:s3], [sflag:s2] =	dma.local @!p0 [hbm:s0], s1  }
0xc0: {  	s0 =	simm.s32 @!p0 $0x2  }
0xc1: {  	_ =	swait.ge @!p0 [sflag:s0], s1  }
0xc2: {  	s1 =	ssub.s32 @!p0 $0x0, s1;
	[sflag:s0] =	ssyncset.done @!p0 $0x0  }
0xc3: {  	[sflag:s0] =	ssyncadd.s32 @!p0 s1  }
0xc4: {  	[bflag:$0x3] =	sbarrier.arrive $0xFFFF  }
0xc5: {  	_ =	shalt  }

// kernel: kernel.17.cloned.1.call-start
scs
__scs_entry_jumppad:
0x0: {  	(pc) =	sbr.rel $0x88, $3  }
0x1: {  	(tag) =	ssettag $0x0;
	lr =	simm.s32 $0x1  }
0x2: {  	[smem:$0x3F97] =	sst lr;
	_ =	strace $0xD0000000  }
0x3: {  	_ = 	snop  }
0x4: {  	_ = 	snop  }
0x5: {  	_ = 	snop  }
0x6: {  	_ = 	snop  }
0x7: {  	_ = 	snop  }
__scs_overlays_trampoline_lowered:
0x8: {  	[smem:$0x3FA6] =	sst s0  }
0x9: {  	[smem:$0x3FA7] =	sst s1  }
0xa: {  	[smem:$0x3FA8] =	sst s2  }
0xb: {  	[smem:$0x3FA9] =	sst s3  }
0xc: {  	[smem:$0x3FAA] =	sst s4  }
0xd: {  	[smem:$0x3FAB] =	sst s5  }
0xe: {  	[smem:$0x3FAC] =	sst s6  }
0xf: {  	[smem:$0x3FAD] =	sst s7  }
0x10: {  	[smem:$0x3FAE] =	sst s8  }
0x11: {  	[smem:$0x3FAF] =	sst s9;
	s0 =	simm.s32 @!p0 $0x0  }
0x12: {  	s1 =	sld [smem:$0x3F95];
	s0 =	simm.s32 @p0 $0x1  }
0x13: {  	[smem:$0x3FB0] =	sst s0;
	s0 =	simm.s32 @!p1 $0x0  }
0x14: {  	s2 =	sld [smem:$0x3F94];
	s0 =	simm.s32 @p1 $0x1  }
0x15: {  	[smem:$0x3FB1] =	sst s0;
	s0 =	simm.s32 @!p2 $0x0  }
0x16: {  	s3 =	sld [smem:$0x3FDB];
	s0 =	simm.s32 @p2 $0x1  }
0x17: {  	s4 =	simm.s32 $0x1BF5;
	[smem:$0x3FB3] =	sst s0  }
0x18: {  	s0 =	sld [smem:$0x3F96];
	_ =	swait.ge [sflag:s4], $0x0  }
0x19: {  	s7 =	sld [smem:$0x3F97]  }
0x1a: {  	s8 =	sadd.s32 $0xFFFFE003, lr  }
0x1b: {  	s9 =	sadd.s32 $0xFFFFFEF7, lr;
	s5 =	simm.s32 $0xFFFFFFFF;
	p2 =	slt.u32 s8, $0xFFFFF086  }
0x1c: {  	p1 =	slt.u32 s9, $0xF7A;
	s5 =	simm.s32 @!p2 $0x0  }
0x1d: {  	s5 =	simm.s32 @p1 $0x1;
	p0 =	seq.s32 s7, s2  }
0x1e: {  	s7 =	smul.u32 @!p0 $0xF7A, s2;
	p2 =	seq.s32 @!p0 s5, $0x0  }
0x1f: {  	s9 =	smul.u32 $0xF7A, s1;
	s8 =	simm.s32 @!p0 $0x1BF5;
	p2 =	por !p2, p0  }
0x20: {  	[sflag:s8] =	ssyncset.s32 @!p0 $0xFFFFF086;
	s6 =	sadd.s32 @!p0 s3, s7;
	s7 =	simm.s32 @!p0 $0x108  }
0x21: {  	s3 =	sadd.s32 s3, s9;
	s6 =	sadd.s32 @!p0 $0x88, s6;
	s7 =	simm.s32 @p2 $0x1082  }
0x22: {  	[simem:s7], [sflag:s8] =	dma.local @!p0 [hbm:s6], $0xF7A  }
0x23: {  	s9 =	sor.u32 $0xD0000000, s2;
	s6 =	simm.s32 $0x108;
	_ =	swait.ge @!p0 [sflag:s8], $0x0  }
0x24: {  	s3 =	sadd.s32 $0x88, s3;
	s6 =	simm.s32 @!p1 $0x1082;
	[sflag:s4] =	ssyncset.s32 $0xFFFFF086  }
0x25: {  	[simem:s6], [sflag:s4] =	dma.local [hbm:s3], $0xF7A  }
0x26: {  	[smem:$0x3F97] =	sst s1;
	(tag) =	ssettag s2;
	_ =	strace s9  }
0x27: {  	s1 =	sld [smem:$0x3FA7]  }
0x28: {  	s2 =	sld [smem:$0x3FA8]  }
0x29: {  	s4 =	sld [smem:$0x3FAA]  }
0x2a: {  	p0 =	seq.s32 s5, $0x0;
	s5 =	sld [smem:$0x3FAB]  }
0x2b: {  	s6 =	sld [smem:$0x3FAC]  }
0x2c: {  	s7 =	sld [smem:$0x3FAD]  }
0x2d: {  	s3 =	simm.s32 $0x108;
	s8 =	sld [smem:$0x3FAE]  }
0x2e: {  	s3 =	simm.s32 @!p0 $0x1082;
	s9 =	sld [smem:$0x3FAF]  }
0x2f: {  	lr =	sadd.s32 s0, s3;
	s0 =	sld [smem:$0x3FA6]  }
0x30: {  	s3 =	sld [smem:$0x3FA9]  }
0x31: {  	[smem:$0x3FB2] =	sst s10  }
0x32: {  	s10 =	sld [smem:$0x3FB0];
	_ =	sdelay $0x3  }
0x33: {  	p0 =	seq.s32 s10, $0x1;
	s10 =	sld [smem:$0x3FB2];
	_ =	sdelay $0x3  }
0x34: {  	[smem:$0x3FB2] =	sst s10  }
0x35: {  	s10 =	sld [smem:$0x3FB1];
	_ =	sdelay $0x3  }
0x36: {  	p1 =	seq.s32 s10, $0x1;
	s10 =	sld [smem:$0x3FB2];
	_ =	sdelay $0x3  }
0x37: {  	[smem:$0x3FB2] =	sst s10  }
0x38: {  	s10 =	sld [smem:$0x3FB3]  }
0x39: {  	_ = 	snop;
	(pc) =	sbr.ind lr, $3  }
0x3a: {  	_ = 	snop  }
0x3b: {  	_ = 	snop  }
0x3c: {  	p2 =	seq.s32 s10, $0x1;
	s10 =	sld [smem:$0x3FB2]  }
0x3d: {  	_ =	shalt  }
0x3e: {  	_ =	shalt  }
0x3f: {  	_ =	shalt  }
0x40: {  	_ =	shalt  }
0x41: {  	_ =	shalt  }
0x42: {  	_ =	shalt  }
0x43: {  	_ =	shalt  }
0x44: {  	_ =	shalt  }
0x45: {  	_ =	shalt  }
0x46: {  	_ =	shalt  }
0x47: {  	_ =	shalt  }
0x48: {  	_ =	shalt  }
0x49: {  	_ =	shalt  }
0x4a: {  	_ =	shalt  }
0x4b: {  	_ =	shalt  }
0x4c: {  	_ =	shalt  }
0x4d: {  	_ =	shalt  }
0x4e: {  	_ =	shalt  }
0x4f: {  	_ =	shalt  }
0x50: {  	_ =	shalt  }
0x51: {  	_ =	shalt  }
0x52: {  	_ =	shalt  }
0x53: {  	_ =	shalt  }
0x54: {  	_ =	shalt  }
0x55: {  	_ =	shalt  }
0x56: {  	_ =	shalt  }
0x57: {  	_ =	shalt  }
0x58: {  	_ =	shalt  }
0x59: {  	_ =	shalt  }
0x5a: {  	_ =	shalt  }
0x5b: {  	_ =	shalt  }
0x5c: {  	_ =	shalt  }
0x5d: {  	_ =	shalt  }
0x5e: {  	_ =	shalt  }
0x5f: {  	_ =	shalt  }
0x60: {  	_ =	shalt  }
0x61: {  	_ =	shalt  }
0x62: {  	_ =	shalt  }
0x63: {  	_ =	shalt  }
0x64: {  	_ =	shalt  }
0x65: {  	_ =	shalt  }
0x66: {  	_ =	shalt  }
0x67: {  	_ =	shalt  }
0x68: {  	_ =	shalt  }
0x69: {  	_ =	shalt  }
0x6a: {  	_ =	shalt  }
0x6b: {  	_ =	shalt  }
0x6c: {  	_ =	shalt  }
0x6d: {  	_ =	shalt  }
0x6e: {  	_ =	shalt  }
0x6f: {  	_ =	shalt  }
0x70: {  	_ =	shalt  }
0x71: {  	_ =	shalt  }
0x72: {  	_ =	shalt  }
0x73: {  	_ =	shalt  }
0x74: {  	_ =	shalt  }
0x75: {  	_ =	shalt  }
0x76: {  	_ =	shalt  }
0x77: {  	_ =	shalt  }
0x78: {  	_ =	shalt  }
0x79: {  	_ =	shalt  }
0x7a: {  	_ =	shalt  }
0x7b: {  	_ =	shalt  }
0x7c: {  	_ =	shalt  }
0x7d: {  	_ =	shalt  }
0x7e: {  	_ =	shalt  }
0x7f: {  	_ =	shalt  }
0x80: {  	_ =	shalt  }
0x81: {  	_ =	shalt  }
0x82: {  	_ =	shalt  }
0x83: {  	_ =	shalt  }
0x84: {  	_ =	shalt  }
0x85: {  	_ =	shalt  }
0x86: {  	_ =	shalt  }
0x87: {  	_ =	shalt  }
.Lfunc_end0:
.L_simem_size_0:
called_computation.2_lowered:
.L_overlay_start_0:
0x88: {  	s2 =	sld [smem:$0x3FD9]  }
0x89: {  	s3 =	sld [smem:$0x3FFE];
	_ =	sdelay $0x1  }
0x8a: {  	s1 =	srdreg.scid  }
0x8b: {  	s0 =	sand.u32 $0x1, s1  }
0x8c: {  	s17 =	sshll.u32 s0, $0xA;
	s2 =	sadd.s32 s3, s2  }
0x8d: {  	s2 =	sadd.s32 s2, s17  }
0x8e: {  	[smem:$0x3FBE] =	sst s2  }
0x8f: {  	_ = 	snop  }
0x90: {  	s2 =	sld [smem:$0x3FD0];
	(tm) =	ssettm $0x1  }
0x91: {  	s18 =	sld [smem:$0x3FFB];
	_ =	sdelay $0x3  }
0x92: {  	_ =	strace s18  }
0x93: {  	s3 =	sld [smem:$0x3FFC];
	_ =	sdelay $0x3  }
0x94: {  	_ =	strace s3  }
0x95: {  	s3 =	sld [smem:$0x3FFD];
	_ =	sdelay $0x3  }
0x96: {  	_ =	strace s3  }
0x97: {  	_ =	strace $0x8FFFFFFF  }
0x98: {  	s19 =	sld [smem:$0x3FDB];
	_ =	sdelay $0x1  }
0x99: {  	s4 =	simm.s32 $_scs_section_size  }
0x9a: {  	s5 =	simm.s32 $_size__tile_overlayer_lowered;
	s6 =	simm.s32 $_tile_overlayer_lowered  }
0x9b: {  	s22 =	simm.s32 $0x1BFF;
	s21 =	sshll.u32 s6, $0x1;
	s3 =	sadd.s32 s4, s19  }
0x9c: {  	s7 =	simm.s32 $0x0;
	s20 =	sshll.u32 s5, $0x1;
	s5 =	sadd.s32 s21, s3  }
0x9d: {  	[timem:s7], [sflag:s22] =	dma.local [hbm:s5], s20  }
0x9e: {  	_ =	swait.ge [sflag:s22], s20  }
0x9f: {  	s4 =	ssub.s32 $0x0, s20;
	[sflag:s22] =	ssyncset.done $0x0  }
0xa0: {  	[sflag:s22] =	ssyncadd.s32 s4;
	_ =	sdelay $0x1  }
0xa1: {  	s23 =	simm.s32 $0x1B8B  }
0xa2: {  	_ =	swait.ge [sflag:s23], $0x1  }
0xa3: {  	[sflag:s23] =	ssyncset.done $0x0  }
0xa4: {  	s25 =	simm.s32 $0x1B8E;
	s24 =	sld [smem:$0x3FFE];
	[sflag:s23] =	ssyncadd.s32 $0xFFFFFFFF  }
0xa5: {  	s26 =	simm.s32 $execute0_lowered;
	[smem:$0x3FD2] =	sst s25  }
0xa6: {  	s5 =	sshll.u32 s26, $0x1;
	_ =	strace $0x8000004C;
	[dreg:$0x1] =	wrdreg $0xFFFFFFFF  }
0xa7: {  	s28 =	simm.s32 $_size_execute0_lowered;
	s3 =	sadd.s32 s3, s5;
	[dreg:$0x0] =	wrdreg $0x0  }
0xa8: {  	s5 =	sshll.u32 s28, $0x1;
	[dreg:$0x2] =	wrdreg s3  }
0xa9: {  	[dreg:$0x3] =	wrdreg s5  }
0xaa: {  	[dreg:$0x4] =	wrdreg $0xC0  }
0xab: {  	_ =	task [dreg:s7], $0x5FFFF  }
0xac: {  	[dreg:$0x1] =	wrdreg $0xFFFFFFFF  }
0xad: {  	[dreg:$0x0] =	wrdreg $0x60  }
0xae: {  	[dreg:$0x2] =	wrdreg s2  }
0xaf: {  	[dreg:$0x3] =	wrdreg s24  }
0xb0: {  	[dreg:$0x4] =	wrdreg $0x83000  }
0xb1: {  	[dreg:$0x5] =	wrdreg $0x9  }
0xb2: {  	_ =	task.clear_ibuf [dreg:s7], $0x6FFFF;
	_ =	strace $0x9000004C  }
0xb3: {  	s29 =	simm.s32 $0x9;
	_ =	strace $0x8000004E  }
0xb4: {  	_ =	swait.ge [sflag:s29], $0x1  }
0xb5: {  	[sflag:s29] =	ssyncadd.s32 $0xFFFFFFFF  }
0xb6: {  	_ =	strace $0x9000004E  }
0xb7: {  	_ =	sfence  }
0xb8: {  	s30 =	sld [smem:$0x0];
	_ =	sdelay $0x2  }
0xb9: {  	s31 =	sshll.u32 s1, $0xD;
	s1 =	sshrl.u32 s1, $0x2  }
0xba: {  	s3 =	sand.u32 $0x4000, s31;
	s1 =	sadd.s32 s1, s30  }
0xbb: {  	s0 =	sor.u32 s3, s0;
	s1 =	sshll.u32 s1, $0x11  }
0xbc: {  	s0 =	sor.u32 s1, s0  }
0xbd: {  	s0 =	sadd.s32 $0x8F2B, s0  }
0xbe: {  	[sflag:s0] =	ssyncadd.remote.s32 $0x1  }
0xbf: {  	_ =	sfence.sel $0xFFFF  }
0xc0: {  	[dreg:$0x0] =	wrdreg $0xFFFFFFFF;
	(pc) =	sbr.abs _section_cstart, $3  }
0xc1: {  	[dreg:$0x1] =	wrdreg $0xFFFFFFFF  }
0xc2: {  	_ =	task.clear_ibuf [dreg:s7], $0x2FFFF;
	_ =	strace $0x9FFFFFFF  }
0xc3: {  	(tm) =	ssettm $0x7FFFFFFF  }
tec
execute0_lowered:
.L_overlay_start_1:
0x0: {  	(tag) =	ssettag $0x1  }
0x1: {  	s1 =	rddreg [dreg:$0x0]  }
0x2: {  	s0 =	rddreg [dreg:$0x1]  }
0x3: {  	s2 =	rddreg [dreg:$0x2];
	s3 =	simm.s32 $0x0;
	s4 =	srdreg.scid  }
0x4: {  	s23 =	stileid.u32;
	s19 =	simm.s32 $0x100;
	s20 =	simm.s32 $0x80  }
0x5: {  	s21 =	simm.s32 $0x180;
	s22 =	simm.s32 $0x4300;
	s28 =	simm.s32 $0x10  }
0x6: {  	s29 =	simm.s32 $0x0;
	[smem:$0x7FF] =	sst s3;
	s8 =	smul.u32 $0x50000, s23  }
0x7: {  	s6 =	sand.u32 $0x1, s4;
	s16 =	sadd.s32 $0x2200, s0;
	s30 =	smul.u32 $0x2710, s23  }
0x8: {  	s15 =	sadd.s32 $0xC000, s0;
	_ =	strace $0x8000004D;
	s5 =	smul.u32 $0x28000, s6  }
0x9: {  	s7 =	sshll.u32 s6, $0x4;
	s25 =	ssub.s32 $0x2, s6;
	s11 =	smul.u32 $0x27100, s6  }
0xa: {  	s24 =	sor.u32 s23, s7;
	s8 =	sshrl.u32 s8, $0x2;
	s10 =	sshrl.u32 s25, $0x1  }
0xb: {  	s0 =	sadd.s32 s5, s0;
	s9 =	smul.u32 $0x2710, s24;
	s5 =	sadd.s32 s8, s2  }
0xc: {  	s12 =	ssub.s32 s25, s10;
	s14 =	sadd.s32 s30, s11;
	s24 =	smul.u32 $0x2800, s23  }
0xd: {  	s23 =	simm.s32 $0x1;
	s25 =	simm.s32 $0x200;
	s26 =	sadd.s32 $0x4000, s5  }
0xe: {  	s7 =	sadd.s32 $0x8000, s5;
	s8 =	sadd.s32 $0xC000, s5;
	s31 =	sadd.s32 $0x80, s14  }
0xf: {  	s0 =	sadd.s32 $0x15E00, s0;
	s12 =	smax.u32 s12, $0x1;
	s18 =	sshrl.u32 s14, $0x3  }
0x10: {  	[dreg:$0x4] =	wrdreg s26;
	s13 =	sshrl.u32 s9, $0x3;
	s9 =	sadd.s32 $0x10000, s5  }
0x11: {  	s17 =	sshrl.u32 s31, $0x3;
	s24 =	sadd.s32 s24, s0;
	s13 =	sadd.s32 $0x4E0, s13  }
0x12: {  	s26 =	simm.s32 $0x280;
	s14 =	sadd.s32 s17, s16;
	s10 =	sadd.s32 s16, s13  }
0x13: {  	s11 =	sadd.s32 s15, s13;
	s13 =	sadd.s32 s17, s15;
	s15 =	sadd.s32 s18, s15  }
0x14: {  	v0 =	vimm.f32 $0.0e+00;
	s16 =	sadd.s32 s18, s16;
	s17 =	simm.s32 $0x300;
	s18 =	simm.s32 $0x2  }
.LBB2_1:
0x15: {  	s30 =	simm.s32 $0x0;
	s31 =	simm.s32 $0x200  }
.LBB2_2:
0x16: {  	p0 =	sne.s32 s31, $0xFE00;
	[tilespmem:s30+$0x370] =	vst v0  }
0x17: {  	[tilespmem:s30+$0x300] =	vst v0  }
0x18: {  	[tilespmem:s30+$0x310] =	vst v0  }
.Ltmp0:
0x19: {  	[tilespmem:s30+$0x320] =	vst v0;
	(pc) =	sbr.rel @p0 .LBB2_2-.Ltmp0, $4  }
0x1a: {  	[tilespmem:s30+$0x330] =	vst v0  }
0x1b: {  	[tilespmem:s30+$0x340] =	vst v0  }
0x1c: {  	[tilespmem:s30+$0x350] =	vst v0  }
0x1d: {  	[tilespmem:s30+$0x360] =	vst v0;
	s30 =	sshra.s32 s31, $0x2;
	s31 =	sadd.s32 $0x200, s31  }
0x1e: {  	[tilespmem:s30+$0x370] =	vst v0  }
0x1f: {  	[tilespmem:s30+$0x300] =	vst v0  }
0x20: {  	[tilespmem:s30+$0x310] =	vst v0  }
0x21: {  	[tilespmem:s30+$0x320] =	vst v0  }
0x22: {  	[tilespmem:s30+$0x330] =	vst v0  }
0x23: {  	[tilespmem:s30+$0x340] =	vst v0  }
0x24: {  	[tilespmem:s30+$0x350] =	vst v0  }
0x25: {  	[tilespmem:s30+$0x360] =	vst v0  }
0x26: {  	[spmem:s5] =	stream.linear.scatter [tilespmem:s17], [sflag:$0x2], $0x4000, $0x38;
	[tilespmem:$0x1C300] =	vst v63  }
0x27: {  	_ =	swait.ge [sflag:s18], $0x4000  }
0x28: {  	[sflag:s18] =	ssyncset.done $0x0  }
0x29: {  	s0 =	rddreg [dreg:$0x4];
	[sflag:s18] =	ssyncadd.s32 $0xFFFFC000  }
0x2a: {  	[spmem:s0] =	stream.linear.scatter [tilespmem:s17], [sflag:$0x2], $0x4000, $0x38;
	[tilespmem:$0x1C300] =	vst v63  }
0x2b: {  	_ =	swait.ge [sflag:s18], $0x4000  }
0x2c: {  	[sflag:s18] =	ssyncset.done $0x0  }
0x2d: {  	[sflag:s18] =	ssyncadd.s32 $0xFFFFC000  }
0x2e: {  	[spmem:s7] =	stream.linear.scatter [tilespmem:s17], [sflag:$0x2], $0x4000, $0x38;
	[tilespmem:$0x1C300] =	vst v63  }
0x2f: {  	_ =	swait.ge [sflag:s18], $0x4000  }
0x30: {  	[sflag:s18] =	ssyncset.done $0x0  }
0x31: {  	[sflag:s18] =	ssyncadd.s32 $0xFFFFC000  }
0x32: {  	[spmem:s8] =	stream.linear.scatter [tilespmem:s17], [sflag:$0x2], $0x4000, $0x38;
	[tilespmem:$0x1C300] =	vst v63  }
0x33: {  	_ =	swait.ge [sflag:s18], $0x4000  }
0x34: {  	[sflag:s18] =	ssyncset.done $0x0  }
0x35: {  	[sflag:s18] =	ssyncadd.s32 $0xFFFFC000  }
0x36: {  	[spmem:s9] =	stream.linear.scatter [tilespmem:s17], [sflag:$0x2], $0x4000, $0x38;
	[tilespmem:$0x1C300] =	vst v63  }
0x37: {  	_ =	swait.ge [sflag:s18], $0x4000  }
0x38: {  	[sflag:s18] =	ssyncset.done $0x0  }
0x39: {  	[sflag:s18] =	ssyncadd.s32 $0xFFFFC000  }
0x3a: {  	s4 =	sadd.s32 $0x0, s16;
	[bflag:$0x0] =	sbarrier.arrive $0xFFFF  }
0x3b: {  	[tilespmem:s3], [sflag:$0x2] =	stream.linear.gather [hbm4b:s4+s3], $0x80, $0x38;
	[tilespmem:$0x1C300] =	vst v63  }
0x3c: {  	_ =	swait.ge [sflag:s18], $0x80  }
0x3d: {  	[sflag:s18] =	ssyncset.done $0x0  }
0x3e: {  	s6 =	sadd.s32 $0x0, s15;
	[sflag:s18] =	ssyncadd.s32 $0xFFFFFF80  }
0x3f: {  	[tilespmem:s19], [sflag:$0x2] =	stream.linear.gather [hbm4b:s6+s3], $0x80, $0x38;
	[tilespmem:$0x1C300] =	vst v63  }
0x40: {  	_ =	swait.ge [sflag:s18], $0x80  }
0x41: {  	[sflag:s18] =	ssyncset.done $0x0  }
0x42: {  	[sflag:s18] =	ssyncadd.s32 $0xFFFFFF80  }
0x43: {  	[tilespmem:s17], [sflag:$0x1] =	stream.indirect.gather [hbm4b:s1+s20], $0x80, s3, s20, $0xb8;
	[tilespmem:$0x1C300] =	vst v63  }
0x44: {  	s4 =	sadd.s32 $0x0, s14  }
0x45: {  	[tilespmem:s20], [sflag:$0x2] =	stream.linear.gather [hbm4b:s4+s3], $0x80, $0x38;
	[tilespmem:$0x1C300] =	vst v63  }
0x46: {  	_ =	swait.ge [sflag:s18], $0x80  }
0x47: {  	[sflag:s18] =	ssyncset.done $0x0  }
0x48: {  	s6 =	sadd.s32 $0x0, s13;
	[sflag:s18] =	ssyncadd.s32 $0xFFFFFF80  }
0x49: {  	[tilespmem:s21], [sflag:$0x2] =	stream.linear.gather [hbm4b:s6+s3], $0x80, $0x38;
	[tilespmem:$0x1C300] =	vst v63  }
0x4a: {  	_ =	swait.ge [sflag:s18], $0x80  }
0x4b: {  	[sflag:s18] =	ssyncset.done $0x0  }
0x4c: {  	[sflag:s18] =	ssyncadd.s32 $0xFFFFFF80  }
0x4d: {  	[tilespmem:s22], [sflag:$0x1] =	stream.indirect.gather [hbm4b:s1+s20], $0x80, s20, s20, $0xb8;
	[tilespmem:$0x1C300] =	vst v63  }
0x4e: {  	_ =	swait.ge [sflag:s23], $0x4000  }
0x4f: {  	[sflag:s23] =	ssyncset.done $0x0  }
0x50: {  	[sflag:s23] =	ssyncadd.s32 $0xFFFFC000  }
0x51: {  	[spmem:s2] =	stream.indirect.scatter.add.f32 [tilespmem:s17], [sflag:$0x2], $0x80, s19, s20, $0xb8;
	[tilespmem:$0x1C300] =	vst v63  }
0x52: {  	_ =	swait.ge [sflag:s18], $0x4000  }
0x53: {  	[sflag:s18] =	ssyncset.done $0x0  }
0x54: {  	[sflag:s18] =	ssyncadd.s32 $0xFFFFC000  }
0x55: {  	_ =	swait.ge [sflag:s23], $0x4000  }
0x56: {  	[sflag:s23] =	ssyncset.done $0x0  }
0x57: {  	[sflag:s23] =	ssyncadd.s32 $0xFFFFC000  }
0x58: {  	[spmem:s2] =	stream.indirect.scatter.add.f32 [tilespmem:s22], [sflag:$0x2], $0x80, s21, s20, $0xb8;
	[tilespmem:$0x1C300] =	vst v63  }
0x59: {  	_ =	swait.ge [sflag:s18], $0x4000  }
0x5a: {  	s30 =	simm.s32 $0x20;
	s31 =	simm.s32 $0x40;
	[sflag:s18] =	ssyncset.done $0x0  }
.LBB2_4:
0x5b: {  	s4 =	sadd.s32 s30, s16  }
0x5c: {  	[sflag:s18] =	ssyncadd.s32 $0xFFFFC000;
	s6 =	smov.u32 s31;
	s0 =	sadd.s32 $0x20, s31  }
0x5d: {  	[tilespmem:s3], [sflag:$0x2] =	stream.linear.gather [hbm4b:s4+s3], $0x80, $0x38;
	[tilespmem:$0x1C300] =	vst v63  }
0x5e: {  	p0 =	sne.s32 s31, $0x4C0;
	_ =	swait.ge [sflag:s18], $0x80  }
0x5f: {  	[sflag:s18] =	ssyncset.done $0x0  }
0x60: {  	s4 =	sadd.s32 s30, s15;
	[sflag:s18] =	ssyncadd.s32 $0xFFFFFF80  }
0x61: {  	[tilespmem:s19], [sflag:$0x2] =	stream.linear.gather [hbm4b:s4+s3], $0x80, $0x38;
	[tilespmem:$0x1C300] =	vst v63  }
0x62: {  	_ =	swait.ge [sflag:s18], $0x80  }
0x63: {  	[sflag:s18] =	ssyncset.done $0x0  }
0x64: {  	[sflag:s18] =	ssyncadd.s32 $0xFFFFFF80  }
0x65: {  	[tilespmem:s17], [sflag:$0x1] =	stream.indirect.gather [hbm4b:s1+s20], $0x80, s3, s20, $0xb8;
	[tilespmem:$0x1C300] =	vst v63  }
0x66: {  	s4 =	sadd.s32 s30, s14  }
0x67: {  	[tilespmem:s20], [sflag:$0x2] =	stream.linear.gather [hbm4b:s4+s3], $0x80, $0x38;
	[tilespmem:$0x1C300] =	vst v63  }
0x68: {  	_ =	swait.ge [sflag:s18], $0x80  }
0x69: {  	[sflag:s18] =	ssyncset.done $0x0  }
0x6a: {  	s4 =	sadd.s32 s30, s13;
	s30 =	smov.u32 s6;
	[sflag:s18] =	ssyncadd.s32 $0xFFFFFF80  }
0x6b: {  	[tilespmem:s21], [sflag:$0x2] =	stream.linear.gather [hbm4b:s4+s3], $0x80, $0x38;
	[tilespmem:$0x1C300] =	vst v63  }
0x6c: {  	_ =	swait.ge [sflag:s18], $0x80  }
0x6d: {  	[sflag:s18] =	ssyncset.done $0x0  }
0x6e: {  	[sflag:s18] =	ssyncadd.s32 $0xFFFFFF80  }
0x6f: {  	[tilespmem:s22], [sflag:$0x1] =	stream.indirect.gather [hbm4b:s1+s20], $0x80, s20, s20, $0xb8;
	[tilespmem:$0x1C300] =	vst v63  }
0x70: {  	_ =	swait.ge [sflag:s23], $0x4000  }
0x71: {  	[sflag:s23] =	ssyncset.done $0x0  }
0x72: {  	[sflag:s23] =	ssyncadd.s32 $0xFFFFC000  }
0x73: {  	[spmem:s2] =	stream.indirect.scatter.add.f32 [tilespmem:s17], [sflag:$0x2], $0x80, s19, s20, $0xb8;
	[tilespmem:$0x1C300] =	vst v63  }
0x74: {  	_ =	swait.ge [sflag:s18], $0x4000  }
0x75: {  	[sflag:s18] =	ssyncset.done $0x0  }
0x76: {  	[sflag:s18] =	ssyncadd.s32 $0xFFFFC000  }
0x77: {  	_ =	swait.ge [sflag:s23], $0x4000  }
.Ltmp1:
0x78: {  	[sflag:s23] =	ssyncset.done $0x0;
	(pc) =	sbr.rel @p0 .LBB2_4-.Ltmp1, $4  }
0x79: {  	[sflag:s23] =	ssyncadd.s32 $0xFFFFC000  }
0x7a: {  	[spmem:s2] =	stream.indirect.scatter.add.f32 [tilespmem:s22], [sflag:$0x2], $0x80, s21, s20, $0xb8;
	[tilespmem:$0x1C300] =	vst v63  }
0x7b: {  	_ =	swait.ge [sflag:s18], $0x4000  }
0x7c: {  	s31 =	smov.u32 s0;
	[sflag:s18] =	ssyncset.done $0x0  }
0x7d: {  	s0 =	sadd.s32 s30, s16;
	[sflag:s18] =	ssyncadd.s32 $0xFFFFC000  }
0x7e: {  	[tilespmem:s3], [sflag:$0x2] =	stream.linear.gather [hbm4b:s0+s3], $0x80, $0x38;
	[tilespmem:$0x1C300] =	vst v63  }
0x7f: {  	_ =	swait.ge [sflag:s18], $0x80  }
0x80: {  	[sflag:s18] =	ssyncset.done $0x0  }
0x81: {  	s4 =	sadd.s32 s30, s15;
	[sflag:s18] =	ssyncadd.s32 $0xFFFFFF80  }
0x82: {  	[tilespmem:s19], [sflag:$0x2] =	stream.linear.gather [hbm4b:s4+s3], $0x80, $0x38;
	[tilespmem:$0x1C300] =	vst v63  }
0x83: {  	_ =	swait.ge [sflag:s18], $0x80  }
0x84: {  	[sflag:s18] =	ssyncset.done $0x0  }
0x85: {  	[sflag:s18] =	ssyncadd.s32 $0xFFFFFF80  }
0x86: {  	[tilespmem:s17], [sflag:$0x1] =	stream.indirect.gather [hbm4b:s1+s20], $0x80, s3, s20, $0xb8;
	[tilespmem:$0x1C300] =	vst v63  }
0x87: {  	s6 =	sadd.s32 s30, s14  }
0x88: {  	[tilespmem:s20], [sflag:$0x2] =	stream.linear.gather [hbm4b:s6+s3], $0x80, $0x38;
	[tilespmem:$0x1C300] =	vst v63  }
0x89: {  	_ =	swait.ge [sflag:s18], $0x80  }
0x8a: {  	[sflag:s18] =	ssyncset.done $0x0  }
0x8b: {  	s30 =	sadd.s32 s30, s13;
	[sflag:s18] =	ssyncadd.s32 $0xFFFFFF80  }
0x8c: {  	[tilespmem:s21], [sflag:$0x2] =	stream.linear.gather [hbm4b:s30+s3], $0x80, $0x38;
	[tilespmem:$0x1C300] =	vst v63  }
0x8d: {  	_ =	swait.ge [sflag:s18], $0x80  }
0x8e: {  	[sflag:s18] =	ssyncset.done $0x0  }
0x8f: {  	[sflag:s18] =	ssyncadd.s32 $0xFFFFFF80  }
0x90: {  	[tilespmem:s22], [sflag:$0x1] =	stream.indirect.gather [hbm4b:s1+s20], $0x80, s20, s20, $0xb8;
	[tilespmem:$0x1C300] =	vst v63  }
0x91: {  	_ =	swait.ge [sflag:s23], $0x4000  }
0x92: {  	[sflag:s23] =	ssyncset.done $0x0  }
0x93: {  	[sflag:s23] =	ssyncadd.s32 $0xFFFFC000  }
0x94: {  	[spmem:s2] =	stream.indirect.scatter.add.f32 [tilespmem:s17], [sflag:$0x2], $0x80, s19, s20, $0xb8;
	[tilespmem:$0x1C300] =	vst v63  }
0x95: {  	_ =	swait.ge [sflag:s18], $0x4000  }
0x96: {  	[sflag:s18] =	ssyncset.done $0x0  }
0x97: {  	[sflag:s18] =	ssyncadd.s32 $0xFFFFC000  }
0x98: {  	_ =	swait.ge [sflag:s23], $0x4000  }
0x99: {  	[sflag:s23] =	ssyncset.done $0x0  }
0x9a: {  	[sflag:s23] =	ssyncadd.s32 $0xFFFFC000  }
0x9b: {  	[spmem:s2] =	stream.indirect.scatter.add.f32 [tilespmem:s22], [sflag:$0x2], $0x80, s21, s20, $0xb8;
	[tilespmem:$0x1C300] =	vst v63  }
0x9c: {  	_ =	swait.ge [sflag:s18], $0x4000  }
0x9d: {  	[sflag:s18] =	ssyncset.done $0x0  }
0x9e: {  	[sflag:s18] =	ssyncadd.s32 $0xFFFFC000  }
0x9f: {  	[tilespmem:s25], [sflag:$0x2] =	stream.linear.gather [hbm4b:s10+s3], $0x10, $0x38;
	[tilespmem:$0x1C300] =	vst v63  }
0xa0: {  	_ =	swait.ge [sflag:s18], $0x10  }
0xa1: {  	[sflag:s18] =	ssyncset.done $0x0  }
0xa2: {  	[sflag:s18] =	ssyncadd.s32 $0xFFFFFFF0  }
0xa3: {  	[tilespmem:s26], [sflag:$0x2] =	stream.linear.gather [hbm4b:s11+s3], $0x10, $0x38;
	[tilespmem:$0x1C300] =	vst v63  }
0xa4: {  	_ =	swait.ge [sflag:s18], $0x10  }
0xa5: {  	[sflag:s18] =	ssyncset.done $0x0  }
0xa6: {  	[sflag:s18] =	ssyncadd.s32 $0xFFFFFFF0  }
0xa7: {  	[tilespmem:s17], [sflag:$0x1] =	stream.indirect.gather [hbm4b:s1+s28], $0x80, s25, s28, $0xb8;
	[tilespmem:$0x1C300] =	vst v63  }
0xa8: {  	_ =	swait.ge [sflag:s23], $0x800  }
0xa9: {  	[sflag:s23] =	ssyncset.done $0x0  }
0xaa: {  	[sflag:s23] =	ssyncadd.s32 $0xFFFFF800  }
0xab: {  	[spmem:s2] =	stream.indirect.scatter.add.f32 [tilespmem:s17], [sflag:$0x2], $0x80, s26, s28, $0xb8;
	[tilespmem:$0x1C300] =	vst v63  }
0xac: {  	s31 =	stileid.u32;
	_ =	swait.ge [sflag:s18], $0x800  }
0xad: {  	s29 =	sadd.s32 $0x1, s29;
	s0 =	sshll.u32 s31, $0x6;
	[sflag:s18] =	ssyncset.done $0x0  }
0xae: {  	p0 =	sne.s32 s29, s12;
	s0 =	sor.u32 $0x1C02, s0;
	[sflag:s18] =	ssyncadd.s32 $0xFFFFF800  }
.Ltmp2:
0xaf: {  	s4 =	sshrl.u32 s5, $0x3;
	[bflag:$0x0] =	sbarrier.arrive $0xFFFF;
	(pc) =	sbr.rel @p0 .LBB2_1-.Ltmp2, $4  }
0xb0: {  	[hbm:s24], [sflag:s0] =	dma.local [spmem:s4], $0x2800  }
0xb1: {  	_ =	swait.ge [sflag:s18], $0x2800  }
0xb2: {  	[sflag:s18] =	ssyncset.done $0x0  }
0xb3: {  	[sflag:s18] =	ssyncadd.s32 $0xFFFFD800  }
0xb4: {  	_ =	sfence.sel $0x180000  }
0xb5: {  	[bflag:$0x0] =	sbarrier.arrive $0xFFFF  }
0xb6: {  	_ =	strace $0x9000004D  }
0xb7: {  	s0 =	stileid.u32;
	[bflag:$0x2] =	sbarrier.arrive $0xFFFF  }
0xb8: {  	p0 =	sne.s32 s0, $0x0;
	s0 =	rddreg [dreg:$0x3]  }
0xb9: {  	s0 =	sadd.s32 @!p0 $0x100000, s0  }
0xba: {  	[sflag:s0] =	ssyncadd.tile.s32 @!p0 $0x1;
	_ =	shalt  }
.Lfunc_end2:
_tile_overlayer_lowered:
.L_overlay_start_2:
0xbb: {  	(tag) =	ssettag $0x2  }
0xbc: {  	s0 =	rddreg [dreg:$0x0];
	s2 =	stileid.u32  }
0xbd: {  	s1 =	rddreg [dreg:$0x1];
	p0 =	sne.s32 s2, $0x0  }
0xbe: {  	s3 =	rddreg [dreg:$0x2];
	[bflag:$0x3] =	sbarrier.arrive $0xFFFF;
	s2 =	simm.s32 @!p0 $0x1C02  }
0xbf: {  	[timem:s3], [sflag:s2] =	dma.local @!p0 [hbm:s0], s1  }
0xc0: {  	s0 =	simm.s32 @!p0 $0x2  }
0xc1: {  	_ =	swait.ge @!p0 [sflag:s0], s1  }
0xc2: {  	s1 =	ssub.s32 @!p0 $0x0, s1;
	[sflag:s0] =	ssyncset.done @!p0 $0x0  }
0xc3: {  	[sflag:s0] =	ssyncadd.s32 @!p0 s1  }
0xc4: {  	[bflag:$0x3] =	sbarrier.arrive $0xFFFF  }
0xc5: {  	_ =	shalt  }

</sc_bundles>
